<compile_context>
chip_gen: v7x
topology: tpu7x:2x2x1
jax: 0.10.2.dev20260603
libtpu: 0.0.44.dev20260713+nightly
codegen_flags: <defaults>
</compile_context>

<pallas_src>
import math

import numpy as np

import jax
import jax.numpy as jnp
from jax import lax
from jax.experimental import pallas as pl
from jax.experimental.pallas import tpu as pltpu
from jax.experimental.pallas import tpu_sc as plsc

C = 128
CQ = C // 4
N = 10000
E = 320000
NC, NS = 2, 16
CHUNK = 128
NCHUNK = 2 * math.ceil(2 * E / (NS * CHUNK * 2))
EP = NS * CHUNK * NCHUNK
ROWS_PT = 626
N_PAD = NS * ROWS_PT

_WB_CHUNKS = ((0, 128), (128, 128), (256, 128), (384, 128), (512, 114))


def _sc_body(xt_hbm, src_hbm, dst_hbm, s_out, cnt_out,
             src_v, dst_v, ig0_v, ig1_v, rows0_v, rows1_v,
             ones_v, zrows_v, zcnt_v, s_sh, cnt_sh, g0, g1):
    core = lax.axis_index("c")
    sub = lax.axis_index("s")

    zero16 = jnp.zeros((16,), jnp.float32)
    one16 = jnp.ones((16,), jnp.float32)

    def zrow(r, _):
        zrows_v[r, pl.ds(0, 16)] = zero16
        zrows_v[r, pl.ds(16, 16)] = zero16
        return 0
    lax.fori_loop(0, CHUNK, zrow, 0)

    def zcrow(r, _):
        zcnt_v[r, :] = zero16
        ones_v[r, :] = one16
        return 0
    lax.fori_loop(0, CHUNK, zcrow, 0)

    r0 = sub * ROWS_PT
    pltpu.sync_copy(dst_hbm.at[sub], dst_v)
    pltpu.sync_copy(src_hbm.at[sub], src_v)

    def gwait(buf, s):
        pltpu.make_async_copy(xt_hbm.at[pl.ds(0, CHUNK)], buf, s).wait()

    for p in range(2):
        for off, sz in _WB_CHUNKS:
            pltpu.sync_copy(zrows_v.at[pl.ds(0, sz)],
                            s_sh.at[pl.ds(r0 + off, sz)])
        if p == 0:
            for off, sz in _WB_CHUNKS:
                pltpu.sync_copy(zcnt_v.at[pl.ds(0, sz)],
                                cnt_sh.at[pl.ds(r0 + off, sz)])
        plsc.subcore_barrier()

        do_cnt = (p == 0)
        qoff = ((core * 2 + p) * N_PAD).astype(jnp.int32)
        off16 = jnp.zeros((16,), jnp.int32) + qoff

        def fill_ig(ig, c):
            for w in range(CHUNK // 16):
                sl = pl.ds(w * 16, 16)
                ig[sl] = src_v[c, sl] + off16

        fill_ig(ig0_v, 0)
        pltpu.async_copy(xt_hbm.at[ig0_v], rows0_v, g0)

        def body2(h, _):
            c = h * 2
            fill_ig(ig1_v, c + 1)
            pltpu.async_copy(xt_hbm.at[ig1_v], rows1_v, g1)
            gwait(rows0_v, g0)
            pltpu.sync_copy(rows0_v, s_sh.at[dst_v.at[c]], add=True)
            if do_cnt:
                pltpu.sync_copy(ones_v, cnt_sh.at[dst_v.at[c]], add=True)
            nxt = jnp.minimum(c + 2, NCHUNK - 2)
            fill_ig(ig0_v, nxt)
            pltpu.async_copy(xt_hbm.at[ig0_v], rows0_v, g0)
            gwait(rows1_v, g1)
            pltpu.sync_copy(rows1_v, s_sh.at[dst_v.at[c + 1]], add=True)
            if do_cnt:
                pltpu.sync_copy(ones_v, cnt_sh.at[dst_v.at[c + 1]], add=True)
            return 0
        lax.fori_loop(0, NCHUNK // 2, body2, 0)
        gwait(rows0_v, g0)

        plsc.subcore_barrier()

        qbase = (core * 2 + p) * N_PAD + r0
        for off, sz in _WB_CHUNKS:
            pltpu.sync_copy(s_sh.at[pl.ds(r0 + off, sz)],
                            rows0_v.at[pl.ds(0, sz)])
            pltpu.sync_copy(rows0_v.at[pl.ds(0, sz)],
                            s_out.at[pl.ds(qbase + off, sz)])
        if p == 0:
            cbase = core * N_PAD + r0
            for off, sz in _WB_CHUNKS:
                pltpu.sync_copy(cnt_sh.at[pl.ds(r0 + off, sz)],
                                zcnt_v.at[pl.ds(0, sz)])
                pltpu.sync_copy(zcnt_v.at[pl.ds(0, sz)],
                                cnt_out.at[pl.ds(cbase + off, sz)])
        plsc.subcore_barrier()


_sc_accumulate = pl.kernel(
    _sc_body,
    out_type=[
        jax.ShapeDtypeStruct((4 * N_PAD, CQ), jnp.float32),
        jax.ShapeDtypeStruct((NC * N_PAD, 16), jnp.float32),
    ],
    mesh=plsc.VectorSubcoreMesh(
        core_axis_name="c", subcore_axis_name="s",
        num_cores=NC, num_subcores=NS),
    scratch_types=[
        pltpu.VMEM((NCHUNK, CHUNK), jnp.int32),
        pltpu.VMEM((NCHUNK, CHUNK), jnp.int32),
        pltpu.VMEM((CHUNK,), jnp.int32),
        pltpu.VMEM((CHUNK,), jnp.int32),
        pltpu.VMEM((CHUNK, CQ), jnp.float32),
        pltpu.VMEM((CHUNK, CQ), jnp.float32),
        pltpu.VMEM((CHUNK, 16), jnp.float32),
        pltpu.VMEM((CHUNK, CQ), jnp.float32),
        pltpu.VMEM((CHUNK, 16), jnp.float32),
        pltpu.VMEM_SHARED((N_PAD, CQ), jnp.float32),
        pltpu.VMEM_SHARED((N_PAD, 16), jnp.float32),
        pltpu.SemaphoreType.DMA,
        pltpu.SemaphoreType.DMA,
    ],
    compiler_params=pltpu.CompilerParams(use_tc_tiling_on_sc=False),
)

_NBLK = 128
_NB = -(-N_PAD // _NBLK)


def _combine_body(x_ref, s_ref, cnt_ref, eye_ref, o_ref):
    ident = eye_ref[...]
    dn = (((0,), (0,)), ((), ()))
    hp = jax.lax.Precision.HIGHEST
    feats = jnp.concatenate(
        [lax.dot_general(s_ref[q], ident, dn, precision=hp) for q in range(4)],
        axis=0)
    cnt_t = lax.dot_general(cnt_ref[:, 0:1], ident, dn, precision=hp)
    o_ref[...] = (cnt_t * x_ref[0] - feats)[None]


_combine = pl.pallas_call(
    _combine_body,
    grid=(_NB,),
    in_specs=[
        pl.BlockSpec((1, C, _NBLK), lambda i: (0, 0, i)),
        pl.BlockSpec((4, _NBLK, CQ), lambda i: (0, i, 0)),
        pl.BlockSpec((_NBLK, 16), lambda i: (i, 0)),
        pl.BlockSpec((_NBLK, _NBLK), lambda i: (0, 0)),
    ],
    out_specs=pl.BlockSpec((1, C, _NBLK), lambda i: (0, 0, i)),
    out_shape=jax.ShapeDtypeStruct((1, C, N), jnp.float32),
)


_EYE = np.eye(_NBLK, dtype=np.float32)


@jax.jit
def kernel(x, iInd, jInd):
    xp = jnp.pad(x[0], ((0, 0), (0, N_PAD - N)))
    xtc = xp.reshape(4, CQ, N_PAD).transpose(0, 2, 1).reshape(4 * N_PAD, CQ)

    pad = jnp.full((EP - 2 * E,), N, jnp.int32)
    src = jnp.concatenate([jInd, iInd, pad]).reshape(NS, NCHUNK, CHUNK)
    dst = jnp.concatenate([iInd, jInd, pad]).reshape(NS, NCHUNK, CHUNK)

    s_p, cnt_p = _sc_accumulate(xtc, src, dst)
    s_q = s_p.reshape(4, N_PAD, CQ)
    return _combine(x, s_q, cnt_p, _EYE)

# --- scband reference (transcript-rebuilt; emitter-appended) ---
"""Pipeline reference for scband-graph-23622320128649 (READ-ONLY COPY).

The authoritative reference and input builder live on the scoring server;
editing this copy changes nothing except your own understanding.
"""

import jax, jax.numpy as jnp
import numpy as np

B, C, N, E = 1, 128, 10000, 320000

def setup_inputs(seed: int = 0) -> dict:
    key = jax.random.key(seed)
    k1, k2, k3 = jax.random.split(key, 3)
    x = jax.random.normal(k1, (B, C, N), dtype=jnp.float32)
    iInd = jax.random.randint(k2, (E,), 0, N, dtype=jnp.int32)
    jInd = jax.random.randint(k3, (E,), 0, N, dtype=jnp.int32)
    return {"x": x, "iInd": iInd, "jInd": jInd}

def reference(x, iInd, jInd):
    # nodeLap: g = nodeGrad(x); d = edgeDiv(g)
    # nodeGrad: gather endpoint features along node axis and subtract
    g = x[:, :, iInd] - x[:, :, jInd]
    # edgeDiv: scatter-add +g into iInd rows and -g into jInd rows (node axis)
    out = jnp.zeros((x.shape[0], x.shape[1], N), dtype=x.dtype)
    out = out.at[:, :, iInd].add(g)
    out = out.at[:, :, jInd].add(-g)
    return out

if __name__ == "__main__":
    import jax
    _d = setup_inputs()
    print(jax.jit(kernel)(*tuple(_d.values())))

</pallas_src>

<mosaic_0001>
#map = affine_map<(d0, d1) -> (0, 0)>
#map1 = affine_map<(d0, d1) -> (0, 0, 0)>
module attributes {stable_mosaic.version = 14 : i64} {
  func.func @_sc_body(%arg0: i32, %arg1: i32, %arg2: memref<40064x32xf32, #tpu.memory_space<hbm>>, %arg3: memref<16x314x128xi32, #tpu.memory_space<hbm>>, %arg4: memref<16x314x128xi32, #tpu.memory_space<hbm>>, %arg5: memref<40064x32xf32, #tpu.memory_space<hbm>>, %arg6: memref<20032x16xf32, #tpu.memory_space<hbm>>, %arg7: memref<314x128xi32, #tpu.memory_space<vmem>>, %arg8: memref<314x128xi32, #tpu.memory_space<vmem>>, %arg9: memref<128xi32, #tpu.memory_space<vmem>>, %arg10: memref<128xi32, #tpu.memory_space<vmem>>, %arg11: memref<128x32xf32, #tpu.memory_space<vmem>>, %arg12: memref<128x32xf32, #tpu.memory_space<vmem>>, %arg13: memref<128x16xf32, #tpu.memory_space<vmem>>, %arg14: memref<128x32xf32, #tpu.memory_space<vmem>>, %arg15: memref<128x16xf32, #tpu.memory_space<vmem>>, %arg16: memref<10016x32xf32, #tpu.memory_space<vmem_shared>>, %arg17: memref<10016x16xf32, #tpu.memory_space<vmem_shared>>, %arg18: memref<!tpu.dma_semaphore, #tpu.memory_space<semaphore_mem>>, %arg19: memref<!tpu.dma_semaphore, #tpu.memory_space<semaphore_mem>>) attributes {dimension_semantics = [#tpu.dimension_semantics<core_parallel>, #tpu.dimension_semantics<subcore_parallel>], iteration_bounds = array<i64: 2, 16>, scalar_prefetch = 0 : i64, scratch_operands = 13 : i64, tpu.core_type = #tpu.core_type<sc_vector_subcore>, window_params = [{transform_indices = #map}, {transform_indices = #map1}, {transform_indices = #map1}, {transform_indices = #map}, {transform_indices = #map}]} {
    %broadcast_in_dim3A = arith.constant 0.000000e+00 : f32
    %broadcast_in_dim3A_0 = vector.broadcast %broadcast_in_dim3A : f32 to vector<16xf32>
    %broadcast_in_dim3A_1 = arith.constant 1.000000e+00 : f32
    %broadcast_in_dim3A_2 = vector.broadcast %broadcast_in_dim3A_1 : f32 to vector<16xf32>
    %scan3A = arith.constant 0 : i32
    %scan3A_3 = arith.constant 0 : i32
    %scan3A_4 = arith.constant 128 : i32
    %scan3A_5 = arith.addi %scan3A_3, %scan3A_4 : i32
    %scan3A_6 = arith.constant 1 : i32
    %scan3A_7 = scf.for %scan3A_336 = %scan3A_3 to %scan3A_5 step %scan3A_6 iter_args(%scan3A_337 = %scan3A) -> (i32)  : i32 {
      %swap3A_338 = arith.index_cast %scan3A_336 : i32 to index
      %swap3A_339 = arith.constant 0 : index
      %swap3A_340 = tpu.vector_load %arg14[%swap3A_338, %swap3A_339] {strides = array<i32>} : memref<128x32xf32, #tpu.memory_space<vmem>>, vector<1x16xf32>,
      %swap3A_341 = vector.shape_cast %swap3A_340 : vector<1x16xf32> to vector<16xf32>
      %swap3A_342 = vector.shape_cast %broadcast_in_dim3A_0 : vector<16xf32> to vector<1x16xf32>
      tpu.vector_store %arg14[%swap3A_338, %swap3A_339], %swap3A_342 {strides = array<i32>} : memref<128x32xf32, #tpu.memory_space<vmem>>, vector<1x16xf32>,
      %swap3A_343 = arith.index_cast %scan3A_336 : i32 to index
      %swap3A_344 = arith.constant 16 : index
      %swap3A_345 = tpu.vector_load %arg14[%swap3A_343, %swap3A_344] {strides = array<i32>} : memref<128x32xf32, #tpu.memory_space<vmem>>, vector<1x16xf32>,
      %swap3A_346 = vector.shape_cast %swap3A_345 : vector<1x16xf32> to vector<16xf32>
      %swap3A_347 = vector.shape_cast %broadcast_in_dim3A_0 : vector<16xf32> to vector<1x16xf32>
      tpu.vector_store %arg14[%swap3A_343, %swap3A_344], %swap3A_347 {strides = array<i32>} : memref<128x32xf32, #tpu.memory_space<vmem>>, vector<1x16xf32>,
      %scan3A_348 = arith.constant 0 : i32
      scf.yield %scan3A_348 : i32
    }
    %scan3A_8 = arith.constant 128 : i32
    %scan3A_9 = arith.constant 0 : i32
    %scan3A_10 = arith.constant 0 : i32
    %scan3A_11 = arith.constant 128 : i32
    %scan3A_12 = arith.addi %scan3A_10, %scan3A_11 : i32
    %scan3A_13 = arith.constant 1 : i32
    %scan3A_14 = scf.for %scan3A_336 = %scan3A_10 to %scan3A_12 step %scan3A_13 iter_args(%scan3A_337 = %scan3A_9) -> (i32)  : i32 {
      %swap3A_338 = arith.index_cast %scan3A_336 : i32 to index
      %swap3A_339 = arith.constant 0 : index
      %swap3A_340 = tpu.vector_load %arg15[%swap3A_338, %swap3A_339] {strides = array<i32>} : memref<128x16xf32, #tpu.memory_space<vmem>>, vector<1x16xf32>,
      %swap3A_341 = vector.shape_cast %swap3A_340 : vector<1x16xf32> to vector<16xf32>
      %swap3A_342 = vector.shape_cast %broadcast_in_dim3A_0 : vector<16xf32> to vector<1x16xf32>
      tpu.vector_store %arg15[%swap3A_338, %swap3A_339], %swap3A_342 {strides = array<i32>} : memref<128x16xf32, #tpu.memory_space<vmem>>, vector<1x16xf32>,
      %swap3A_343 = arith.index_cast %scan3A_336 : i32 to index
      %swap3A_344 = arith.constant 0 : index
      %swap3A_345 = tpu.vector_load %arg13[%swap3A_343, %swap3A_344] {strides = array<i32>} : memref<128x16xf32, #tpu.memory_space<vmem>>, vector<1x16xf32>,
      %swap3A_346 = vector.shape_cast %swap3A_345 : vector<1x16xf32> to vector<16xf32>
      %swap3A_347 = vector.shape_cast %broadcast_in_dim3A_2 : vector<16xf32> to vector<1x16xf32>
      tpu.vector_store %arg13[%swap3A_343, %swap3A_344], %swap3A_347 {strides = array<i32>} : memref<128x16xf32, #tpu.memory_space<vmem>>, vector<1x16xf32>,
      %scan3A_348 = arith.constant 0 : i32
      scf.yield %scan3A_348 : i32
    }
    %scan3A_15 = arith.constant 128 : i32
    %mul3A = arith.constant 626 : i32
    %mul3A_16 = arith.muli %arg1, %mul3A : i32
    "tpu.region"() ({
      %run_scoped3A = tpu.sem_alloc : memref<!tpu.dma_semaphore, #tpu.memory_space<semaphore_mem>>
      %dma_start3A_336 = arith.constant 0 : i32
      %dma_start3A_337 = arith.constant 0 : i32
      %dma_start3A_338 = tpu.memref_slice %arg4[%arg1, %dma_start3A_336, %dma_start3A_337] : memref<16x314x128xi32, #tpu.memory_space<hbm>> -> memref<1x314x128xi32, #tpu.memory_space<hbm>>
      %dma_start3A_339 = tpu.memref_squeeze %dma_start3A_338 : memref<1x314x128xi32, #tpu.memory_space<hbm>> -> memref<314x128xi32, #tpu.memory_space<hbm>>
      %dma_start3A_340 = arith.constant 0 : i32
      %dma_start3A_341 = arith.constant 0 : i32
      %dma_start3A_342 = tpu.memref_slice %arg4[%arg1, %dma_start3A_340, %dma_start3A_341] : memref<16x314x128xi32, #tpu.memory_space<hbm>> -> memref<1x314x128xi32, #tpu.memory_space<hbm>>
      %dma_start3A_343 = tpu.memref_squeeze %dma_start3A_342 : memref<1x314x128xi32, #tpu.memory_space<hbm>> -> memref<314x128xi32, #tpu.memory_space<hbm>>
      tpu.enqueue_dma source(%dma_start3A_343 : memref<314x128xi32, #tpu.memory_space<hbm>>) target(%arg8 : memref<314x128xi32, #tpu.memory_space<vmem>>) target_semaphore(%run_scoped3A : memref<!tpu.dma_semaphore, #tpu.memory_space<semaphore_mem>>)
      %dma_wait3A_344 = arith.constant 0 : i32
      %dma_wait3A_345 = arith.constant 0 : i32
      %dma_wait3A_346 = tpu.memref_slice %arg4[%arg1, %dma_wait3A_344, %dma_wait3A_345] : memref<16x314x128xi32, #tpu.memory_space<hbm>> -> memref<1x314x128xi32, #tpu.memory_space<hbm>>
      %dma_wait3A_347 = tpu.memref_squeeze %dma_wait3A_346 : memref<1x314x128xi32, #tpu.memory_space<hbm>> -> memref<314x128xi32, #tpu.memory_space<hbm>>
      %dma_wait3A_348 = arith.constant 0 : i32
      %dma_wait3A_349 = arith.constant 0 : i32
      %dma_wait3A_350 = tpu.memref_slice %arg4[%arg1, %dma_wait3A_348, %dma_wait3A_349] : memref<16x314x128xi32, #tpu.memory_space<hbm>> -> memref<1x314x128xi32, #tpu.memory_space<hbm>>
      %dma_wait3A_351 = tpu.memref_squeeze %dma_wait3A_350 : memref<1x314x128xi32, #tpu.memory_space<hbm>> -> memref<314x128xi32, #tpu.memory_space<hbm>>
      tpu.wait_dma2 semaphore(%run_scoped3A : memref<!tpu.dma_semaphore, #tpu.memory_space<semaphore_mem>>) src(%dma_wait3A_351 : memref<314x128xi32, #tpu.memory_space<hbm>>) dst(%arg8 : memref<314x128xi32, #tpu.memory_space<vmem>>)
      tpu.yield
    }) : () -> ()
    "tpu.region"() ({
      %run_scoped3A = tpu.sem_alloc : memref<!tpu.dma_semaphore, #tpu.memory_space<semaphore_mem>>
      %dma_start3A_336 = arith.constant 0 : i32
      %dma_start3A_337 = arith.constant 0 : i32
      %dma_start3A_338 = tpu.memref_slice %arg3[%arg1, %dma_start3A_336, %dma_start3A_337] : memref<16x314x128xi32, #tpu.memory_space<hbm>> -> memref<1x314x128xi32, #tpu.memory_space<hbm>>
      %dma_start3A_339 = tpu.memref_squeeze %dma_start3A_338 : memref<1x314x128xi32, #tpu.memory_space<hbm>> -> memref<314x128xi32, #tpu.memory_space<hbm>>
      %dma_start3A_340 = arith.constant 0 : i32
      %dma_start3A_341 = arith.constant 0 : i32
      %dma_start3A_342 = tpu.memref_slice %arg3[%arg1, %dma_start3A_340, %dma_start3A_341] : memref<16x314x128xi32, #tpu.memory_space<hbm>> -> memref<1x314x128xi32, #tpu.memory_space<hbm>>
      %dma_start3A_343 = tpu.memref_squeeze %dma_start3A_342 : memref<1x314x128xi32, #tpu.memory_space<hbm>> -> memref<314x128xi32, #tpu.memory_space<hbm>>
      tpu.enqueue_dma source(%dma_start3A_343 : memref<314x128xi32, #tpu.memory_space<hbm>>) target(%arg7 : memref<314x128xi32, #tpu.memory_space<vmem>>) target_semaphore(%run_scoped3A : memref<!tpu.dma_semaphore, #tpu.memory_space<semaphore_mem>>)
      %dma_wait3A_344 = arith.constant 0 : i32
      %dma_wait3A_345 = arith.constant 0 : i32
      %dma_wait3A_346 = tpu.memref_slice %arg3[%arg1, %dma_wait3A_344, %dma_wait3A_345] : memref<16x314x128xi32, #tpu.memory_space<hbm>> -> memref<1x314x128xi32, #tpu.memory_space<hbm>>
      %dma_wait3A_347 = tpu.memref_squeeze %dma_wait3A_346 : memref<1x314x128xi32, #tpu.memory_space<hbm>> -> memref<314x128xi32, #tpu.memory_space<hbm>>
      %dma_wait3A_348 = arith.constant 0 : i32
      %dma_wait3A_349 = arith.constant 0 : i32
      %dma_wait3A_350 = tpu.memref_slice %arg3[%arg1, %dma_wait3A_348, %dma_wait3A_349] : memref<16x314x128xi32, #tpu.memory_space<hbm>> -> memref<1x314x128xi32, #tpu.memory_space<hbm>>
      %dma_wait3A_351 = tpu.memref_squeeze %dma_wait3A_350 : memref<1x314x128xi32, #tpu.memory_space<hbm>> -> memref<314x128xi32, #tpu.memory_space<hbm>>
      tpu.wait_dma2 semaphore(%run_scoped3A : memref<!tpu.dma_semaphore, #tpu.memory_space<semaphore_mem>>) src(%dma_wait3A_351 : memref<314x128xi32, #tpu.memory_space<hbm>>) dst(%arg7 : memref<314x128xi32, #tpu.memory_space<vmem>>)
      tpu.yield
    }) : () -> ()
    %add3A = arith.constant 0 : i32
    %add3A_17 = arith.addi %mul3A_16, %add3A : i32
    "tpu.region"() ({
      %run_scoped3A = tpu.sem_alloc : memref<!tpu.dma_semaphore, #tpu.memory_space<semaphore_mem>>
      %dma_start3A_336 = arith.constant 0 : i32
      %dma_start3A_337 = arith.constant 0 : i32
      %dma_start3A_338 = tpu.memref_slice %arg14[%dma_start3A_336, %dma_start3A_337] : memref<128x32xf32, #tpu.memory_space<vmem>> -> memref<128x32xf32, #tpu.memory_space<vmem>>
      %dma_start3A_339 = arith.constant 0 : i32
      %dma_start3A_340 = tpu.memref_slice %arg16[%add3A_17, %dma_start3A_339] : memref<10016x32xf32, #tpu.memory_space<vmem_shared>> -> memref<128x32xf32, #tpu.memory_space<vmem_shared>>
      %dma_start3A_341 = arith.constant 0 : i32
      %dma_start3A_342 = tpu.memref_slice %arg16[%add3A_17, %dma_start3A_341] : memref<10016x32xf32, #tpu.memory_space<vmem_shared>> -> memref<128x32xf32, #tpu.memory_space<vmem_shared>>
      %dma_start3A_343 = arith.constant 0 : i32
      %dma_start3A_344 = arith.constant 0 : i32
      %dma_start3A_345 = tpu.memref_slice %arg14[%dma_start3A_343, %dma_start3A_344] : memref<128x32xf32, #tpu.memory_space<vmem>> -> memref<128x32xf32, #tpu.memory_space<vmem>>
      tpu.enqueue_dma source(%dma_start3A_345 : memref<128x32xf32, #tpu.memory_space<vmem>>) target(%dma_start3A_342 : memref<128x32xf32, #tpu.memory_space<vmem_shared>>) target_semaphore(%run_scoped3A : memref<!tpu.dma_semaphore, #tpu.memory_space<semaphore_mem>>)
      %dma_wait3A_346 = arith.constant 0 : i32
      %dma_wait3A_347 = arith.constant 0 : i32
      %dma_wait3A_348 = tpu.memref_slice %arg14[%dma_wait3A_346, %dma_wait3A_347] : memref<128x32xf32, #tpu.memory_space<vmem>> -> memref<128x32xf32, #tpu.memory_space<vmem>>
      %dma_wait3A_349 = arith.constant 0 : i32
      %dma_wait3A_350 = tpu.memref_slice %arg16[%add3A_17, %dma_wait3A_349] : memref<10016x32xf32, #tpu.memory_space<vmem_shared>> -> memref<128x32xf32, #tpu.memory_space<vmem_shared>>
      %dma_wait3A_351 = arith.constant 0 : i32
      %dma_wait3A_352 = tpu.memref_slice %arg16[%add3A_17, %dma_wait3A_351] : memref<10016x32xf32, #tpu.memory_space<vmem_shared>> -> memref<128x32xf32, #tpu.memory_space<vmem_shared>>
      %dma_wait3A_353 = arith.constant 0 : i32
      %dma_wait3A_354 = arith.constant 0 : i32
      %dma_wait3A_355 = tpu.memref_slice %arg14[%dma_wait3A_353, %dma_wait3A_354] : memref<128x32xf32, #tpu.memory_space<vmem>> -> memref<128x32xf32, #tpu.memory_space<vmem>>
      tpu.wait_dma2 semaphore(%run_scoped3A : memref<!tpu.dma_semaphore, #tpu.memory_space<semaphore_mem>>) src(%dma_wait3A_355 : memref<128x32xf32, #tpu.memory_space<vmem>>) dst(%dma_wait3A_352 : memref<128x32xf32, #tpu.memory_space<vmem_shared>>)
      tpu.yield
    }) : () -> ()
    %add3A_18 = arith.constant 128 : i32
    %add3A_19 = arith.addi %mul3A_16, %add3A_18 : i32
    "tpu.region"() ({
      %run_scoped3A = tpu.sem_alloc : memref<!tpu.dma_semaphore, #tpu.memory_space<semaphore_mem>>
      %dma_start3A_336 = arith.constant 0 : i32
      %dma_start3A_337 = arith.constant 0 : i32
      %dma_start3A_338 = tpu.memref_slice %arg14[%dma_start3A_336, %dma_start3A_337] : memref<128x32xf32, #tpu.memory_space<vmem>> -> memref<128x32xf32, #tpu.memory_space<vmem>>
      %dma_start3A_339 = arith.constant 0 : i32
      %dma_start3A_340 = tpu.memref_slice %arg16[%add3A_19, %dma_start3A_339] : memref<10016x32xf32, #tpu.memory_space<vmem_shared>> -> memref<128x32xf32, #tpu.memory_space<vmem_shared>>
      %dma_start3A_341 = arith.constant 0 : i32
      %dma_start3A_342 = tpu.memref_slice %arg16[%add3A_19, %dma_start3A_341] : memref<10016x32xf32, #tpu.memory_space<vmem_shared>> -> memref<128x32xf32, #tpu.memory_space<vmem_shared>>
      %dma_start3A_343 = arith.constant 0 : i32
      %dma_start3A_344 = arith.constant 0 : i32
      %dma_start3A_345 = tpu.memref_slice %arg14[%dma_start3A_343, %dma_start3A_344] : memref<128x32xf32, #tpu.memory_space<vmem>> -> memref<128x32xf32, #tpu.memory_space<vmem>>
      tpu.enqueue_dma source(%dma_start3A_345 : memref<128x32xf32, #tpu.memory_space<vmem>>) target(%dma_start3A_342 : memref<128x32xf32, #tpu.memory_space<vmem_shared>>) target_semaphore(%run_scoped3A : memref<!tpu.dma_semaphore, #tpu.memory_space<semaphore_mem>>)
      %dma_wait3A_346 = arith.constant 0 : i32
      %dma_wait3A_347 = arith.constant 0 : i32
      %dma_wait3A_348 = tpu.memref_slice %arg14[%dma_wait3A_346, %dma_wait3A_347] : memref<128x32xf32, #tpu.memory_space<vmem>> -> memref<128x32xf32, #tpu.memory_space<vmem>>
      %dma_wait3A_349 = arith.constant 0 : i32
      %dma_wait3A_350 = tpu.memref_slice %arg16[%add3A_19, %dma_wait3A_349] : memref<10016x32xf32, #tpu.memory_space<vmem_shared>> -> memref<128x32xf32, #tpu.memory_space<vmem_shared>>
      %dma_wait3A_351 = arith.constant 0 : i32
      %dma_wait3A_352 = tpu.memref_slice %arg16[%add3A_19, %dma_wait3A_351] : memref<10016x32xf32, #tpu.memory_space<vmem_shared>> -> memref<128x32xf32, #tpu.memory_space<vmem_shared>>
      %dma_wait3A_353 = arith.constant 0 : i32
      %dma_wait3A_354 = arith.constant 0 : i32
      %dma_wait3A_355 = tpu.memref_slice %arg14[%dma_wait3A_353, %dma_wait3A_354] : memref<128x32xf32, #tpu.memory_space<vmem>> -> memref<128x32xf32, #tpu.memory_space<vmem>>
      tpu.wait_dma2 semaphore(%run_scoped3A : memref<!tpu.dma_semaphore, #tpu.memory_space<semaphore_mem>>) src(%dma_wait3A_355 : memref<128x32xf32, #tpu.memory_space<vmem>>) dst(%dma_wait3A_352 : memref<128x32xf32, #tpu.memory_space<vmem_shared>>)
      tpu.yield
    }) : () -> ()
    %add3A_20 = arith.constant 256 : i32
    %add3A_21 = arith.addi %mul3A_16, %add3A_20 : i32
    "tpu.region"() ({
      %run_scoped3A = tpu.sem_alloc : memref<!tpu.dma_semaphore, #tpu.memory_space<semaphore_mem>>
      %dma_start3A_336 = arith.constant 0 : i32
      %dma_start3A_337 = arith.constant 0 : i32
      %dma_start3A_338 = tpu.memref_slice %arg14[%dma_start3A_336, %dma_start3A_337] : memref<128x32xf32, #tpu.memory_space<vmem>> -> memref<128x32xf32, #tpu.memory_space<vmem>>
      %dma_start3A_339 = arith.constant 0 : i32
      %dma_start3A_340 = tpu.memref_slice %arg16[%add3A_21, %dma_start3A_339] : memref<10016x32xf32, #tpu.memory_space<vmem_shared>> -> memref<128x32xf32, #tpu.memory_space<vmem_shared>>
      %dma_start3A_341 = arith.constant 0 : i32
      %dma_start3A_342 = tpu.memref_slice %arg16[%add3A_21, %dma_start3A_341] : memref<10016x32xf32, #tpu.memory_space<vmem_shared>> -> memref<128x32xf32, #tpu.memory_space<vmem_shared>>
      %dma_start3A_343 = arith.constant 0 : i32
      %dma_start3A_344 = arith.constant 0 : i32
      %dma_start3A_345 = tpu.memref_slice %arg14[%dma_start3A_343, %dma_start3A_344] : memref<128x32xf32, #tpu.memory_space<vmem>> -> memref<128x32xf32, #tpu.memory_space<vmem>>
      tpu.enqueue_dma source(%dma_start3A_345 : memref<128x32xf32, #tpu.memory_space<vmem>>) target(%dma_start3A_342 : memref<128x32xf32, #tpu.memory_space<vmem_shared>>) target_semaphore(%run_scoped3A : memref<!tpu.dma_semaphore, #tpu.memory_space<semaphore_mem>>)
      %dma_wait3A_346 = arith.constant 0 : i32
      %dma_wait3A_347 = arith.constant 0 : i32
      %dma_wait3A_348 = tpu.memref_slice %arg14[%dma_wait3A_346, %dma_wait3A_347] : memref<128x32xf32, #tpu.memory_space<vmem>> -> memref<128x32xf32, #tpu.memory_space<vmem>>
      %dma_wait3A_349 = arith.constant 0 : i32
      %dma_wait3A_350 = tpu.memref_slice %arg16[%add3A_21, %dma_wait3A_349] : memref<10016x32xf32, #tpu.memory_space<vmem_shared>> -> memref<128x32xf32, #tpu.memory_space<vmem_shared>>
      %dma_wait3A_351 = arith.constant 0 : i32
      %dma_wait3A_352 = tpu.memref_slice %arg16[%add3A_21, %dma_wait3A_351] : memref<10016x32xf32, #tpu.memory_space<vmem_shared>> -> memref<128x32xf32, #tpu.memory_space<vmem_shared>>
      %dma_wait3A_353 = arith.constant 0 : i32
      %dma_wait3A_354 = arith.constant 0 : i32
      %dma_wait3A_355 = tpu.memref_slice %arg14[%dma_wait3A_353, %dma_wait3A_354] : memref<128x32xf32, #tpu.memory_space<vmem>> -> memref<128x32xf32, #tpu.memory_space<vmem>>
      tpu.wait_dma2 semaphore(%run_scoped3A : memref<!tpu.dma_semaphore, #tpu.memory_space<semaphore_mem>>) src(%dma_wait3A_355 : memref<128x32xf32, #tpu.memory_space<vmem>>) dst(%dma_wait3A_352 : memref<128x32xf32, #tpu.memory_space<vmem_shared>>)
      tpu.yield
    }) : () -> ()
    %add3A_22 = arith.constant 384 : i32
    %add3A_23 = arith.addi %mul3A_16, %add3A_22 : i32
    "tpu.region"() ({
      %run_scoped3A = tpu.sem_alloc : memref<!tpu.dma_semaphore, #tpu.memory_space<semaphore_mem>>
      %dma_start3A_336 = arith.constant 0 : i32
      %dma_start3A_337 = arith.constant 0 : i32
      %dma_start3A_338 = tpu.memref_slice %arg14[%dma_start3A_336, %dma_start3A_337] : memref<128x32xf32, #tpu.memory_space<vmem>> -> memref<128x32xf32, #tpu.memory_space<vmem>>
      %dma_start3A_339 = arith.constant 0 : i32
      %dma_start3A_340 = tpu.memref_slice %arg16[%add3A_23, %dma_start3A_339] : memref<10016x32xf32, #tpu.memory_space<vmem_shared>> -> memref<128x32xf32, #tpu.memory_space<vmem_shared>>
      %dma_start3A_341 = arith.constant 0 : i32
      %dma_start3A_342 = tpu.memref_slice %arg16[%add3A_23, %dma_start3A_341] : memref<10016x32xf32, #tpu.memory_space<vmem_shared>> -> memref<128x32xf32, #tpu.memory_space<vmem_shared>>
      %dma_start3A_343 = arith.constant 0 : i32
      %dma_start3A_344 = arith.constant 0 : i32
      %dma_start3A_345 = tpu.memref_slice %arg14[%dma_start3A_343, %dma_start3A_344] : memref<128x32xf32, #tpu.memory_space<vmem>> -> memref<128x32xf32, #tpu.memory_space<vmem>>
      tpu.enqueue_dma source(%dma_start3A_345 : memref<128x32xf32, #tpu.memory_space<vmem>>) target(%dma_start3A_342 : memref<128x32xf32, #tpu.memory_space<vmem_shared>>) target_semaphore(%run_scoped3A : memref<!tpu.dma_semaphore, #tpu.memory_space<semaphore_mem>>)
      %dma_wait3A_346 = arith.constant 0 : i32
      %dma_wait3A_347 = arith.constant 0 : i32
      %dma_wait3A_348 = tpu.memref_slice %arg14[%dma_wait3A_346, %dma_wait3A_347] : memref<128x32xf32, #tpu.memory_space<vmem>> -> memref<128x32xf32, #tpu.memory_space<vmem>>
      %dma_wait3A_349 = arith.constant 0 : i32
      %dma_wait3A_350 = tpu.memref_slice %arg16[%add3A_23, %dma_wait3A_349] : memref<10016x32xf32, #tpu.memory_space<vmem_shared>> -> memref<128x32xf32, #tpu.memory_space<vmem_shared>>
      %dma_wait3A_351 = arith.constant 0 : i32
      %dma_wait3A_352 = tpu.memref_slice %arg16[%add3A_23, %dma_wait3A_351] : memref<10016x32xf32, #tpu.memory_space<vmem_shared>> -> memref<128x32xf32, #tpu.memory_space<vmem_shared>>
      %dma_wait3A_353 = arith.constant 0 : i32
      %dma_wait3A_354 = arith.constant 0 : i32
      %dma_wait3A_355 = tpu.memref_slice %arg14[%dma_wait3A_353, %dma_wait3A_354] : memref<128x32xf32, #tpu.memory_space<vmem>> -> memref<128x32xf32, #tpu.memory_space<vmem>>
      tpu.wait_dma2 semaphore(%run_scoped3A : memref<!tpu.dma_semaphore, #tpu.memory_space<semaphore_mem>>) src(%dma_wait3A_355 : memref<128x32xf32, #tpu.memory_space<vmem>>) dst(%dma_wait3A_352 : memref<128x32xf32, #tpu.memory_space<vmem_shared>>)
      tpu.yield
    }) : () -> ()
    %add3A_24 = arith.constant 512 : i32
    %add3A_25 = arith.addi %mul3A_16, %add3A_24 : i32
    "tpu.region"() ({
      %run_scoped3A = tpu.sem_alloc : memref<!tpu.dma_semaphore, #tpu.memory_space<semaphore_mem>>
      %dma_start3A_336 = arith.constant 0 : i32
      %dma_start3A_337 = arith.constant 0 : i32
      %dma_start3A_338 = tpu.memref_slice %arg14[%dma_start3A_336, %dma_start3A_337] : memref<128x32xf32, #tpu.memory_space<vmem>> -> memref<114x32xf32, #tpu.memory_space<vmem>>
      %dma_start3A_339 = arith.constant 0 : i32
      %dma_start3A_340 = tpu.memref_slice %arg16[%add3A_25, %dma_start3A_339] : memref<10016x32xf32, #tpu.memory_space<vmem_shared>> -> memref<114x32xf32, #tpu.memory_space<vmem_shared>>
      %dma_start3A_341 = arith.constant 0 : i32
      %dma_start3A_342 = tpu.memref_slice %arg16[%add3A_25, %dma_start3A_341] : memref<10016x32xf32, #tpu.memory_space<vmem_shared>> -> memref<114x32xf32, #tpu.memory_space<vmem_shared>>
      %dma_start3A_343 = arith.constant 0 : i32
      %dma_start3A_344 = arith.constant 0 : i32
      %dma_start3A_345 = tpu.memref_slice %arg14[%dma_start3A_343, %dma_start3A_344] : memref<128x32xf32, #tpu.memory_space<vmem>> -> memref<114x32xf32, #tpu.memory_space<vmem>>
      tpu.enqueue_dma source(%dma_start3A_345 : memref<114x32xf32, #tpu.memory_space<vmem>>) target(%dma_start3A_342 : memref<114x32xf32, #tpu.memory_space<vmem_shared>>) target_semaphore(%run_scoped3A : memref<!tpu.dma_semaphore, #tpu.memory_space<semaphore_mem>>)
      %dma_wait3A_346 = arith.constant 0 : i32
      %dma_wait3A_347 = arith.constant 0 : i32
      %dma_wait3A_348 = tpu.memref_slice %arg14[%dma_wait3A_346, %dma_wait3A_347] : memref<128x32xf32, #tpu.memory_space<vmem>> -> memref<114x32xf32, #tpu.memory_space<vmem>>
      %dma_wait3A_349 = arith.constant 0 : i32
      %dma_wait3A_350 = tpu.memref_slice %arg16[%add3A_25, %dma_wait3A_349] : memref<10016x32xf32, #tpu.memory_space<vmem_shared>> -> memref<114x32xf32, #tpu.memory_space<vmem_shared>>
      %dma_wait3A_351 = arith.constant 0 : i32
      %dma_wait3A_352 = tpu.memref_slice %arg16[%add3A_25, %dma_wait3A_351] : memref<10016x32xf32, #tpu.memory_space<vmem_shared>> -> memref<114x32xf32, #tpu.memory_space<vmem_shared>>
      %dma_wait3A_353 = arith.constant 0 : i32
      %dma_wait3A_354 = arith.constant 0 : i32
      %dma_wait3A_355 = tpu.memref_slice %arg14[%dma_wait3A_353, %dma_wait3A_354] : memref<128x32xf32, #tpu.memory_space<vmem>> -> memref<114x32xf32, #tpu.memory_space<vmem>>
      tpu.wait_dma2 semaphore(%run_scoped3A : memref<!tpu.dma_semaphore, #tpu.memory_space<semaphore_mem>>) src(%dma_wait3A_355 : memref<114x32xf32, #tpu.memory_space<vmem>>) dst(%dma_wait3A_352 : memref<114x32xf32, #tpu.memory_space<vmem_shared>>)
      tpu.yield
    }) : () -> ()
    %add3A_26 = arith.constant 0 : i32
    %add3A_27 = arith.addi %mul3A_16, %add3A_26 : i32
    "tpu.region"() ({
      %run_scoped3A = tpu.sem_alloc : memref<!tpu.dma_semaphore, #tpu.memory_space<semaphore_mem>>
      %dma_start3A_336 = arith.constant 0 : i32
      %dma_start3A_337 = arith.constant 0 : i32
      %dma_start3A_338 = tpu.memref_slice %arg15[%dma_start3A_336, %dma_start3A_337] : memref<128x16xf32, #tpu.memory_space<vmem>> -> memref<128x16xf32, #tpu.memory_space<vmem>>
      %dma_start3A_339 = arith.constant 0 : i32
      %dma_start3A_340 = tpu.memref_slice %arg17[%add3A_27, %dma_start3A_339] : memref<10016x16xf32, #tpu.memory_space<vmem_shared>> -> memref<128x16xf32, #tpu.memory_space<vmem_shared>>
      %dma_start3A_341 = arith.constant 0 : i32
      %dma_start3A_342 = tpu.memref_slice %arg17[%add3A_27, %dma_start3A_341] : memref<10016x16xf32, #tpu.memory_space<vmem_shared>> -> memref<128x16xf32, #tpu.memory_space<vmem_shared>>
      %dma_start3A_343 = arith.constant 0 : i32
      %dma_start3A_344 = arith.constant 0 : i32
      %dma_start3A_345 = tpu.memref_slice %arg15[%dma_start3A_343, %dma_start3A_344] : memref<128x16xf32, #tpu.memory_space<vmem>> -> memref<128x16xf32, #tpu.memory_space<vmem>>
      tpu.enqueue_dma source(%dma_start3A_345 : memref<128x16xf32, #tpu.memory_space<vmem>>) target(%dma_start3A_342 : memref<128x16xf32, #tpu.memory_space<vmem_shared>>) target_semaphore(%run_scoped3A : memref<!tpu.dma_semaphore, #tpu.memory_space<semaphore_mem>>)
      %dma_wait3A_346 = arith.constant 0 : i32
      %dma_wait3A_347 = arith.constant 0 : i32
      %dma_wait3A_348 = tpu.memref_slice %arg15[%dma_wait3A_346, %dma_wait3A_347] : memref<128x16xf32, #tpu.memory_space<vmem>> -> memref<128x16xf32, #tpu.memory_space<vmem>>
      %dma_wait3A_349 = arith.constant 0 : i32
      %dma_wait3A_350 = tpu.memref_slice %arg17[%add3A_27, %dma_wait3A_349] : memref<10016x16xf32, #tpu.memory_space<vmem_shared>> -> memref<128x16xf32, #tpu.memory_space<vmem_shared>>
      %dma_wait3A_351 = arith.constant 0 : i32
      %dma_wait3A_352 = tpu.memref_slice %arg17[%add3A_27, %dma_wait3A_351] : memref<10016x16xf32, #tpu.memory_space<vmem_shared>> -> memref<128x16xf32, #tpu.memory_space<vmem_shared>>
      %dma_wait3A_353 = arith.constant 0 : i32
      %dma_wait3A_354 = arith.constant 0 : i32
      %dma_wait3A_355 = tpu.memref_slice %arg15[%dma_wait3A_353, %dma_wait3A_354] : memref<128x16xf32, #tpu.memory_space<vmem>> -> memref<128x16xf32, #tpu.memory_space<vmem>>
      tpu.wait_dma2 semaphore(%run_scoped3A : memref<!tpu.dma_semaphore, #tpu.memory_space<semaphore_mem>>) src(%dma_wait3A_355 : memref<128x16xf32, #tpu.memory_space<vmem>>) dst(%dma_wait3A_352 : memref<128x16xf32, #tpu.memory_space<vmem_shared>>)
      tpu.yield
    }) : () -> ()
    %add3A_28 = arith.constant 128 : i32
    %add3A_29 = arith.addi %mul3A_16, %add3A_28 : i32
    "tpu.region"() ({
      %run_scoped3A = tpu.sem_alloc : memref<!tpu.dma_semaphore, #tpu.memory_space<semaphore_mem>>
      %dma_start3A_336 = arith.constant 0 : i32
      %dma_start3A_337 = arith.constant 0 : i32
      %dma_start3A_338 = tpu.memref_slice %arg15[%dma_start3A_336, %dma_start3A_337] : memref<128x16xf32, #tpu.memory_space<vmem>> -> memref<128x16xf32, #tpu.memory_space<vmem>>
      %dma_start3A_339 = arith.constant 0 : i32
      %dma_start3A_340 = tpu.memref_slice %arg17[%add3A_29, %dma_start3A_339] : memref<10016x16xf32, #tpu.memory_space<vmem_shared>> -> memref<128x16xf32, #tpu.memory_space<vmem_shared>>
      %dma_start3A_341 = arith.constant 0 : i32
      %dma_start3A_342 = tpu.memref_slice %arg17[%add3A_29, %dma_start3A_341] : memref<10016x16xf32, #tpu.memory_space<vmem_shared>> -> memref<128x16xf32, #tpu.memory_space<vmem_shared>>
      %dma_start3A_343 = arith.constant 0 : i32
      %dma_start3A_344 = arith.constant 0 : i32
      %dma_start3A_345 = tpu.memref_slice %arg15[%dma_start3A_343, %dma_start3A_344] : memref<128x16xf32, #tpu.memory_space<vmem>> -> memref<128x16xf32, #tpu.memory_space<vmem>>
      tpu.enqueue_dma source(%dma_start3A_345 : memref<128x16xf32, #tpu.memory_space<vmem>>) target(%dma_start3A_342 : memref<128x16xf32, #tpu.memory_space<vmem_shared>>) target_semaphore(%run_scoped3A : memref<!tpu.dma_semaphore, #tpu.memory_space<semaphore_mem>>)
      %dma_wait3A_346 = arith.constant 0 : i32
      %dma_wait3A_347 = arith.constant 0 : i32
      %dma_wait3A_348 = tpu.memref_slice %arg15[%dma_wait3A_346, %dma_wait3A_347] : memref<128x16xf32, #tpu.memory_space<vmem>> -> memref<128x16xf32, #tpu.memory_space<vmem>>
      %dma_wait3A_349 = arith.constant 0 : i32
      %dma_wait3A_350 = tpu.memref_slice %arg17[%add3A_29, %dma_wait3A_349] : memref<10016x16xf32, #tpu.memory_space<vmem_shared>> -> memref<128x16xf32, #tpu.memory_space<vmem_shared>>
      %dma_wait3A_351 = arith.constant 0 : i32
      %dma_wait3A_352 = tpu.memref_slice %arg17[%add3A_29, %dma_wait3A_351] : memref<10016x16xf32, #tpu.memory_space<vmem_shared>> -> memref<128x16xf32, #tpu.memory_space<vmem_shared>>
      %dma_wait3A_353 = arith.constant 0 : i32
      %dma_wait3A_354 = arith.constant 0 : i32
      %dma_wait3A_355 = tpu.memref_slice %arg15[%dma_wait3A_353, %dma_wait3A_354] : memref<128x16xf32, #tpu.memory_space<vmem>> -> memref<128x16xf32, #tpu.memory_space<vmem>>
      tpu.wait_dma2 semaphore(%run_scoped3A : memref<!tpu.dma_semaphore, #tpu.memory_space<semaphore_mem>>) src(%dma_wait3A_355 : memref<128x16xf32, #tpu.memory_space<vmem>>) dst(%dma_wait3A_352 : memref<128x16xf32, #tpu.memory_space<vmem_shared>>)
      tpu.yield
    }) : () -> ()
    %add3A_30 = arith.constant 256 : i32
    %add3A_31 = arith.addi %mul3A_16, %add3A_30 : i32
    "tpu.region"() ({
      %run_scoped3A = tpu.sem_alloc : memref<!tpu.dma_semaphore, #tpu.memory_space<semaphore_mem>>
      %dma_start3A_336 = arith.constant 0 : i32
      %dma_start3A_337 = arith.constant 0 : i32
      %dma_start3A_338 = tpu.memref_slice %arg15[%dma_start3A_336, %dma_start3A_337] : memref<128x16xf32, #tpu.memory_space<vmem>> -> memref<128x16xf32, #tpu.memory_space<vmem>>
      %dma_start3A_339 = arith.constant 0 : i32
      %dma_start3A_340 = tpu.memref_slice %arg17[%add3A_31, %dma_start3A_339] : memref<10016x16xf32, #tpu.memory_space<vmem_shared>> -> memref<128x16xf32, #tpu.memory_space<vmem_shared>>
      %dma_start3A_341 = arith.constant 0 : i32
      %dma_start3A_342 = tpu.memref_slice %arg17[%add3A_31, %dma_start3A_341] : memref<10016x16xf32, #tpu.memory_space<vmem_shared>> -> memref<128x16xf32, #tpu.memory_space<vmem_shared>>
      %dma_start3A_343 = arith.constant 0 : i32
      %dma_start3A_344 = arith.constant 0 : i32
      %dma_start3A_345 = tpu.memref_slice %arg15[%dma_start3A_343, %dma_start3A_344] : memref<128x16xf32, #tpu.memory_space<vmem>> -> memref<128x16xf32, #tpu.memory_space<vmem>>
      tpu.enqueue_dma source(%dma_start3A_345 : memref<128x16xf32, #tpu.memory_space<vmem>>) target(%dma_start3A_342 : memref<128x16xf32, #tpu.memory_space<vmem_shared>>) target_semaphore(%run_scoped3A : memref<!tpu.dma_semaphore, #tpu.memory_space<semaphore_mem>>)
      %dma_wait3A_346 = arith.constant 0 : i32
      %dma_wait3A_347 = arith.constant 0 : i32
      %dma_wait3A_348 = tpu.memref_slice %arg15[%dma_wait3A_346, %dma_wait3A_347] : memref<128x16xf32, #tpu.memory_space<vmem>> -> memref<128x16xf32, #tpu.memory_space<vmem>>
      %dma_wait3A_349 = arith.constant 0 : i32
      %dma_wait3A_350 = tpu.memref_slice %arg17[%add3A_31, %dma_wait3A_349] : memref<10016x16xf32, #tpu.memory_space<vmem_shared>> -> memref<128x16xf32, #tpu.memory_space<vmem_shared>>
      %dma_wait3A_351 = arith.constant 0 : i32
      %dma_wait3A_352 = tpu.memref_slice %arg17[%add3A_31, %dma_wait3A_351] : memref<10016x16xf32, #tpu.memory_space<vmem_shared>> -> memref<128x16xf32, #tpu.memory_space<vmem_shared>>
      %dma_wait3A_353 = arith.constant 0 : i32
      %dma_wait3A_354 = arith.constant 0 : i32
      %dma_wait3A_355 = tpu.memref_slice %arg15[%dma_wait3A_353, %dma_wait3A_354] : memref<128x16xf32, #tpu.memory_space<vmem>> -> memref<128x16xf32, #tpu.memory_space<vmem>>
      tpu.wait_dma2 semaphore(%run_scoped3A : memref<!tpu.dma_semaphore, #tpu.memory_space<semaphore_mem>>) src(%dma_wait3A_355 : memref<128x16xf32, #tpu.memory_space<vmem>>) dst(%dma_wait3A_352 : memref<128x16xf32, #tpu.memory_space<vmem_shared>>)
      tpu.yield
    }) : () -> ()
    %add3A_32 = arith.constant 384 : i32
    %add3A_33 = arith.addi %mul3A_16, %add3A_32 : i32
    "tpu.region"() ({
      %run_scoped3A = tpu.sem_alloc : memref<!tpu.dma_semaphore, #tpu.memory_space<semaphore_mem>>
      %dma_start3A_336 = arith.constant 0 : i32
      %dma_start3A_337 = arith.constant 0 : i32
      %dma_start3A_338 = tpu.memref_slice %arg15[%dma_start3A_336, %dma_start3A_337] : memref<128x16xf32, #tpu.memory_space<vmem>> -> memref<128x16xf32, #tpu.memory_space<vmem>>
      %dma_start3A_339 = arith.constant 0 : i32
      %dma_start3A_340 = tpu.memref_slice %arg17[%add3A_33, %dma_start3A_339] : memref<10016x16xf32, #tpu.memory_space<vmem_shared>> -> memref<128x16xf32, #tpu.memory_space<vmem_shared>>
      %dma_start3A_341 = arith.constant 0 : i32
      %dma_start3A_342 = tpu.memref_slice %arg17[%add3A_33, %dma_start3A_341] : memref<10016x16xf32, #tpu.memory_space<vmem_shared>> -> memref<128x16xf32, #tpu.memory_space<vmem_shared>>
      %dma_start3A_343 = arith.constant 0 : i32
      %dma_start3A_344 = arith.constant 0 : i32
      %dma_start3A_345 = tpu.memref_slice %arg15[%dma_start3A_343, %dma_start3A_344] : memref<128x16xf32, #tpu.memory_space<vmem>> -> memref<128x16xf32, #tpu.memory_space<vmem>>
      tpu.enqueue_dma source(%dma_start3A_345 : memref<128x16xf32, #tpu.memory_space<vmem>>) target(%dma_start3A_342 : memref<128x16xf32, #tpu.memory_space<vmem_shared>>) target_semaphore(%run_scoped3A : memref<!tpu.dma_semaphore, #tpu.memory_space<semaphore_mem>>)
      %dma_wait3A_346 = arith.constant 0 : i32
      %dma_wait3A_347 = arith.constant 0 : i32
      %dma_wait3A_348 = tpu.memref_slice %arg15[%dma_wait3A_346, %dma_wait3A_347] : memref<128x16xf32, #tpu.memory_space<vmem>> -> memref<128x16xf32, #tpu.memory_space<vmem>>
      %dma_wait3A_349 = arith.constant 0 : i32
      %dma_wait3A_350 = tpu.memref_slice %arg17[%add3A_33, %dma_wait3A_349] : memref<10016x16xf32, #tpu.memory_space<vmem_shared>> -> memref<128x16xf32, #tpu.memory_space<vmem_shared>>
      %dma_wait3A_351 = arith.constant 0 : i32
      %dma_wait3A_352 = tpu.memref_slice %arg17[%add3A_33, %dma_wait3A_351] : memref<10016x16xf32, #tpu.memory_space<vmem_shared>> -> memref<128x16xf32, #tpu.memory_space<vmem_shared>>
      %dma_wait3A_353 = arith.constant 0 : i32
      %dma_wait3A_354 = arith.constant 0 : i32
      %dma_wait3A_355 = tpu.memref_slice %arg15[%dma_wait3A_353, %dma_wait3A_354] : memref<128x16xf32, #tpu.memory_space<vmem>> -> memref<128x16xf32, #tpu.memory_space<vmem>>
      tpu.wait_dma2 semaphore(%run_scoped3A : memref<!tpu.dma_semaphore, #tpu.memory_space<semaphore_mem>>) src(%dma_wait3A_355 : memref<128x16xf32, #tpu.memory_space<vmem>>) dst(%dma_wait3A_352 : memref<128x16xf32, #tpu.memory_space<vmem_shared>>)
      tpu.yield
    }) : () -> ()
    %add3A_34 = arith.constant 512 : i32
    %add3A_35 = arith.addi %mul3A_16, %add3A_34 : i32
    "tpu.region"() ({
      %run_scoped3A = tpu.sem_alloc : memref<!tpu.dma_semaphore, #tpu.memory_space<semaphore_mem>>
      %dma_start3A_336 = arith.constant 0 : i32
      %dma_start3A_337 = arith.constant 0 : i32
      %dma_start3A_338 = tpu.memref_slice %arg15[%dma_start3A_336, %dma_start3A_337] : memref<128x16xf32, #tpu.memory_space<vmem>> -> memref<114x16xf32, #tpu.memory_space<vmem>>
      %dma_start3A_339 = arith.constant 0 : i32
      %dma_start3A_340 = tpu.memref_slice %arg17[%add3A_35, %dma_start3A_339] : memref<10016x16xf32, #tpu.memory_space<vmem_shared>> -> memref<114x16xf32, #tpu.memory_space<vmem_shared>>
      %dma_start3A_341 = arith.constant 0 : i32
      %dma_start3A_342 = tpu.memref_slice %arg17[%add3A_35, %dma_start3A_341] : memref<10016x16xf32, #tpu.memory_space<vmem_shared>> -> memref<114x16xf32, #tpu.memory_space<vmem_shared>>
      %dma_start3A_343 = arith.constant 0 : i32
      %dma_start3A_344 = arith.constant 0 : i32
      %dma_start3A_345 = tpu.memref_slice %arg15[%dma_start3A_343, %dma_start3A_344] : memref<128x16xf32, #tpu.memory_space<vmem>> -> memref<114x16xf32, #tpu.memory_space<vmem>>
      tpu.enqueue_dma source(%dma_start3A_345 : memref<114x16xf32, #tpu.memory_space<vmem>>) target(%dma_start3A_342 : memref<114x16xf32, #tpu.memory_space<vmem_shared>>) target_semaphore(%run_scoped3A : memref<!tpu.dma_semaphore, #tpu.memory_space<semaphore_mem>>)
      %dma_wait3A_346 = arith.constant 0 : i32
      %dma_wait3A_347 = arith.constant 0 : i32
      %dma_wait3A_348 = tpu.memref_slice %arg15[%dma_wait3A_346, %dma_wait3A_347] : memref<128x16xf32, #tpu.memory_space<vmem>> -> memref<114x16xf32, #tpu.memory_space<vmem>>
      %dma_wait3A_349 = arith.constant 0 : i32
      %dma_wait3A_350 = tpu.memref_slice %arg17[%add3A_35, %dma_wait3A_349] : memref<10016x16xf32, #tpu.memory_space<vmem_shared>> -> memref<114x16xf32, #tpu.memory_space<vmem_shared>>
      %dma_wait3A_351 = arith.constant 0 : i32
      %dma_wait3A_352 = tpu.memref_slice %arg17[%add3A_35, %dma_wait3A_351] : memref<10016x16xf32, #tpu.memory_space<vmem_shared>> -> memref<114x16xf32, #tpu.memory_space<vmem_shared>>
      %dma_wait3A_353 = arith.constant 0 : i32
      %dma_wait3A_354 = arith.constant 0 : i32
      %dma_wait3A_355 = tpu.memref_slice %arg15[%dma_wait3A_353, %dma_wait3A_354] : memref<128x16xf32, #tpu.memory_space<vmem>> -> memref<114x16xf32, #tpu.memory_space<vmem>>
      tpu.wait_dma2 semaphore(%run_scoped3A : memref<!tpu.dma_semaphore, #tpu.memory_space<semaphore_mem>>) src(%dma_wait3A_355 : memref<114x16xf32, #tpu.memory_space<vmem>>) dst(%dma_wait3A_352 : memref<114x16xf32, #tpu.memory_space<vmem_shared>>)
      tpu.yield
    }) : () -> ()
    %barrier3A = arith.constant 0 : index
    tpu.barrier barrier_id(%barrier3A)
    %mul3A_36 = arith.constant 2 : i32
    %mul3A_37 = arith.muli %arg0, %mul3A_36 : i32
    %add3A_38 = arith.constant 0 : i32
    %add3A_39 = arith.addi %mul3A_37, %add3A_38 : i32
    %mul3A_40 = arith.constant 10016 : i32
    %mul3A_41 = arith.muli %add3A_39, %mul3A_40 : i32
    %broadcast_in_dim3A_42 = arith.constant 0 : i32
    %broadcast_in_dim3A_43 = vector.broadcast %broadcast_in_dim3A_42 : i32 to vector<16xi32>
    %add3A_44 = vector.broadcast %mul3A_41 : i32 to vector<16xi32>
    %add3A_45 = arith.addi %broadcast_in_dim3A_43, %add3A_44 : vector<16xi32>
    %get3A = arith.constant 0 : i32
    %get3A_46 = arith.index_cast %get3A : i32 to index
    %get3A_47 = arith.constant 0 : index
    %get3A_48 = tpu.vector_load %arg7[%get3A_46, %get3A_47] {strides = array<i32>} : memref<314x128xi32, #tpu.memory_space<vmem>>, vector<1x16xi32>,
    %get3A_49 = vector.shape_cast %get3A_48 : vector<1x16xi32> to vector<16xi32>
    %add3A_50 = arith.addi %get3A_49, %add3A_45 : vector<16xi32>
    %swap3A = arith.constant 0 : index
    %swap3A_51 = tpu.vector_load %arg9[%swap3A] {strides = array<i32>} : memref<128xi32, #tpu.memory_space<vmem>>, vector<16xi32>,
    %swap3A_52 = vector.shape_cast %swap3A_51 : vector<16xi32> to vector<16xi32>
    %swap3A_53 = vector.shape_cast %add3A_50 : vector<16xi32> to vector<16xi32>
    tpu.vector_store %arg9[%swap3A], %swap3A_53 {strides = array<i32>} : memref<128xi32, #tpu.memory_space<vmem>>, vector<16xi32>,
    %get3A_54 = arith.constant 0 : i32
    %get3A_55 = arith.index_cast %get3A_54 : i32 to index
    %get3A_56 = arith.constant 16 : index
    %get3A_57 = tpu.vector_load %arg7[%get3A_55, %get3A_56] {strides = array<i32>} : memref<314x128xi32, #tpu.memory_space<vmem>>, vector<1x16xi32>,
    %get3A_58 = vector.shape_cast %get3A_57 : vector<1x16xi32> to vector<16xi32>
    %add3A_59 = arith.addi %get3A_58, %add3A_45 : vector<16xi32>
    %swap3A_60 = arith.constant 16 : index
    %swap3A_61 = tpu.vector_load %arg9[%swap3A_60] {strides = array<i32>} : memref<128xi32, #tpu.memory_space<vmem>>, vector<16xi32>,
    %swap3A_62 = vector.shape_cast %swap3A_61 : vector<16xi32> to vector<16xi32>
    %swap3A_63 = vector.shape_cast %add3A_59 : vector<16xi32> to vector<16xi32>
    tpu.vector_store %arg9[%swap3A_60], %swap3A_63 {strides = array<i32>} : memref<128xi32, #tpu.memory_space<vmem>>, vector<16xi32>,
    %get3A_64 = arith.constant 0 : i32
    %get3A_65 = arith.index_cast %get3A_64 : i32 to index
    %get3A_66 = arith.constant 32 : index
    %get3A_67 = tpu.vector_load %arg7[%get3A_65, %get3A_66] {strides = array<i32>} : memref<314x128xi32, #tpu.memory_space<vmem>>, vector<1x16xi32>,
    %get3A_68 = vector.shape_cast %get3A_67 : vector<1x16xi32> to vector<16xi32>
    %add3A_69 = arith.addi %get3A_68, %add3A_45 : vector<16xi32>
    %swap3A_70 = arith.constant 32 : index
    %swap3A_71 = tpu.vector_load %arg9[%swap3A_70] {strides = array<i32>} : memref<128xi32, #tpu.memory_space<vmem>>, vector<16xi32>,
    %swap3A_72 = vector.shape_cast %swap3A_71 : vector<16xi32> to vector<16xi32>
    %swap3A_73 = vector.shape_cast %add3A_69 : vector<16xi32> to vector<16xi32>
    tpu.vector_store %arg9[%swap3A_70], %swap3A_73 {strides = array<i32>} : memref<128xi32, #tpu.memory_space<vmem>>, vector<16xi32>,
    %get3A_74 = arith.constant 0 : i32
    %get3A_75 = arith.index_cast %get3A_74 : i32 to index
    %get3A_76 = arith.constant 48 : index
    %get3A_77 = tpu.vector_load %arg7[%get3A_75, %get3A_76] {strides = array<i32>} : memref<314x128xi32, #tpu.memory_space<vmem>>, vector<1x16xi32>,
    %get3A_78 = vector.shape_cast %get3A_77 : vector<1x16xi32> to vector<16xi32>
    %add3A_79 = arith.addi %get3A_78, %add3A_45 : vector<16xi32>
    %swap3A_80 = arith.constant 48 : index
    %swap3A_81 = tpu.vector_load %arg9[%swap3A_80] {strides = array<i32>} : memref<128xi32, #tpu.memory_space<vmem>>, vector<16xi32>,
    %swap3A_82 = vector.shape_cast %swap3A_81 : vector<16xi32> to vector<16xi32>
    %swap3A_83 = vector.shape_cast %add3A_79 : vector<16xi32> to vector<16xi32>
    tpu.vector_store %arg9[%swap3A_80], %swap3A_83 {strides = array<i32>} : memref<128xi32, #tpu.memory_space<vmem>>, vector<16xi32>,
    %get3A_84 = arith.constant 0 : i32
    %get3A_85 = arith.index_cast %get3A_84 : i32 to index
    %get3A_86 = arith.constant 64 : index
    %get3A_87 = tpu.vector_load %arg7[%get3A_85, %get3A_86] {strides = array<i32>} : memref<314x128xi32, #tpu.memory_space<vmem>>, vector<1x16xi32>,
    %get3A_88 = vector.shape_cast %get3A_87 : vector<1x16xi32> to vector<16xi32>
    %add3A_89 = arith.addi %get3A_88, %add3A_45 : vector<16xi32>
    %swap3A_90 = arith.constant 64 : index
    %swap3A_91 = tpu.vector_load %arg9[%swap3A_90] {strides = array<i32>} : memref<128xi32, #tpu.memory_space<vmem>>, vector<16xi32>,
    %swap3A_92 = vector.shape_cast %swap3A_91 : vector<16xi32> to vector<16xi32>
    %swap3A_93 = vector.shape_cast %add3A_89 : vector<16xi32> to vector<16xi32>
    tpu.vector_store %arg9[%swap3A_90], %swap3A_93 {strides = array<i32>} : memref<128xi32, #tpu.memory_space<vmem>>, vector<16xi32>,
    %get3A_94 = arith.constant 0 : i32
    %get3A_95 = arith.index_cast %get3A_94 : i32 to index
    %get3A_96 = arith.constant 80 : index
    %get3A_97 = tpu.vector_load %arg7[%get3A_95, %get3A_96] {strides = array<i32>} : memref<314x128xi32, #tpu.memory_space<vmem>>, vector<1x16xi32>,
    %get3A_98 = vector.shape_cast %get3A_97 : vector<1x16xi32> to vector<16xi32>
    %add3A_99 = arith.addi %get3A_98, %add3A_45 : vector<16xi32>
    %swap3A_100 = arith.constant 80 : index
    %swap3A_101 = tpu.vector_load %arg9[%swap3A_100] {strides = array<i32>} : memref<128xi32, #tpu.memory_space<vmem>>, vector<16xi32>,
    %swap3A_102 = vector.shape_cast %swap3A_101 : vector<16xi32> to vector<16xi32>
    %swap3A_103 = vector.shape_cast %add3A_99 : vector<16xi32> to vector<16xi32>
    tpu.vector_store %arg9[%swap3A_100], %swap3A_103 {strides = array<i32>} : memref<128xi32, #tpu.memory_space<vmem>>, vector<16xi32>,
    %get3A_104 = arith.constant 0 : i32
    %get3A_105 = arith.index_cast %get3A_104 : i32 to index
    %get3A_106 = arith.constant 96 : index
    %get3A_107 = tpu.vector_load %arg7[%get3A_105, %get3A_106] {strides = array<i32>} : memref<314x128xi32, #tpu.memory_space<vmem>>, vector<1x16xi32>,
    %get3A_108 = vector.shape_cast %get3A_107 : vector<1x16xi32> to vector<16xi32>
    %add3A_109 = arith.addi %get3A_108, %add3A_45 : vector<16xi32>
    %swap3A_110 = arith.constant 96 : index
    %swap3A_111 = tpu.vector_load %arg9[%swap3A_110] {strides = array<i32>} : memref<128xi32, #tpu.memory_space<vmem>>, vector<16xi32>,
    %swap3A_112 = vector.shape_cast %swap3A_111 : vector<16xi32> to vector<16xi32>
    %swap3A_113 = vector.shape_cast %add3A_109 : vector<16xi32> to vector<16xi32>
    tpu.vector_store %arg9[%swap3A_110], %swap3A_113 {strides = array<i32>} : memref<128xi32, #tpu.memory_space<vmem>>, vector<16xi32>,
    %get3A_114 = arith.constant 0 : i32
    %get3A_115 = arith.index_cast %get3A_114 : i32 to index
    %get3A_116 = arith.constant 112 : index
    %get3A_117 = tpu.vector_load %arg7[%get3A_115, %get3A_116] {strides = array<i32>} : memref<314x128xi32, #tpu.memory_space<vmem>>, vector<1x16xi32>,
    %get3A_118 = vector.shape_cast %get3A_117 : vector<1x16xi32> to vector<16xi32>
    %add3A_119 = arith.addi %get3A_118, %add3A_45 : vector<16xi32>
    %swap3A_120 = arith.constant 112 : index
    %swap3A_121 = tpu.vector_load %arg9[%swap3A_120] {strides = array<i32>} : memref<128xi32, #tpu.memory_space<vmem>>, vector<16xi32>,
    %swap3A_122 = vector.shape_cast %swap3A_121 : vector<16xi32> to vector<16xi32>
    %swap3A_123 = vector.shape_cast %add3A_119 : vector<16xi32> to vector<16xi32>
    tpu.vector_store %arg9[%swap3A_120], %swap3A_123 {strides = array<i32>} : memref<128xi32, #tpu.memory_space<vmem>>, vector<16xi32>,
    %dma_start3A = arith.constant 0 : i32
    %dma_start3A_124 = arith.constant 0 : i32
    %dma_start3A_125 = tpu.memref_slice %arg2[%dma_start3A, %dma_start3A_124] : memref<40064x32xf32, #tpu.memory_space<hbm>> -> memref<40064x32xf32, #tpu.memory_space<hbm>>
    tpu.enqueue_indirect_dma source(%dma_start3A_125 : memref<40064x32xf32, #tpu.memory_space<hbm>>) target(%arg11 : memref<128x32xf32, #tpu.memory_space<vmem>>) offsets(%arg9 : memref<128xi32, #tpu.memory_space<vmem>>) semaphore(%arg18 : memref<!tpu.dma_semaphore, #tpu.memory_space<semaphore_mem>>)
    %scan3A_126 = arith.constant 0 : i32
    %scan3A_127 = arith.constant 0 : i32
    %scan3A_128 = arith.constant 157 : i32
    %scan3A_129 = arith.addi %scan3A_127, %scan3A_128 : i32
    %scan3A_130 = arith.constant 1 : i32
    %scan3A_131 = scf.for %scan3A_336 = %scan3A_127 to %scan3A_129 step %scan3A_130 iter_args(%scan3A_337 = %scan3A_126) -> (i32)  : i32 {
      %mul3A_338 = arith.constant 2 : i32
      %mul3A_339 = arith.muli %scan3A_336, %mul3A_338 : i32
      %add3A_340 = arith.constant 1 : i32
      %add3A_341 = arith.addi %mul3A_339, %add3A_340 : i32
      %get3A_342 = arith.index_cast %add3A_341 : i32 to index
      %get3A_343 = arith.constant 0 : index
      %get3A_344 = tpu.vector_load %arg7[%get3A_342, %get3A_343] {strides = array<i32>} : memref<314x128xi32, #tpu.memory_space<vmem>>, vector<1x16xi32>,
      %get3A_345 = vector.shape_cast %get3A_344 : vector<1x16xi32> to vector<16xi32>
      %add3A_346 = arith.addi %get3A_345, %add3A_45 : vector<16xi32>
      %swap3A_347 = arith.constant 0 : index
      %swap3A_348 = tpu.vector_load %arg10[%swap3A_347] {strides = array<i32>} : memref<128xi32, #tpu.memory_space<vmem>>, vector<16xi32>,
      %swap3A_349 = vector.shape_cast %swap3A_348 : vector<16xi32> to vector<16xi32>
      %swap3A_350 = vector.shape_cast %add3A_346 : vector<16xi32> to vector<16xi32>
      tpu.vector_store %arg10[%swap3A_347], %swap3A_350 {strides = array<i32>} : memref<128xi32, #tpu.memory_space<vmem>>, vector<16xi32>,
      %get3A_351 = arith.index_cast %add3A_341 : i32 to index
      %get3A_352 = arith.constant 16 : index
      %get3A_353 = tpu.vector_load %arg7[%get3A_351, %get3A_352] {strides = array<i32>} : memref<314x128xi32, #tpu.memory_space<vmem>>, vector<1x16xi32>,
      %get3A_354 = vector.shape_cast %get3A_353 : vector<1x16xi32> to vector<16xi32>
      %add3A_355 = arith.addi %get3A_354, %add3A_45 : vector<16xi32>
      %swap3A_356 = arith.constant 16 : index
      %swap3A_357 = tpu.vector_load %arg10[%swap3A_356] {strides = array<i32>} : memref<128xi32, #tpu.memory_space<vmem>>, vector<16xi32>,
      %swap3A_358 = vector.shape_cast %swap3A_357 : vector<16xi32> to vector<16xi32>
      %swap3A_359 = vector.shape_cast %add3A_355 : vector<16xi32> to vector<16xi32>
      tpu.vector_store %arg10[%swap3A_356], %swap3A_359 {strides = array<i32>} : memref<128xi32, #tpu.memory_space<vmem>>, vector<16xi32>,
      %get3A_360 = arith.index_cast %add3A_341 : i32 to index
      %get3A_361 = arith.constant 32 : index
      %get3A_362 = tpu.vector_load %arg7[%get3A_360, %get3A_361] {strides = array<i32>} : memref<314x128xi32, #tpu.memory_space<vmem>>, vector<1x16xi32>,
      %get3A_363 = vector.shape_cast %get3A_362 : vector<1x16xi32> to vector<16xi32>
      %add3A_364 = arith.addi %get3A_363, %add3A_45 : vector<16xi32>
      %swap3A_365 = arith.constant 32 : index
      %swap3A_366 = tpu.vector_load %arg10[%swap3A_365] {strides = array<i32>} : memref<128xi32, #tpu.memory_space<vmem>>, vector<16xi32>,
      %swap3A_367 = vector.shape_cast %swap3A_366 : vector<16xi32> to vector<16xi32>
      %swap3A_368 = vector.shape_cast %add3A_364 : vector<16xi32> to vector<16xi32>
      tpu.vector_store %arg10[%swap3A_365], %swap3A_368 {strides = array<i32>} : memref<128xi32, #tpu.memory_space<vmem>>, vector<16xi32>,
      %get3A_369 = arith.index_cast %add3A_341 : i32 to index
      %get3A_370 = arith.constant 48 : index
      %get3A_371 = tpu.vector_load %arg7[%get3A_369, %get3A_370] {strides = array<i32>} : memref<314x128xi32, #tpu.memory_space<vmem>>, vector<1x16xi32>,
      %get3A_372 = vector.shape_cast %get3A_371 : vector<1x16xi32> to vector<16xi32>
      %add3A_373 = arith.addi %get3A_372, %add3A_45 : vector<16xi32>
      %swap3A_374 = arith.constant 48 : index
      %swap3A_375 = tpu.vector_load %arg10[%swap3A_374] {strides = array<i32>} : memref<128xi32, #tpu.memory_space<vmem>>, vector<16xi32>,
      %swap3A_376 = vector.shape_cast %swap3A_375 : vector<16xi32> to vector<16xi32>
      %swap3A_377 = vector.shape_cast %add3A_373 : vector<16xi32> to vector<16xi32>
      tpu.vector_store %arg10[%swap3A_374], %swap3A_377 {strides = array<i32>} : memref<128xi32, #tpu.memory_space<vmem>>, vector<16xi32>,
      %get3A_378 = arith.index_cast %add3A_341 : i32 to index
      %get3A_379 = arith.constant 64 : index
      %get3A_380 = tpu.vector_load %arg7[%get3A_378, %get3A_379] {strides = array<i32>} : memref<314x128xi32, #tpu.memory_space<vmem>>, vector<1x16xi32>,
      %get3A_381 = vector.shape_cast %get3A_380 : vector<1x16xi32> to vector<16xi32>
      %add3A_382 = arith.addi %get3A_381, %add3A_45 : vector<16xi32>
      %swap3A_383 = arith.constant 64 : index
      %swap3A_384 = tpu.vector_load %arg10[%swap3A_383] {strides = array<i32>} : memref<128xi32, #tpu.memory_space<vmem>>, vector<16xi32>,
      %swap3A_385 = vector.shape_cast %swap3A_384 : vector<16xi32> to vector<16xi32>
      %swap3A_386 = vector.shape_cast %add3A_382 : vector<16xi32> to vector<16xi32>
      tpu.vector_store %arg10[%swap3A_383], %swap3A_386 {strides = array<i32>} : memref<128xi32, #tpu.memory_space<vmem>>, vector<16xi32>,
      %get3A_387 = arith.index_cast %add3A_341 : i32 to index
      %get3A_388 = arith.constant 80 : index
      %get3A_389 = tpu.vector_load %arg7[%get3A_387, %get3A_388] {strides = array<i32>} : memref<314x128xi32, #tpu.memory_space<vmem>>, vector<1x16xi32>,
      %get3A_390 = vector.shape_cast %get3A_389 : vector<1x16xi32> to vector<16xi32>
      %add3A_391 = arith.addi %get3A_390, %add3A_45 : vector<16xi32>
      %swap3A_392 = arith.constant 80 : index
      %swap3A_393 = tpu.vector_load %arg10[%swap3A_392] {strides = array<i32>} : memref<128xi32, #tpu.memory_space<vmem>>, vector<16xi32>,
      %swap3A_394 = vector.shape_cast %swap3A_393 : vector<16xi32> to vector<16xi32>
      %swap3A_395 = vector.shape_cast %add3A_391 : vector<16xi32> to vector<16xi32>
      tpu.vector_store %arg10[%swap3A_392], %swap3A_395 {strides = array<i32>} : memref<128xi32, #tpu.memory_space<vmem>>, vector<16xi32>,
      %get3A_396 = arith.index_cast %add3A_341 : i32 to index
      %get3A_397 = arith.constant 96 : index
      %get3A_398 = tpu.vector_load %arg7[%get3A_396, %get3A_397] {strides = array<i32>} : memref<314x128xi32, #tpu.memory_space<vmem>>, vector<1x16xi32>,
      %get3A_399 = vector.shape_cast %get3A_398 : vector<1x16xi32> to vector<16xi32>
      %add3A_400 = arith.addi %get3A_399, %add3A_45 : vector<16xi32>
      %swap3A_401 = arith.constant 96 : index
      %swap3A_402 = tpu.vector_load %arg10[%swap3A_401] {strides = array<i32>} : memref<128xi32, #tpu.memory_space<vmem>>, vector<16xi32>,
      %swap3A_403 = vector.shape_cast %swap3A_402 : vector<16xi32> to vector<16xi32>
      %swap3A_404 = vector.shape_cast %add3A_400 : vector<16xi32> to vector<16xi32>
      tpu.vector_store %arg10[%swap3A_401], %swap3A_404 {strides = array<i32>} : memref<128xi32, #tpu.memory_space<vmem>>, vector<16xi32>,
      %get3A_405 = arith.index_cast %add3A_341 : i32 to index
      %get3A_406 = arith.constant 112 : index
      %get3A_407 = tpu.vector_load %arg7[%get3A_405, %get3A_406] {strides = array<i32>} : memref<314x128xi32, #tpu.memory_space<vmem>>, vector<1x16xi32>,
      %get3A_408 = vector.shape_cast %get3A_407 : vector<1x16xi32> to vector<16xi32>
      %add3A_409 = arith.addi %get3A_408, %add3A_45 : vector<16xi32>
      %swap3A_410 = arith.constant 112 : index
      %swap3A_411 = tpu.vector_load %arg10[%swap3A_410] {strides = array<i32>} : memref<128xi32, #tpu.memory_space<vmem>>, vector<16xi32>,
      %swap3A_412 = vector.shape_cast %swap3A_411 : vector<16xi32> to vector<16xi32>
      %swap3A_413 = vector.shape_cast %add3A_409 : vector<16xi32> to vector<16xi32>
      tpu.vector_store %arg10[%swap3A_410], %swap3A_413 {strides = array<i32>} : memref<128xi32, #tpu.memory_space<vmem>>, vector<16xi32>,
      %dma_start3A_414 = arith.constant 0 : i32
      %dma_start3A_415 = arith.constant 0 : i32
      %dma_start3A_416 = tpu.memref_slice %arg2[%dma_start3A_414, %dma_start3A_415] : memref<40064x32xf32, #tpu.memory_space<hbm>> -> memref<40064x32xf32, #tpu.memory_space<hbm>>
      tpu.enqueue_indirect_dma source(%dma_start3A_416 : memref<40064x32xf32, #tpu.memory_space<hbm>>) target(%arg12 : memref<128x32xf32, #tpu.memory_space<vmem>>) offsets(%arg10 : memref<128xi32, #tpu.memory_space<vmem>>) semaphore(%arg19 : memref<!tpu.dma_semaphore, #tpu.memory_space<semaphore_mem>>)
      %dma_wait3A_417 = arith.constant 0 : i32
      %dma_wait3A_418 = arith.constant 0 : i32
      %dma_wait3A_419 = tpu.memref_slice %arg2[%dma_wait3A_417, %dma_wait3A_418] : memref<40064x32xf32, #tpu.memory_space<hbm>> -> memref<128x32xf32, #tpu.memory_space<hbm>>
      %dma_wait3A_420 = arith.constant 0 : i32
      %dma_wait3A_421 = arith.constant 0 : i32
      %dma_wait3A_422 = tpu.memref_slice %arg2[%dma_wait3A_420, %dma_wait3A_421] : memref<40064x32xf32, #tpu.memory_space<hbm>> -> memref<128x32xf32, #tpu.memory_space<hbm>>
      tpu.wait_dma2 semaphore(%arg18 : memref<!tpu.dma_semaphore, #tpu.memory_space<semaphore_mem>>) src(%dma_wait3A_422 : memref<128x32xf32, #tpu.memory_space<hbm>>) dst(%arg11 : memref<128x32xf32, #tpu.memory_space<vmem>>)
      "tpu.region"() ({
        %run_scoped3A = tpu.sem_alloc : memref<!tpu.dma_semaphore, #tpu.memory_space<semaphore_mem>>
        %dma_start3A_512 = arith.constant 0 : i32
        %dma_start3A_513 = tpu.memref_slice %arg8[%mul3A_339, %dma_start3A_512] : memref<314x128xi32, #tpu.memory_space<vmem>> -> memref<1x128xi32, #tpu.memory_space<vmem>>
        %dma_start3A_514 = tpu.memref_squeeze %dma_start3A_513 : memref<1x128xi32, #tpu.memory_space<vmem>> -> memref<128xi32, #tpu.memory_space<vmem>>
        %dma_start3A_515 = arith.constant 0 : i32
        %dma_start3A_516 = arith.constant 0 : i32
        %dma_start3A_517 = tpu.memref_slice %arg16[%dma_start3A_515, %dma_start3A_516] : memref<10016x32xf32, #tpu.memory_space<vmem_shared>> -> memref<10016x32xf32, #tpu.memory_space<vmem_shared>>
        tpu.enqueue_indirect_dma source(%arg11 : memref<128x32xf32, #tpu.memory_space<vmem>>) target(%dma_start3A_517 : memref<10016x32xf32, #tpu.memory_space<vmem_shared>>) offsets(%dma_start3A_514 : memref<128xi32, #tpu.memory_space<vmem>>) semaphore(%run_scoped3A : memref<!tpu.dma_semaphore, #tpu.memory_space<semaphore_mem>>) {add = true}
        %dma_wait3A_518 = arith.constant 0 : i32
        %dma_wait3A_519 = tpu.memref_slice %arg8[%mul3A_339, %dma_wait3A_518] : memref<314x128xi32, #tpu.memory_space<vmem>> -> memref<1x128xi32, #tpu.memory_space<vmem>>
        %dma_wait3A_520 = tpu.memref_squeeze %dma_wait3A_519 : memref<1x128xi32, #tpu.memory_space<vmem>> -> memref<128xi32, #tpu.memory_space<vmem>>
        %dma_wait3A_521 = arith.constant 0 : i32
        %dma_wait3A_522 = arith.constant 0 : i32
        %dma_wait3A_523 = tpu.memref_slice %arg16[%dma_wait3A_521, %dma_wait3A_522] : memref<10016x32xf32, #tpu.memory_space<vmem_shared>> -> memref<10016x32xf32, #tpu.memory_space<vmem_shared>>
        tpu.wait_indirect_dma semaphore(%run_scoped3A : memref<!tpu.dma_semaphore, #tpu.memory_space<semaphore_mem>>) src(%arg11 : memref<128x32xf32, #tpu.memory_space<vmem>>) dst(%dma_wait3A_523 : memref<10016x32xf32, #tpu.memory_space<vmem_shared>>)
        tpu.yield
      }) : () -> ()
      "tpu.region"() ({
        %run_scoped3A = tpu.sem_alloc : memref<!tpu.dma_semaphore, #tpu.memory_space<semaphore_mem>>
        %dma_start3A_512 = arith.constant 0 : i32
        %dma_start3A_513 = tpu.memref_slice %arg8[%mul3A_339, %dma_start3A_512] : memref<314x128xi32, #tpu.memory_space<vmem>> -> memref<1x128xi32, #tpu.memory_space<vmem>>
        %dma_start3A_514 = tpu.memref_squeeze %dma_start3A_513 : memref<1x128xi32, #tpu.memory_space<vmem>> -> memref<128xi32, #tpu.memory_space<vmem>>
        %dma_start3A_515 = arith.constant 0 : i32
        %dma_start3A_516 = arith.constant 0 : i32
        %dma_start3A_517 = tpu.memref_slice %arg17[%dma_start3A_515, %dma_start3A_516] : memref<10016x16xf32, #tpu.memory_space<vmem_shared>> -> memref<10016x16xf32, #tpu.memory_space<vmem_shared>>
        tpu.enqueue_indirect_dma source(%arg13 : memref<128x16xf32, #tpu.memory_space<vmem>>) target(%dma_start3A_517 : memref<10016x16xf32, #tpu.memory_space<vmem_shared>>) offsets(%dma_start3A_514 : memref<128xi32, #tpu.memory_space<vmem>>) semaphore(%run_scoped3A : memref<!tpu.dma_semaphore, #tpu.memory_space<semaphore_mem>>) {add = true}
        %dma_wait3A_518 = arith.constant 0 : i32
        %dma_wait3A_519 = tpu.memref_slice %arg8[%mul3A_339, %dma_wait3A_518] : memref<314x128xi32, #tpu.memory_space<vmem>> -> memref<1x128xi32, #tpu.memory_space<vmem>>
        %dma_wait3A_520 = tpu.memref_squeeze %dma_wait3A_519 : memref<1x128xi32, #tpu.memory_space<vmem>> -> memref<128xi32, #tpu.memory_space<vmem>>
        %dma_wait3A_521 = arith.constant 0 : i32
        %dma_wait3A_522 = arith.constant 0 : i32
        %dma_wait3A_523 = tpu.memref_slice %arg17[%dma_wait3A_521, %dma_wait3A_522] : memref<10016x16xf32, #tpu.memory_space<vmem_shared>> -> memref<10016x16xf32, #tpu.memory_space<vmem_shared>>
        tpu.wait_indirect_dma semaphore(%run_scoped3A : memref<!tpu.dma_semaphore, #tpu.memory_space<semaphore_mem>>) src(%arg13 : memref<128x16xf32, #tpu.memory_space<vmem>>) dst(%dma_wait3A_523 : memref<10016x16xf32, #tpu.memory_space<vmem_shared>>)
        tpu.yield
      }) : () -> ()
      %add3A_423 = arith.constant 2 : i32
      %add3A_424 = arith.addi %mul3A_339, %add3A_423 : i32
      %min3A = arith.constant 312 : i32
      %min3A_425 = arith.minsi %add3A_424, %min3A : i32
      %get3A_426 = arith.index_cast %min3A_425 : i32 to index
      %get3A_427 = arith.constant 0 : index
      %get3A_428 = tpu.vector_load %arg7[%get3A_426, %get3A_427] {strides = array<i32>} : memref<314x128xi32, #tpu.memory_space<vmem>>, vector<1x16xi32>,
      %get3A_429 = vector.shape_cast %get3A_428 : vector<1x16xi32> to vector<16xi32>
      %add3A_430 = arith.addi %get3A_429, %add3A_45 : vector<16xi32>
      %swap3A_431 = arith.constant 0 : index
      %swap3A_432 = tpu.vector_load %arg9[%swap3A_431] {strides = array<i32>} : memref<128xi32, #tpu.memory_space<vmem>>, vector<16xi32>,
      %swap3A_433 = vector.shape_cast %swap3A_432 : vector<16xi32> to vector<16xi32>
      %swap3A_434 = vector.shape_cast %add3A_430 : vector<16xi32> to vector<16xi32>
      tpu.vector_store %arg9[%swap3A_431], %swap3A_434 {strides = array<i32>} : memref<128xi32, #tpu.memory_space<vmem>>, vector<16xi32>,
      %get3A_435 = arith.index_cast %min3A_425 : i32 to index
      %get3A_436 = arith.constant 16 : index
      %get3A_437 = tpu.vector_load %arg7[%get3A_435, %get3A_436] {strides = array<i32>} : memref<314x128xi32, #tpu.memory_space<vmem>>, vector<1x16xi32>,
      %get3A_438 = vector.shape_cast %get3A_437 : vector<1x16xi32> to vector<16xi32>
      %add3A_439 = arith.addi %get3A_438, %add3A_45 : vector<16xi32>
      %swap3A_440 = arith.constant 16 : index
      %swap3A_441 = tpu.vector_load %arg9[%swap3A_440] {strides = array<i32>} : memref<128xi32, #tpu.memory_space<vmem>>, vector<16xi32>,
      %swap3A_442 = vector.shape_cast %swap3A_441 : vector<16xi32> to vector<16xi32>
      %swap3A_443 = vector.shape_cast %add3A_439 : vector<16xi32> to vector<16xi32>
      tpu.vector_store %arg9[%swap3A_440], %swap3A_443 {strides = array<i32>} : memref<128xi32, #tpu.memory_space<vmem>>, vector<16xi32>,
      %get3A_444 = arith.index_cast %min3A_425 : i32 to index
      %get3A_445 = arith.constant 32 : index
      %get3A_446 = tpu.vector_load %arg7[%get3A_444, %get3A_445] {strides = array<i32>} : memref<314x128xi32, #tpu.memory_space<vmem>>, vector<1x16xi32>,
      %get3A_447 = vector.shape_cast %get3A_446 : vector<1x16xi32> to vector<16xi32>
      %add3A_448 = arith.addi %get3A_447, %add3A_45 : vector<16xi32>
      %swap3A_449 = arith.constant 32 : index
      %swap3A_450 = tpu.vector_load %arg9[%swap3A_449] {strides = array<i32>} : memref<128xi32, #tpu.memory_space<vmem>>, vector<16xi32>,
      %swap3A_451 = vector.shape_cast %swap3A_450 : vector<16xi32> to vector<16xi32>
      %swap3A_452 = vector.shape_cast %add3A_448 : vector<16xi32> to vector<16xi32>
      tpu.vector_store %arg9[%swap3A_449], %swap3A_452 {strides = array<i32>} : memref<128xi32, #tpu.memory_space<vmem>>, vector<16xi32>,
      %get3A_453 = arith.index_cast %min3A_425 : i32 to index
      %get3A_454 = arith.constant 48 : index
      %get3A_455 = tpu.vector_load %arg7[%get3A_453, %get3A_454] {strides = array<i32>} : memref<314x128xi32, #tpu.memory_space<vmem>>, vector<1x16xi32>,
      %get3A_456 = vector.shape_cast %get3A_455 : vector<1x16xi32> to vector<16xi32>
      %add3A_457 = arith.addi %get3A_456, %add3A_45 : vector<16xi32>
      %swap3A_458 = arith.constant 48 : index
      %swap3A_459 = tpu.vector_load %arg9[%swap3A_458] {strides = array<i32>} : memref<128xi32, #tpu.memory_space<vmem>>, vector<16xi32>,
      %swap3A_460 = vector.shape_cast %swap3A_459 : vector<16xi32> to vector<16xi32>
      %swap3A_461 = vector.shape_cast %add3A_457 : vector<16xi32> to vector<16xi32>
      tpu.vector_store %arg9[%swap3A_458], %swap3A_461 {strides = array<i32>} : memref<128xi32, #tpu.memory_space<vmem>>, vector<16xi32>,
      %get3A_462 = arith.index_cast %min3A_425 : i32 to index
      %get3A_463 = arith.constant 64 : index
      %get3A_464 = tpu.vector_load %arg7[%get3A_462, %get3A_463] {strides = array<i32>} : memref<314x128xi32, #tpu.memory_space<vmem>>, vector<1x16xi32>,
      %get3A_465 = vector.shape_cast %get3A_464 : vector<1x16xi32> to vector<16xi32>
      %add3A_466 = arith.addi %get3A_465, %add3A_45 : vector<16xi32>
      %swap3A_467 = arith.constant 64 : index
      %swap3A_468 = tpu.vector_load %arg9[%swap3A_467] {strides = array<i32>} : memref<128xi32, #tpu.memory_space<vmem>>, vector<16xi32>,
      %swap3A_469 = vector.shape_cast %swap3A_468 : vector<16xi32> to vector<16xi32>
      %swap3A_470 = vector.shape_cast %add3A_466 : vector<16xi32> to vector<16xi32>
      tpu.vector_store %arg9[%swap3A_467], %swap3A_470 {strides = array<i32>} : memref<128xi32, #tpu.memory_space<vmem>>, vector<16xi32>,
      %get3A_471 = arith.index_cast %min3A_425 : i32 to index
      %get3A_472 = arith.constant 80 : index
      %get3A_473 = tpu.vector_load %arg7[%get3A_471, %get3A_472] {strides = array<i32>} : memref<314x128xi32, #tpu.memory_space<vmem>>, vector<1x16xi32>,
      %get3A_474 = vector.shape_cast %get3A_473 : vector<1x16xi32> to vector<16xi32>
      %add3A_475 = arith.addi %get3A_474, %add3A_45 : vector<16xi32>
      %swap3A_476 = arith.constant 80 : index
      %swap3A_477 = tpu.vector_load %arg9[%swap3A_476] {strides = array<i32>} : memref<128xi32, #tpu.memory_space<vmem>>, vector<16xi32>,
      %swap3A_478 = vector.shape_cast %swap3A_477 : vector<16xi32> to vector<16xi32>
      %swap3A_479 = vector.shape_cast %add3A_475 : vector<16xi32> to vector<16xi32>
      tpu.vector_store %arg9[%swap3A_476], %swap3A_479 {strides = array<i32>} : memref<128xi32, #tpu.memory_space<vmem>>, vector<16xi32>,
      %get3A_480 = arith.index_cast %min3A_425 : i32 to index
      %get3A_481 = arith.constant 96 : index
      %get3A_482 = tpu.vector_load %arg7[%get3A_480, %get3A_481] {strides = array<i32>} : memref<314x128xi32, #tpu.memory_space<vmem>>, vector<1x16xi32>,
      %get3A_483 = vector.shape_cast %get3A_482 : vector<1x16xi32> to vector<16xi32>
      %add3A_484 = arith.addi %get3A_483, %add3A_45 : vector<16xi32>
      %swap3A_485 = arith.constant 96 : index
      %swap3A_486 = tpu.vector_load %arg9[%swap3A_485] {strides = array<i32>} : memref<128xi32, #tpu.memory_space<vmem>>, vector<16xi32>,
      %swap3A_487 = vector.shape_cast %swap3A_486 : vector<16xi32> to vector<16xi32>
      %swap3A_488 = vector.shape_cast %add3A_484 : vector<16xi32> to vector<16xi32>
      tpu.vector_store %arg9[%swap3A_485], %swap3A_488 {strides = array<i32>} : memref<128xi32, #tpu.memory_space<vmem>>, vector<16xi32>,
      %get3A_489 = arith.index_cast %min3A_425 : i32 to index
      %get3A_490 = arith.constant 112 : index
      %get3A_491 = tpu.vector_load %arg7[%get3A_489, %get3A_490] {strides = array<i32>} : memref<314x128xi32, #tpu.memory_space<vmem>>, vector<1x16xi32>,
      %get3A_492 = vector.shape_cast %get3A_491 : vector<1x16xi32> to vector<16xi32>
      %add3A_493 = arith.addi %get3A_492, %add3A_45 : vector<16xi32>
      %swap3A_494 = arith.constant 112 : index
      %swap3A_495 = tpu.vector_load %arg9[%swap3A_494] {strides = array<i32>} : memref<128xi32, #tpu.memory_space<vmem>>, vector<16xi32>,
      %swap3A_496 = vector.shape_cast %swap3A_495 : vector<16xi32> to vector<16xi32>
      %swap3A_497 = vector.shape_cast %add3A_493 : vector<16xi32> to vector<16xi32>
      tpu.vector_store %arg9[%swap3A_494], %swap3A_497 {strides = array<i32>} : memref<128xi32, #tpu.memory_space<vmem>>, vector<16xi32>,
      %dma_start3A_498 = arith.constant 0 : i32
      %dma_start3A_499 = arith.constant 0 : i32
      %dma_start3A_500 = tpu.memref_slice %arg2[%dma_start3A_498, %dma_start3A_499] : memref<40064x32xf32, #tpu.memory_space<hbm>> -> memref<40064x32xf32, #tpu.memory_space<hbm>>
      tpu.enqueue_indirect_dma source(%dma_start3A_500 : memref<40064x32xf32, #tpu.memory_space<hbm>>) target(%arg11 : memref<128x32xf32, #tpu.memory_space<vmem>>) offsets(%arg9 : memref<128xi32, #tpu.memory_space<vmem>>) semaphore(%arg18 : memref<!tpu.dma_semaphore, #tpu.memory_space<semaphore_mem>>)
      %dma_wait3A_501 = arith.constant 0 : i32
      %dma_wait3A_502 = arith.constant 0 : i32
      %dma_wait3A_503 = tpu.memref_slice %arg2[%dma_wait3A_501, %dma_wait3A_502] : memref<40064x32xf32, #tpu.memory_space<hbm>> -> memref<128x32xf32, #tpu.memory_space<hbm>>
      %dma_wait3A_504 = arith.constant 0 : i32
      %dma_wait3A_505 = arith.constant 0 : i32
      %dma_wait3A_506 = tpu.memref_slice %arg2[%dma_wait3A_504, %dma_wait3A_505] : memref<40064x32xf32, #tpu.memory_space<hbm>> -> memref<128x32xf32, #tpu.memory_space<hbm>>
      tpu.wait_dma2 semaphore(%arg19 : memref<!tpu.dma_semaphore, #tpu.memory_space<semaphore_mem>>) src(%dma_wait3A_506 : memref<128x32xf32, #tpu.memory_space<hbm>>) dst(%arg12 : memref<128x32xf32, #tpu.memory_space<vmem>>)
      %add3A_507 = arith.constant 1 : i32
      %add3A_508 = arith.addi %mul3A_339, %add3A_507 : i32
      "tpu.region"() ({
        %run_scoped3A = tpu.sem_alloc : memref<!tpu.dma_semaphore, #tpu.memory_space<semaphore_mem>>
        %dma_start3A_512 = arith.constant 0 : i32
        %dma_start3A_513 = tpu.memref_slice %arg8[%add3A_508, %dma_start3A_512] : memref<314x128xi32, #tpu.memory_space<vmem>> -> memref<1x128xi32, #tpu.memory_space<vmem>>
        %dma_start3A_514 = tpu.memref_squeeze %dma_start3A_513 : memref<1x128xi32, #tpu.memory_space<vmem>> -> memref<128xi32, #tpu.memory_space<vmem>>
        %dma_start3A_515 = arith.constant 0 : i32
        %dma_start3A_516 = arith.constant 0 : i32
        %dma_start3A_517 = tpu.memref_slice %arg16[%dma_start3A_515, %dma_start3A_516] : memref<10016x32xf32, #tpu.memory_space<vmem_shared>> -> memref<10016x32xf32, #tpu.memory_space<vmem_shared>>
        tpu.enqueue_indirect_dma source(%arg12 : memref<128x32xf32, #tpu.memory_space<vmem>>) target(%dma_start3A_517 : memref<10016x32xf32, #tpu.memory_space<vmem_shared>>) offsets(%dma_start3A_514 : memref<128xi32, #tpu.memory_space<vmem>>) semaphore(%run_scoped3A : memref<!tpu.dma_semaphore, #tpu.memory_space<semaphore_mem>>) {add = true}
        %dma_wait3A_518 = arith.constant 0 : i32
        %dma_wait3A_519 = tpu.memref_slice %arg8[%add3A_508, %dma_wait3A_518] : memref<314x128xi32, #tpu.memory_space<vmem>> -> memref<1x128xi32, #tpu.memory_space<vmem>>
        %dma_wait3A_520 = tpu.memref_squeeze %dma_wait3A_519 : memref<1x128xi32, #tpu.memory_space<vmem>> -> memref<128xi32, #tpu.memory_space<vmem>>
        %dma_wait3A_521 = arith.constant 0 : i32
        %dma_wait3A_522 = arith.constant 0 : i32
        %dma_wait3A_523 = tpu.memref_slice %arg16[%dma_wait3A_521, %dma_wait3A_522] : memref<10016x32xf32, #tpu.memory_space<vmem_shared>> -> memref<10016x32xf32, #tpu.memory_space<vmem_shared>>
        tpu.wait_indirect_dma semaphore(%run_scoped3A : memref<!tpu.dma_semaphore, #tpu.memory_space<semaphore_mem>>) src(%arg12 : memref<128x32xf32, #tpu.memory_space<vmem>>) dst(%dma_wait3A_523 : memref<10016x32xf32, #tpu.memory_space<vmem_shared>>)
        tpu.yield
      }) : () -> ()
      %add3A_509 = arith.constant 1 : i32
      %add3A_510 = arith.addi %mul3A_339, %add3A_509 : i32
      "tpu.region"() ({
        %run_scoped3A = tpu.sem_alloc : memref<!tpu.dma_semaphore, #tpu.memory_space<semaphore_mem>>
        %dma_start3A_512 = arith.constant 0 : i32
        %dma_start3A_513 = tpu.memref_slice %arg8[%add3A_510, %dma_start3A_512] : memref<314x128xi32, #tpu.memory_space<vmem>> -> memref<1x128xi32, #tpu.memory_space<vmem>>
        %dma_start3A_514 = tpu.memref_squeeze %dma_start3A_513 : memref<1x128xi32, #tpu.memory_space<vmem>> -> memref<128xi32, #tpu.memory_space<vmem>>
        %dma_start3A_515 = arith.constant 0 : i32
        %dma_start3A_516 = arith.constant 0 : i32
        %dma_start3A_517 = tpu.memref_slice %arg17[%dma_start3A_515, %dma_start3A_516] : memref<10016x16xf32, #tpu.memory_space<vmem_shared>> -> memref<10016x16xf32, #tpu.memory_space<vmem_shared>>
        tpu.enqueue_indirect_dma source(%arg13 : memref<128x16xf32, #tpu.memory_space<vmem>>) target(%dma_start3A_517 : memref<10016x16xf32, #tpu.memory_space<vmem_shared>>) offsets(%dma_start3A_514 : memref<128xi32, #tpu.memory_space<vmem>>) semaphore(%run_scoped3A : memref<!tpu.dma_semaphore, #tpu.memory_space<semaphore_mem>>) {add = true}
        %dma_wait3A_518 = arith.constant 0 : i32
        %dma_wait3A_519 = tpu.memref_slice %arg8[%add3A_510, %dma_wait3A_518] : memref<314x128xi32, #tpu.memory_space<vmem>> -> memref<1x128xi32, #tpu.memory_space<vmem>>
        %dma_wait3A_520 = tpu.memref_squeeze %dma_wait3A_519 : memref<1x128xi32, #tpu.memory_space<vmem>> -> memref<128xi32, #tpu.memory_space<vmem>>
        %dma_wait3A_521 = arith.constant 0 : i32
        %dma_wait3A_522 = arith.constant 0 : i32
        %dma_wait3A_523 = tpu.memref_slice %arg17[%dma_wait3A_521, %dma_wait3A_522] : memref<10016x16xf32, #tpu.memory_space<vmem_shared>> -> memref<10016x16xf32, #tpu.memory_space<vmem_shared>>
        tpu.wait_indirect_dma semaphore(%run_scoped3A : memref<!tpu.dma_semaphore, #tpu.memory_space<semaphore_mem>>) src(%arg13 : memref<128x16xf32, #tpu.memory_space<vmem>>) dst(%dma_wait3A_523 : memref<10016x16xf32, #tpu.memory_space<vmem_shared>>)
        tpu.yield
      }) : () -> ()
      %scan3A_511 = arith.constant 0 : i32
      scf.yield %scan3A_511 : i32
    }
    %scan3A_132 = arith.constant 157 : i32
    %dma_wait3A = arith.constant 0 : i32
    %dma_wait3A_133 = arith.constant 0 : i32
    %dma_wait3A_134 = tpu.memref_slice %arg2[%dma_wait3A, %dma_wait3A_133] : memref<40064x32xf32, #tpu.memory_space<hbm>> -> memref<128x32xf32, #tpu.memory_space<hbm>>
    %dma_wait3A_135 = arith.constant 0 : i32
    %dma_wait3A_136 = arith.constant 0 : i32
    %dma_wait3A_137 = tpu.memref_slice %arg2[%dma_wait3A_135, %dma_wait3A_136] : memref<40064x32xf32, #tpu.memory_space<hbm>> -> memref<128x32xf32, #tpu.memory_space<hbm>>
    tpu.wait_dma2 semaphore(%arg18 : memref<!tpu.dma_semaphore, #tpu.memory_space<semaphore_mem>>) src(%dma_wait3A_137 : memref<128x32xf32, #tpu.memory_space<hbm>>) dst(%arg11 : memref<128x32xf32, #tpu.memory_space<vmem>>)
    %barrier3A_138 = arith.constant 0 : index
    tpu.barrier barrier_id(%barrier3A_138)
    %mul3A_139 = arith.constant 2 : i32
    %mul3A_140 = arith.muli %arg0, %mul3A_139 : i32
    %add3A_141 = arith.constant 0 : i32
    %add3A_142 = arith.addi %mul3A_140, %add3A_141 : i32
    %mul3A_143 = arith.constant 10016 : i32
    %mul3A_144 = arith.muli %add3A_142, %mul3A_143 : i32
    %add3A_145 = arith.addi %mul3A_144, %mul3A_16 : i32
    %add3A_146 = arith.constant 0 : i32
    %add3A_147 = arith.addi %mul3A_16, %add3A_146 : i32
    "tpu.region"() ({
      %run_scoped3A = tpu.sem_alloc : memref<!tpu.dma_semaphore, #tpu.memory_space<semaphore_mem>>
      %dma_start3A_336 = arith.constant 0 : i32
      %dma_start3A_337 = arith.constant 0 : i32
      %dma_start3A_338 = tpu.memref_slice %arg11[%dma_start3A_336, %dma_start3A_337] : memref<128x32xf32, #tpu.memory_space<vmem>> -> memref<128x32xf32, #tpu.memory_space<vmem>>
      %dma_start3A_339 = arith.constant 0 : i32
      %dma_start3A_340 = tpu.memref_slice %arg16[%add3A_147, %dma_start3A_339] : memref<10016x32xf32, #tpu.memory_space<vmem_shared>> -> memref<128x32xf32, #tpu.memory_space<vmem_shared>>
      %dma_start3A_341 = arith.constant 0 : i32
      %dma_start3A_342 = arith.constant 0 : i32
      %dma_start3A_343 = tpu.memref_slice %arg11[%dma_start3A_341, %dma_start3A_342] : memref<128x32xf32, #tpu.memory_space<vmem>> -> memref<128x32xf32, #tpu.memory_space<vmem>>
      %dma_start3A_344 = arith.constant 0 : i32
      %dma_start3A_345 = tpu.memref_slice %arg16[%add3A_147, %dma_start3A_344] : memref<10016x32xf32, #tpu.memory_space<vmem_shared>> -> memref<128x32xf32, #tpu.memory_space<vmem_shared>>
      tpu.enqueue_dma source(%dma_start3A_345 : memref<128x32xf32, #tpu.memory_space<vmem_shared>>) target(%dma_start3A_343 : memref<128x32xf32, #tpu.memory_space<vmem>>) target_semaphore(%run_scoped3A : memref<!tpu.dma_semaphore, #tpu.memory_space<semaphore_mem>>)
      %dma_wait3A_346 = arith.constant 0 : i32
      %dma_wait3A_347 = arith.constant 0 : i32
      %dma_wait3A_348 = tpu.memref_slice %arg11[%dma_wait3A_346, %dma_wait3A_347] : memref<128x32xf32, #tpu.memory_space<vmem>> -> memref<128x32xf32, #tpu.memory_space<vmem>>
      %dma_wait3A_349 = arith.constant 0 : i32
      %dma_wait3A_350 = tpu.memref_slice %arg16[%add3A_147, %dma_wait3A_349] : memref<10016x32xf32, #tpu.memory_space<vmem_shared>> -> memref<128x32xf32, #tpu.memory_space<vmem_shared>>
      %dma_wait3A_351 = arith.constant 0 : i32
      %dma_wait3A_352 = arith.constant 0 : i32
      %dma_wait3A_353 = tpu.memref_slice %arg11[%dma_wait3A_351, %dma_wait3A_352] : memref<128x32xf32, #tpu.memory_space<vmem>> -> memref<128x32xf32, #tpu.memory_space<vmem>>
      %dma_wait3A_354 = arith.constant 0 : i32
      %dma_wait3A_355 = tpu.memref_slice %arg16[%add3A_147, %dma_wait3A_354] : memref<10016x32xf32, #tpu.memory_space<vmem_shared>> -> memref<128x32xf32, #tpu.memory_space<vmem_shared>>
      tpu.wait_dma2 semaphore(%run_scoped3A : memref<!tpu.dma_semaphore, #tpu.memory_space<semaphore_mem>>) src(%dma_wait3A_355 : memref<128x32xf32, #tpu.memory_space<vmem_shared>>) dst(%dma_wait3A_353 : memref<128x32xf32, #tpu.memory_space<vmem>>)
      tpu.yield
    }) : () -> ()
    %add3A_148 = arith.constant 0 : i32
    %add3A_149 = arith.addi %add3A_145, %add3A_148 : i32
    "tpu.region"() ({
      %run_scoped3A = tpu.sem_alloc : memref<!tpu.dma_semaphore, #tpu.memory_space<semaphore_mem>>
      %dma_start3A_336 = arith.constant 0 : i32
      %dma_start3A_337 = arith.constant 0 : i32
      %dma_start3A_338 = tpu.memref_slice %arg11[%dma_start3A_336, %dma_start3A_337] : memref<128x32xf32, #tpu.memory_space<vmem>> -> memref<128x32xf32, #tpu.memory_space<vmem>>
      %dma_start3A_339 = arith.constant 0 : i32
      %dma_start3A_340 = tpu.memref_slice %arg5[%add3A_149, %dma_start3A_339] : memref<40064x32xf32, #tpu.memory_space<hbm>> -> memref<128x32xf32, #tpu.memory_space<hbm>>
      %dma_start3A_341 = arith.constant 0 : i32
      %dma_start3A_342 = tpu.memref_slice %arg5[%add3A_149, %dma_start3A_341] : memref<40064x32xf32, #tpu.memory_space<hbm>> -> memref<128x32xf32, #tpu.memory_space<hbm>>
      %dma_start3A_343 = arith.constant 0 : i32
      %dma_start3A_344 = arith.constant 0 : i32
      %dma_start3A_345 = tpu.memref_slice %arg11[%dma_start3A_343, %dma_start3A_344] : memref<128x32xf32, #tpu.memory_space<vmem>> -> memref<128x32xf32, #tpu.memory_space<vmem>>
      tpu.enqueue_dma source(%dma_start3A_345 : memref<128x32xf32, #tpu.memory_space<vmem>>) target(%dma_start3A_342 : memref<128x32xf32, #tpu.memory_space<hbm>>) target_semaphore(%run_scoped3A : memref<!tpu.dma_semaphore, #tpu.memory_space<semaphore_mem>>)
      %dma_wait3A_346 = arith.constant 0 : i32
      %dma_wait3A_347 = arith.constant 0 : i32
      %dma_wait3A_348 = tpu.memref_slice %arg11[%dma_wait3A_346, %dma_wait3A_347] : memref<128x32xf32, #tpu.memory_space<vmem>> -> memref<128x32xf32, #tpu.memory_space<vmem>>
      %dma_wait3A_349 = arith.constant 0 : i32
      %dma_wait3A_350 = tpu.memref_slice %arg5[%add3A_149, %dma_wait3A_349] : memref<40064x32xf32, #tpu.memory_space<hbm>> -> memref<128x32xf32, #tpu.memory_space<hbm>>
      %dma_wait3A_351 = arith.constant 0 : i32
      %dma_wait3A_352 = tpu.memref_slice %arg5[%add3A_149, %dma_wait3A_351] : memref<40064x32xf32, #tpu.memory_space<hbm>> -> memref<128x32xf32, #tpu.memory_space<hbm>>
      %dma_wait3A_353 = arith.constant 0 : i32
      %dma_wait3A_354 = arith.constant 0 : i32
      %dma_wait3A_355 = tpu.memref_slice %arg11[%dma_wait3A_353, %dma_wait3A_354] : memref<128x32xf32, #tpu.memory_space<vmem>> -> memref<128x32xf32, #tpu.memory_space<vmem>>
      tpu.wait_dma2 semaphore(%run_scoped3A : memref<!tpu.dma_semaphore, #tpu.memory_space<semaphore_mem>>) src(%dma_wait3A_355 : memref<128x32xf32, #tpu.memory_space<vmem>>) dst(%dma_wait3A_352 : memref<128x32xf32, #tpu.memory_space<hbm>>)
      tpu.yield
    }) : () -> ()
    %add3A_150 = arith.constant 128 : i32
    %add3A_151 = arith.addi %mul3A_16, %add3A_150 : i32
    "tpu.region"() ({
      %run_scoped3A = tpu.sem_alloc : memref<!tpu.dma_semaphore, #tpu.memory_space<semaphore_mem>>
      %dma_start3A_336 = arith.constant 0 : i32
      %dma_start3A_337 = arith.constant 0 : i32
      %dma_start3A_338 = tpu.memref_slice %arg11[%dma_start3A_336, %dma_start3A_337] : memref<128x32xf32, #tpu.memory_space<vmem>> -> memref<128x32xf32, #tpu.memory_space<vmem>>
      %dma_start3A_339 = arith.constant 0 : i32
      %dma_start3A_340 = tpu.memref_slice %arg16[%add3A_151, %dma_start3A_339] : memref<10016x32xf32, #tpu.memory_space<vmem_shared>> -> memref<128x32xf32, #tpu.memory_space<vmem_shared>>
      %dma_start3A_341 = arith.constant 0 : i32
      %dma_start3A_342 = arith.constant 0 : i32
      %dma_start3A_343 = tpu.memref_slice %arg11[%dma_start3A_341, %dma_start3A_342] : memref<128x32xf32, #tpu.memory_space<vmem>> -> memref<128x32xf32, #tpu.memory_space<vmem>>
      %dma_start3A_344 = arith.constant 0 : i32
      %dma_start3A_345 = tpu.memref_slice %arg16[%add3A_151, %dma_start3A_344] : memref<10016x32xf32, #tpu.memory_space<vmem_shared>> -> memref<128x32xf32, #tpu.memory_space<vmem_shared>>
      tpu.enqueue_dma source(%dma_start3A_345 : memref<128x32xf32, #tpu.memory_space<vmem_shared>>) target(%dma_start3A_343 : memref<128x32xf32, #tpu.memory_space<vmem>>) target_semaphore(%run_scoped3A : memref<!tpu.dma_semaphore, #tpu.memory_space<semaphore_mem>>)
      %dma_wait3A_346 = arith.constant 0 : i32
      %dma_wait3A_347 = arith.constant 0 : i32
      %dma_wait3A_348 = tpu.memref_slice %arg11[%dma_wait3A_346, %dma_wait3A_347] : memref<128x32xf32, #tpu.memory_space<vmem>> -> memref<128x32xf32, #tpu.memory_space<vmem>>
      %dma_wait3A_349 = arith.constant 0 : i32
      %dma_wait3A_350 = tpu.memref_slice %arg16[%add3A_151, %dma_wait3A_349] : memref<10016x32xf32, #tpu.memory_space<vmem_shared>> -> memref<128x32xf32, #tpu.memory_space<vmem_shared>>
      %dma_wait3A_351 = arith.constant 0 : i32
      %dma_wait3A_352 = arith.constant 0 : i32
      %dma_wait3A_353 = tpu.memref_slice %arg11[%dma_wait3A_351, %dma_wait3A_352] : memref<128x32xf32, #tpu.memory_space<vmem>> -> memref<128x32xf32, #tpu.memory_space<vmem>>
      %dma_wait3A_354 = arith.constant 0 : i32
      %dma_wait3A_355 = tpu.memref_slice %arg16[%add3A_151, %dma_wait3A_354] : memref<10016x32xf32, #tpu.memory_space<vmem_shared>> -> memref<128x32xf32, #tpu.memory_space<vmem_shared>>
      tpu.wait_dma2 semaphore(%run_scoped3A : memref<!tpu.dma_semaphore, #tpu.memory_space<semaphore_mem>>) src(%dma_wait3A_355 : memref<128x32xf32, #tpu.memory_space<vmem_shared>>) dst(%dma_wait3A_353 : memref<128x32xf32, #tpu.memory_space<vmem>>)
      tpu.yield
    }) : () -> ()
    %add3A_152 = arith.constant 128 : i32
    %add3A_153 = arith.addi %add3A_145, %add3A_152 : i32
    "tpu.region"() ({
      %run_scoped3A = tpu.sem_alloc : memref<!tpu.dma_semaphore, #tpu.memory_space<semaphore_mem>>
      %dma_start3A_336 = arith.constant 0 : i32
      %dma_start3A_337 = arith.constant 0 : i32
      %dma_start3A_338 = tpu.memref_slice %arg11[%dma_start3A_336, %dma_start3A_337] : memref<128x32xf32, #tpu.memory_space<vmem>> -> memref<128x32xf32, #tpu.memory_space<vmem>>
      %dma_start3A_339 = arith.constant 0 : i32
      %dma_start3A_340 = tpu.memref_slice %arg5[%add3A_153, %dma_start3A_339] : memref<40064x32xf32, #tpu.memory_space<hbm>> -> memref<128x32xf32, #tpu.memory_space<hbm>>
      %dma_start3A_341 = arith.constant 0 : i32
      %dma_start3A_342 = tpu.memref_slice %arg5[%add3A_153, %dma_start3A_341] : memref<40064x32xf32, #tpu.memory_space<hbm>> -> memref<128x32xf32, #tpu.memory_space<hbm>>
      %dma_start3A_343 = arith.constant 0 : i32
      %dma_start3A_344 = arith.constant 0 : i32
      %dma_start3A_345 = tpu.memref_slice %arg11[%dma_start3A_343, %dma_start3A_344] : memref<128x32xf32, #tpu.memory_space<vmem>> -> memref<128x32xf32, #tpu.memory_space<vmem>>
      tpu.enqueue_dma source(%dma_start3A_345 : memref<128x32xf32, #tpu.memory_space<vmem>>) target(%dma_start3A_342 : memref<128x32xf32, #tpu.memory_space<hbm>>) target_semaphore(%run_scoped3A : memref<!tpu.dma_semaphore, #tpu.memory_space<semaphore_mem>>)
      %dma_wait3A_346 = arith.constant 0 : i32
      %dma_wait3A_347 = arith.constant 0 : i32
      %dma_wait3A_348 = tpu.memref_slice %arg11[%dma_wait3A_346, %dma_wait3A_347] : memref<128x32xf32, #tpu.memory_space<vmem>> -> memref<128x32xf32, #tpu.memory_space<vmem>>
      %dma_wait3A_349 = arith.constant 0 : i32
      %dma_wait3A_350 = tpu.memref_slice %arg5[%add3A_153, %dma_wait3A_349] : memref<40064x32xf32, #tpu.memory_space<hbm>> -> memref<128x32xf32, #tpu.memory_space<hbm>>
      %dma_wait3A_351 = arith.constant 0 : i32
      %dma_wait3A_352 = tpu.memref_slice %arg5[%add3A_153, %dma_wait3A_351] : memref<40064x32xf32, #tpu.memory_space<hbm>> -> memref<128x32xf32, #tpu.memory_space<hbm>>
      %dma_wait3A_353 = arith.constant 0 : i32
      %dma_wait3A_354 = arith.constant 0 : i32
      %dma_wait3A_355 = tpu.memref_slice %arg11[%dma_wait3A_353, %dma_wait3A_354] : memref<128x32xf32, #tpu.memory_space<vmem>> -> memref<128x32xf32, #tpu.memory_space<vmem>>
      tpu.wait_dma2 semaphore(%run_scoped3A : memref<!tpu.dma_semaphore, #tpu.memory_space<semaphore_mem>>) src(%dma_wait3A_355 : memref<128x32xf32, #tpu.memory_space<vmem>>) dst(%dma_wait3A_352 : memref<128x32xf32, #tpu.memory_space<hbm>>)
      tpu.yield
    }) : () -> ()
    %add3A_154 = arith.constant 256 : i32
    %add3A_155 = arith.addi %mul3A_16, %add3A_154 : i32
    "tpu.region"() ({
      %run_scoped3A = tpu.sem_alloc : memref<!tpu.dma_semaphore, #tpu.memory_space<semaphore_mem>>
      %dma_start3A_336 = arith.constant 0 : i32
      %dma_start3A_337 = arith.constant 0 : i32
      %dma_start3A_338 = tpu.memref_slice %arg11[%dma_start3A_336, %dma_start3A_337] : memref<128x32xf32, #tpu.memory_space<vmem>> -> memref<128x32xf32, #tpu.memory_space<vmem>>
      %dma_start3A_339 = arith.constant 0 : i32
      %dma_start3A_340 = tpu.memref_slice %arg16[%add3A_155, %dma_start3A_339] : memref<10016x32xf32, #tpu.memory_space<vmem_shared>> -> memref<128x32xf32, #tpu.memory_space<vmem_shared>>
      %dma_start3A_341 = arith.constant 0 : i32
      %dma_start3A_342 = arith.constant 0 : i32
      %dma_start3A_343 = tpu.memref_slice %arg11[%dma_start3A_341, %dma_start3A_342] : memref<128x32xf32, #tpu.memory_space<vmem>> -> memref<128x32xf32, #tpu.memory_space<vmem>>
      %dma_start3A_344 = arith.constant 0 : i32
      %dma_start3A_345 = tpu.memref_slice %arg16[%add3A_155, %dma_start3A_344] : memref<10016x32xf32, #tpu.memory_space<vmem_shared>> -> memref<128x32xf32, #tpu.memory_space<vmem_shared>>
      tpu.enqueue_dma source(%dma_start3A_345 : memref<128x32xf32, #tpu.memory_space<vmem_shared>>) target(%dma_start3A_343 : memref<128x32xf32, #tpu.memory_space<vmem>>) target_semaphore(%run_scoped3A : memref<!tpu.dma_semaphore, #tpu.memory_space<semaphore_mem>>)
      %dma_wait3A_346 = arith.constant 0 : i32
      %dma_wait3A_347 = arith.constant 0 : i32
      %dma_wait3A_348 = tpu.memref_slice %arg11[%dma_wait3A_346, %dma_wait3A_347] : memref<128x32xf32, #tpu.memory_space<vmem>> -> memref<128x32xf32, #tpu.memory_space<vmem>>
      %dma_wait3A_349 = arith.constant 0 : i32
      %dma_wait3A_350 = tpu.memref_slice %arg16[%add3A_155, %dma_wait3A_349] : memref<10016x32xf32, #tpu.memory_space<vmem_shared>> -> memref<128x32xf32, #tpu.memory_space<vmem_shared>>
      %dma_wait3A_351 = arith.constant 0 : i32
      %dma_wait3A_352 = arith.constant 0 : i32
      %dma_wait3A_353 = tpu.memref_slice %arg11[%dma_wait3A_351, %dma_wait3A_352] : memref<128x32xf32, #tpu.memory_space<vmem>> -> memref<128x32xf32, #tpu.memory_space<vmem>>
      %dma_wait3A_354 = arith.constant 0 : i32
      %dma_wait3A_355 = tpu.memref_slice %arg16[%add3A_155, %dma_wait3A_354] : memref<10016x32xf32, #tpu.memory_space<vmem_shared>> -> memref<128x32xf32, #tpu.memory_space<vmem_shared>>
      tpu.wait_dma2 semaphore(%run_scoped3A : memref<!tpu.dma_semaphore, #tpu.memory_space<semaphore_mem>>) src(%dma_wait3A_355 : memref<128x32xf32, #tpu.memory_space<vmem_shared>>) dst(%dma_wait3A_353 : memref<128x32xf32, #tpu.memory_space<vmem>>)
      tpu.yield
    }) : () -> ()
    %add3A_156 = arith.constant 256 : i32
    %add3A_157 = arith.addi %add3A_145, %add3A_156 : i32
    "tpu.region"() ({
      %run_scoped3A = tpu.sem_alloc : memref<!tpu.dma_semaphore, #tpu.memory_space<semaphore_mem>>
      %dma_start3A_336 = arith.constant 0 : i32
      %dma_start3A_337 = arith.constant 0 : i32
      %dma_start3A_338 = tpu.memref_slice %arg11[%dma_start3A_336, %dma_start3A_337] : memref<128x32xf32, #tpu.memory_space<vmem>> -> memref<128x32xf32, #tpu.memory_space<vmem>>
      %dma_start3A_339 = arith.constant 0 : i32
      %dma_start3A_340 = tpu.memref_slice %arg5[%add3A_157, %dma_start3A_339] : memref<40064x32xf32, #tpu.memory_space<hbm>> -> memref<128x32xf32, #tpu.memory_space<hbm>>
      %dma_start3A_341 = arith.constant 0 : i32
      %dma_start3A_342 = tpu.memref_slice %arg5[%add3A_157, %dma_start3A_341] : memref<40064x32xf32, #tpu.memory_space<hbm>> -> memref<128x32xf32, #tpu.memory_space<hbm>>
      %dma_start3A_343 = arith.constant 0 : i32
      %dma_start3A_344 = arith.constant 0 : i32
      %dma_start3A_345 = tpu.memref_slice %arg11[%dma_start3A_343, %dma_start3A_344] : memref<128x32xf32, #tpu.memory_space<vmem>> -> memref<128x32xf32, #tpu.memory_space<vmem>>
      tpu.enqueue_dma source(%dma_start3A_345 : memref<128x32xf32, #tpu.memory_space<vmem>>) target(%dma_start3A_342 : memref<128x32xf32, #tpu.memory_space<hbm>>) target_semaphore(%run_scoped3A : memref<!tpu.dma_semaphore, #tpu.memory_space<semaphore_mem>>)
      %dma_wait3A_346 = arith.constant 0 : i32
      %dma_wait3A_347 = arith.constant 0 : i32
      %dma_wait3A_348 = tpu.memref_slice %arg11[%dma_wait3A_346, %dma_wait3A_347] : memref<128x32xf32, #tpu.memory_space<vmem>> -> memref<128x32xf32, #tpu.memory_space<vmem>>
      %dma_wait3A_349 = arith.constant 0 : i32
      %dma_wait3A_350 = tpu.memref_slice %arg5[%add3A_157, %dma_wait3A_349] : memref<40064x32xf32, #tpu.memory_space<hbm>> -> memref<128x32xf32, #tpu.memory_space<hbm>>
      %dma_wait3A_351 = arith.constant 0 : i32
      %dma_wait3A_352 = tpu.memref_slice %arg5[%add3A_157, %dma_wait3A_351] : memref<40064x32xf32, #tpu.memory_space<hbm>> -> memref<128x32xf32, #tpu.memory_space<hbm>>
      %dma_wait3A_353 = arith.constant 0 : i32
      %dma_wait3A_354 = arith.constant 0 : i32
      %dma_wait3A_355 = tpu.memref_slice %arg11[%dma_wait3A_353, %dma_wait3A_354] : memref<128x32xf32, #tpu.memory_space<vmem>> -> memref<128x32xf32, #tpu.memory_space<vmem>>
      tpu.wait_dma2 semaphore(%run_scoped3A : memref<!tpu.dma_semaphore, #tpu.memory_space<semaphore_mem>>) src(%dma_wait3A_355 : memref<128x32xf32, #tpu.memory_space<vmem>>) dst(%dma_wait3A_352 : memref<128x32xf32, #tpu.memory_space<hbm>>)
      tpu.yield
    }) : () -> ()
    %add3A_158 = arith.constant 384 : i32
    %add3A_159 = arith.addi %mul3A_16, %add3A_158 : i32
    "tpu.region"() ({
      %run_scoped3A = tpu.sem_alloc : memref<!tpu.dma_semaphore, #tpu.memory_space<semaphore_mem>>
      %dma_start3A_336 = arith.constant 0 : i32
      %dma_start3A_337 = arith.constant 0 : i32
      %dma_start3A_338 = tpu.memref_slice %arg11[%dma_start3A_336, %dma_start3A_337] : memref<128x32xf32, #tpu.memory_space<vmem>> -> memref<128x32xf32, #tpu.memory_space<vmem>>
      %dma_start3A_339 = arith.constant 0 : i32
      %dma_start3A_340 = tpu.memref_slice %arg16[%add3A_159, %dma_start3A_339] : memref<10016x32xf32, #tpu.memory_space<vmem_shared>> -> memref<128x32xf32, #tpu.memory_space<vmem_shared>>
      %dma_start3A_341 = arith.constant 0 : i32
      %dma_start3A_342 = arith.constant 0 : i32
      %dma_start3A_343 = tpu.memref_slice %arg11[%dma_start3A_341, %dma_start3A_342] : memref<128x32xf32, #tpu.memory_space<vmem>> -> memref<128x32xf32, #tpu.memory_space<vmem>>
      %dma_start3A_344 = arith.constant 0 : i32
      %dma_start3A_345 = tpu.memref_slice %arg16[%add3A_159, %dma_start3A_344] : memref<10016x32xf32, #tpu.memory_space<vmem_shared>> -> memref<128x32xf32, #tpu.memory_space<vmem_shared>>
      tpu.enqueue_dma source(%dma_start3A_345 : memref<128x32xf32, #tpu.memory_space<vmem_shared>>) target(%dma_start3A_343 : memref<128x32xf32, #tpu.memory_space<vmem>>) target_semaphore(%run_scoped3A : memref<!tpu.dma_semaphore, #tpu.memory_space<semaphore_mem>>)
      %dma_wait3A_346 = arith.constant 0 : i32
      %dma_wait3A_347 = arith.constant 0 : i32
      %dma_wait3A_348 = tpu.memref_slice %arg11[%dma_wait3A_346, %dma_wait3A_347] : memref<128x32xf32, #tpu.memory_space<vmem>> -> memref<128x32xf32, #tpu.memory_space<vmem>>
      %dma_wait3A_349 = arith.constant 0 : i32
      %dma_wait3A_350 = tpu.memref_slice %arg16[%add3A_159, %dma_wait3A_349] : memref<10016x32xf32, #tpu.memory_space<vmem_shared>> -> memref<128x32xf32, #tpu.memory_space<vmem_shared>>
      %dma_wait3A_351 = arith.constant 0 : i32
      %dma_wait3A_352 = arith.constant 0 : i32
      %dma_wait3A_353 = tpu.memref_slice %arg11[%dma_wait3A_351, %dma_wait3A_352] : memref<128x32xf32, #tpu.memory_space<vmem>> -> memref<128x32xf32, #tpu.memory_space<vmem>>
      %dma_wait3A_354 = arith.constant 0 : i32
      %dma_wait3A_355 = tpu.memref_slice %arg16[%add3A_159, %dma_wait3A_354] : memref<10016x32xf32, #tpu.memory_space<vmem_shared>> -> memref<128x32xf32, #tpu.memory_space<vmem_shared>>
      tpu.wait_dma2 semaphore(%run_scoped3A : memref<!tpu.dma_semaphore, #tpu.memory_space<semaphore_mem>>) src(%dma_wait3A_355 : memref<128x32xf32, #tpu.memory_space<vmem_shared>>) dst(%dma_wait3A_353 : memref<128x32xf32, #tpu.memory_space<vmem>>)
      tpu.yield
    }) : () -> ()
    %add3A_160 = arith.constant 384 : i32
    %add3A_161 = arith.addi %add3A_145, %add3A_160 : i32
    "tpu.region"() ({
      %run_scoped3A = tpu.sem_alloc : memref<!tpu.dma_semaphore, #tpu.memory_space<semaphore_mem>>
      %dma_start3A_336 = arith.constant 0 : i32
      %dma_start3A_337 = arith.constant 0 : i32
      %dma_start3A_338 = tpu.memref_slice %arg11[%dma_start3A_336, %dma_start3A_337] : memref<128x32xf32, #tpu.memory_space<vmem>> -> memref<128x32xf32, #tpu.memory_space<vmem>>
      %dma_start3A_339 = arith.constant 0 : i32
      %dma_start3A_340 = tpu.memref_slice %arg5[%add3A_161, %dma_start3A_339] : memref<40064x32xf32, #tpu.memory_space<hbm>> -> memref<128x32xf32, #tpu.memory_space<hbm>>
      %dma_start3A_341 = arith.constant 0 : i32
      %dma_start3A_342 = tpu.memref_slice %arg5[%add3A_161, %dma_start3A_341] : memref<40064x32xf32, #tpu.memory_space<hbm>> -> memref<128x32xf32, #tpu.memory_space<hbm>>
      %dma_start3A_343 = arith.constant 0 : i32
      %dma_start3A_344 = arith.constant 0 : i32
      %dma_start3A_345 = tpu.memref_slice %arg11[%dma_start3A_343, %dma_start3A_344] : memref<128x32xf32, #tpu.memory_space<vmem>> -> memref<128x32xf32, #tpu.memory_space<vmem>>
      tpu.enqueue_dma source(%dma_start3A_345 : memref<128x32xf32, #tpu.memory_space<vmem>>) target(%dma_start3A_342 : memref<128x32xf32, #tpu.memory_space<hbm>>) target_semaphore(%run_scoped3A : memref<!tpu.dma_semaphore, #tpu.memory_space<semaphore_mem>>)
      %dma_wait3A_346 = arith.constant 0 : i32
      %dma_wait3A_347 = arith.constant 0 : i32
      %dma_wait3A_348 = tpu.memref_slice %arg11[%dma_wait3A_346, %dma_wait3A_347] : memref<128x32xf32, #tpu.memory_space<vmem>> -> memref<128x32xf32, #tpu.memory_space<vmem>>
      %dma_wait3A_349 = arith.constant 0 : i32
      %dma_wait3A_350 = tpu.memref_slice %arg5[%add3A_161, %dma_wait3A_349] : memref<40064x32xf32, #tpu.memory_space<hbm>> -> memref<128x32xf32, #tpu.memory_space<hbm>>
      %dma_wait3A_351 = arith.constant 0 : i32
      %dma_wait3A_352 = tpu.memref_slice %arg5[%add3A_161, %dma_wait3A_351] : memref<40064x32xf32, #tpu.memory_space<hbm>> -> memref<128x32xf32, #tpu.memory_space<hbm>>
      %dma_wait3A_353 = arith.constant 0 : i32
      %dma_wait3A_354 = arith.constant 0 : i32
      %dma_wait3A_355 = tpu.memref_slice %arg11[%dma_wait3A_353, %dma_wait3A_354] : memref<128x32xf32, #tpu.memory_space<vmem>> -> memref<128x32xf32, #tpu.memory_space<vmem>>
      tpu.wait_dma2 semaphore(%run_scoped3A : memref<!tpu.dma_semaphore, #tpu.memory_space<semaphore_mem>>) src(%dma_wait3A_355 : memref<128x32xf32, #tpu.memory_space<vmem>>) dst(%dma_wait3A_352 : memref<128x32xf32, #tpu.memory_space<hbm>>)
      tpu.yield
    }) : () -> ()
    %add3A_162 = arith.constant 512 : i32
    %add3A_163 = arith.addi %mul3A_16, %add3A_162 : i32
    "tpu.region"() ({
      %run_scoped3A = tpu.sem_alloc : memref<!tpu.dma_semaphore, #tpu.memory_space<semaphore_mem>>
      %dma_start3A_336 = arith.constant 0 : i32
      %dma_start3A_337 = arith.constant 0 : i32
      %dma_start3A_338 = tpu.memref_slice %arg11[%dma_start3A_336, %dma_start3A_337] : memref<128x32xf32, #tpu.memory_space<vmem>> -> memref<114x32xf32, #tpu.memory_space<vmem>>
      %dma_start3A_339 = arith.constant 0 : i32
      %dma_start3A_340 = tpu.memref_slice %arg16[%add3A_163, %dma_start3A_339] : memref<10016x32xf32, #tpu.memory_space<vmem_shared>> -> memref<114x32xf32, #tpu.memory_space<vmem_shared>>
      %dma_start3A_341 = arith.constant 0 : i32
      %dma_start3A_342 = arith.constant 0 : i32
      %dma_start3A_343 = tpu.memref_slice %arg11[%dma_start3A_341, %dma_start3A_342] : memref<128x32xf32, #tpu.memory_space<vmem>> -> memref<114x32xf32, #tpu.memory_space<vmem>>
      %dma_start3A_344 = arith.constant 0 : i32
      %dma_start3A_345 = tpu.memref_slice %arg16[%add3A_163, %dma_start3A_344] : memref<10016x32xf32, #tpu.memory_space<vmem_shared>> -> memref<114x32xf32, #tpu.memory_space<vmem_shared>>
      tpu.enqueue_dma source(%dma_start3A_345 : memref<114x32xf32, #tpu.memory_space<vmem_shared>>) target(%dma_start3A_343 : memref<114x32xf32, #tpu.memory_space<vmem>>) target_semaphore(%run_scoped3A : memref<!tpu.dma_semaphore, #tpu.memory_space<semaphore_mem>>)
      %dma_wait3A_346 = arith.constant 0 : i32
      %dma_wait3A_347 = arith.constant 0 : i32
      %dma_wait3A_348 = tpu.memref_slice %arg11[%dma_wait3A_346, %dma_wait3A_347] : memref<128x32xf32, #tpu.memory_space<vmem>> -> memref<114x32xf32, #tpu.memory_space<vmem>>
      %dma_wait3A_349 = arith.constant 0 : i32
      %dma_wait3A_350 = tpu.memref_slice %arg16[%add3A_163, %dma_wait3A_349] : memref<10016x32xf32, #tpu.memory_space<vmem_shared>> -> memref<114x32xf32, #tpu.memory_space<vmem_shared>>
      %dma_wait3A_351 = arith.constant 0 : i32
      %dma_wait3A_352 = arith.constant 0 : i32
      %dma_wait3A_353 = tpu.memref_slice %arg11[%dma_wait3A_351, %dma_wait3A_352] : memref<128x32xf32, #tpu.memory_space<vmem>> -> memref<114x32xf32, #tpu.memory_space<vmem>>
      %dma_wait3A_354 = arith.constant 0 : i32
      %dma_wait3A_355 = tpu.memref_slice %arg16[%add3A_163, %dma_wait3A_354] : memref<10016x32xf32, #tpu.memory_space<vmem_shared>> -> memref<114x32xf32, #tpu.memory_space<vmem_shared>>
      tpu.wait_dma2 semaphore(%run_scoped3A : memref<!tpu.dma_semaphore, #tpu.memory_space<semaphore_mem>>) src(%dma_wait3A_355 : memref<114x32xf32, #tpu.memory_space<vmem_shared>>) dst(%dma_wait3A_353 : memref<114x32xf32, #tpu.memory_space<vmem>>)
      tpu.yield
    }) : () -> ()
    %add3A_164 = arith.constant 512 : i32
    %add3A_165 = arith.addi %add3A_145, %add3A_164 : i32
    "tpu.region"() ({
      %run_scoped3A = tpu.sem_alloc : memref<!tpu.dma_semaphore, #tpu.memory_space<semaphore_mem>>
      %dma_start3A_336 = arith.constant 0 : i32
      %dma_start3A_337 = arith.constant 0 : i32
      %dma_start3A_338 = tpu.memref_slice %arg11[%dma_start3A_336, %dma_start3A_337] : memref<128x32xf32, #tpu.memory_space<vmem>> -> memref<114x32xf32, #tpu.memory_space<vmem>>
      %dma_start3A_339 = arith.constant 0 : i32
      %dma_start3A_340 = tpu.memref_slice %arg5[%add3A_165, %dma_start3A_339] : memref<40064x32xf32, #tpu.memory_space<hbm>> -> memref<114x32xf32, #tpu.memory_space<hbm>>
      %dma_start3A_341 = arith.constant 0 : i32
      %dma_start3A_342 = tpu.memref_slice %arg5[%add3A_165, %dma_start3A_341] : memref<40064x32xf32, #tpu.memory_space<hbm>> -> memref<114x32xf32, #tpu.memory_space<hbm>>
      %dma_start3A_343 = arith.constant 0 : i32
      %dma_start3A_344 = arith.constant 0 : i32
      %dma_start3A_345 = tpu.memref_slice %arg11[%dma_start3A_343, %dma_start3A_344] : memref<128x32xf32, #tpu.memory_space<vmem>> -> memref<114x32xf32, #tpu.memory_space<vmem>>
      tpu.enqueue_dma source(%dma_start3A_345 : memref<114x32xf32, #tpu.memory_space<vmem>>) target(%dma_start3A_342 : memref<114x32xf32, #tpu.memory_space<hbm>>) target_semaphore(%run_scoped3A : memref<!tpu.dma_semaphore, #tpu.memory_space<semaphore_mem>>)
      %dma_wait3A_346 = arith.constant 0 : i32
      %dma_wait3A_347 = arith.constant 0 : i32
      %dma_wait3A_348 = tpu.memref_slice %arg11[%dma_wait3A_346, %dma_wait3A_347] : memref<128x32xf32, #tpu.memory_space<vmem>> -> memref<114x32xf32, #tpu.memory_space<vmem>>
      %dma_wait3A_349 = arith.constant 0 : i32
      %dma_wait3A_350 = tpu.memref_slice %arg5[%add3A_165, %dma_wait3A_349] : memref<40064x32xf32, #tpu.memory_space<hbm>> -> memref<114x32xf32, #tpu.memory_space<hbm>>
      %dma_wait3A_351 = arith.constant 0 : i32
      %dma_wait3A_352 = tpu.memref_slice %arg5[%add3A_165, %dma_wait3A_351] : memref<40064x32xf32, #tpu.memory_space<hbm>> -> memref<114x32xf32, #tpu.memory_space<hbm>>
      %dma_wait3A_353 = arith.constant 0 : i32
      %dma_wait3A_354 = arith.constant 0 : i32
      %dma_wait3A_355 = tpu.memref_slice %arg11[%dma_wait3A_353, %dma_wait3A_354] : memref<128x32xf32, #tpu.memory_space<vmem>> -> memref<114x32xf32, #tpu.memory_space<vmem>>
      tpu.wait_dma2 semaphore(%run_scoped3A : memref<!tpu.dma_semaphore, #tpu.memory_space<semaphore_mem>>) src(%dma_wait3A_355 : memref<114x32xf32, #tpu.memory_space<vmem>>) dst(%dma_wait3A_352 : memref<114x32xf32, #tpu.memory_space<hbm>>)
      tpu.yield
    }) : () -> ()
    %mul3A_166 = arith.constant 10016 : i32
    %mul3A_167 = arith.muli %arg0, %mul3A_166 : i32
    %add3A_168 = arith.addi %mul3A_167, %mul3A_16 : i32
    %add3A_169 = arith.constant 0 : i32
    %add3A_170 = arith.addi %mul3A_16, %add3A_169 : i32
    "tpu.region"() ({
      %run_scoped3A = tpu.sem_alloc : memref<!tpu.dma_semaphore, #tpu.memory_space<semaphore_mem>>
      %dma_start3A_336 = arith.constant 0 : i32
      %dma_start3A_337 = arith.constant 0 : i32
      %dma_start3A_338 = tpu.memref_slice %arg15[%dma_start3A_336, %dma_start3A_337] : memref<128x16xf32, #tpu.memory_space<vmem>> -> memref<128x16xf32, #tpu.memory_space<vmem>>
      %dma_start3A_339 = arith.constant 0 : i32
      %dma_start3A_340 = tpu.memref_slice %arg17[%add3A_170, %dma_start3A_339] : memref<10016x16xf32, #tpu.memory_space<vmem_shared>> -> memref<128x16xf32, #tpu.memory_space<vmem_shared>>
      %dma_start3A_341 = arith.constant 0 : i32
      %dma_start3A_342 = arith.constant 0 : i32
      %dma_start3A_343 = tpu.memref_slice %arg15[%dma_start3A_341, %dma_start3A_342] : memref<128x16xf32, #tpu.memory_space<vmem>> -> memref<128x16xf32, #tpu.memory_space<vmem>>
      %dma_start3A_344 = arith.constant 0 : i32
      %dma_start3A_345 = tpu.memref_slice %arg17[%add3A_170, %dma_start3A_344] : memref<10016x16xf32, #tpu.memory_space<vmem_shared>> -> memref<128x16xf32, #tpu.memory_space<vmem_shared>>
      tpu.enqueue_dma source(%dma_start3A_345 : memref<128x16xf32, #tpu.memory_space<vmem_shared>>) target(%dma_start3A_343 : memref<128x16xf32, #tpu.memory_space<vmem>>) target_semaphore(%run_scoped3A : memref<!tpu.dma_semaphore, #tpu.memory_space<semaphore_mem>>)
      %dma_wait3A_346 = arith.constant 0 : i32
      %dma_wait3A_347 = arith.constant 0 : i32
      %dma_wait3A_348 = tpu.memref_slice %arg15[%dma_wait3A_346, %dma_wait3A_347] : memref<128x16xf32, #tpu.memory_space<vmem>> -> memref<128x16xf32, #tpu.memory_space<vmem>>
      %dma_wait3A_349 = arith.constant 0 : i32
      %dma_wait3A_350 = tpu.memref_slice %arg17[%add3A_170, %dma_wait3A_349] : memref<10016x16xf32, #tpu.memory_space<vmem_shared>> -> memref<128x16xf32, #tpu.memory_space<vmem_shared>>
      %dma_wait3A_351 = arith.constant 0 : i32
      %dma_wait3A_352 = arith.constant 0 : i32
      %dma_wait3A_353 = tpu.memref_slice %arg15[%dma_wait3A_351, %dma_wait3A_352] : memref<128x16xf32, #tpu.memory_space<vmem>> -> memref<128x16xf32, #tpu.memory_space<vmem>>
      %dma_wait3A_354 = arith.constant 0 : i32
      %dma_wait3A_355 = tpu.memref_slice %arg17[%add3A_170, %dma_wait3A_354] : memref<10016x16xf32, #tpu.memory_space<vmem_shared>> -> memref<128x16xf32, #tpu.memory_space<vmem_shared>>
      tpu.wait_dma2 semaphore(%run_scoped3A : memref<!tpu.dma_semaphore, #tpu.memory_space<semaphore_mem>>) src(%dma_wait3A_355 : memref<128x16xf32, #tpu.memory_space<vmem_shared>>) dst(%dma_wait3A_353 : memref<128x16xf32, #tpu.memory_space<vmem>>)
      tpu.yield
    }) : () -> ()
    %add3A_171 = arith.constant 0 : i32
    %add3A_172 = arith.addi %add3A_168, %add3A_171 : i32
    "tpu.region"() ({
      %run_scoped3A = tpu.sem_alloc : memref<!tpu.dma_semaphore, #tpu.memory_space<semaphore_mem>>
      %dma_start3A_336 = arith.constant 0 : i32
      %dma_start3A_337 = arith.constant 0 : i32
      %dma_start3A_338 = tpu.memref_slice %arg15[%dma_start3A_336, %dma_start3A_337] : memref<128x16xf32, #tpu.memory_space<vmem>> -> memref<128x16xf32, #tpu.memory_space<vmem>>
      %dma_start3A_339 = arith.constant 0 : i32
      %dma_start3A_340 = tpu.memref_slice %arg6[%add3A_172, %dma_start3A_339] : memref<20032x16xf32, #tpu.memory_space<hbm>> -> memref<128x16xf32, #tpu.memory_space<hbm>>
      %dma_start3A_341 = arith.constant 0 : i32
      %dma_start3A_342 = tpu.memref_slice %arg6[%add3A_172, %dma_start3A_341] : memref<20032x16xf32, #tpu.memory_space<hbm>> -> memref<128x16xf32, #tpu.memory_space<hbm>>
      %dma_start3A_343 = arith.constant 0 : i32
      %dma_start3A_344 = arith.constant 0 : i32
      %dma_start3A_345 = tpu.memref_slice %arg15[%dma_start3A_343, %dma_start3A_344] : memref<128x16xf32, #tpu.memory_space<vmem>> -> memref<128x16xf32, #tpu.memory_space<vmem>>
      tpu.enqueue_dma source(%dma_start3A_345 : memref<128x16xf32, #tpu.memory_space<vmem>>) target(%dma_start3A_342 : memref<128x16xf32, #tpu.memory_space<hbm>>) target_semaphore(%run_scoped3A : memref<!tpu.dma_semaphore, #tpu.memory_space<semaphore_mem>>)
      %dma_wait3A_346 = arith.constant 0 : i32
      %dma_wait3A_347 = arith.constant 0 : i32
      %dma_wait3A_348 = tpu.memref_slice %arg15[%dma_wait3A_346, %dma_wait3A_347] : memref<128x16xf32, #tpu.memory_space<vmem>> -> memref<128x16xf32, #tpu.memory_space<vmem>>
      %dma_wait3A_349 = arith.constant 0 : i32
      %dma_wait3A_350 = tpu.memref_slice %arg6[%add3A_172, %dma_wait3A_349] : memref<20032x16xf32, #tpu.memory_space<hbm>> -> memref<128x16xf32, #tpu.memory_space<hbm>>
      %dma_wait3A_351 = arith.constant 0 : i32
      %dma_wait3A_352 = tpu.memref_slice %arg6[%add3A_172, %dma_wait3A_351] : memref<20032x16xf32, #tpu.memory_space<hbm>> -> memref<128x16xf32, #tpu.memory_space<hbm>>
      %dma_wait3A_353 = arith.constant 0 : i32
      %dma_wait3A_354 = arith.constant 0 : i32
      %dma_wait3A_355 = tpu.memref_slice %arg15[%dma_wait3A_353, %dma_wait3A_354] : memref<128x16xf32, #tpu.memory_space<vmem>> -> memref<128x16xf32, #tpu.memory_space<vmem>>
      tpu.wait_dma2 semaphore(%run_scoped3A : memref<!tpu.dma_semaphore, #tpu.memory_space<semaphore_mem>>) src(%dma_wait3A_355 : memref<128x16xf32, #tpu.memory_space<vmem>>) dst(%dma_wait3A_352 : memref<128x16xf32, #tpu.memory_space<hbm>>)
      tpu.yield
    }) : () -> ()
    %add3A_173 = arith.constant 128 : i32
    %add3A_174 = arith.addi %mul3A_16, %add3A_173 : i32
    "tpu.region"() ({
      %run_scoped3A = tpu.sem_alloc : memref<!tpu.dma_semaphore, #tpu.memory_space<semaphore_mem>>
      %dma_start3A_336 = arith.constant 0 : i32
      %dma_start3A_337 = arith.constant 0 : i32
      %dma_start3A_338 = tpu.memref_slice %arg15[%dma_start3A_336, %dma_start3A_337] : memref<128x16xf32, #tpu.memory_space<vmem>> -> memref<128x16xf32, #tpu.memory_space<vmem>>
      %dma_start3A_339 = arith.constant 0 : i32
      %dma_start3A_340 = tpu.memref_slice %arg17[%add3A_174, %dma_start3A_339] : memref<10016x16xf32, #tpu.memory_space<vmem_shared>> -> memref<128x16xf32, #tpu.memory_space<vmem_shared>>
      %dma_start3A_341 = arith.constant 0 : i32
      %dma_start3A_342 = arith.constant 0 : i32
      %dma_start3A_343 = tpu.memref_slice %arg15[%dma_start3A_341, %dma_start3A_342] : memref<128x16xf32, #tpu.memory_space<vmem>> -> memref<128x16xf32, #tpu.memory_space<vmem>>
      %dma_start3A_344 = arith.constant 0 : i32
      %dma_start3A_345 = tpu.memref_slice %arg17[%add3A_174, %dma_start3A_344] : memref<10016x16xf32, #tpu.memory_space<vmem_shared>> -> memref<128x16xf32, #tpu.memory_space<vmem_shared>>
      tpu.enqueue_dma source(%dma_start3A_345 : memref<128x16xf32, #tpu.memory_space<vmem_shared>>) target(%dma_start3A_343 : memref<128x16xf32, #tpu.memory_space<vmem>>) target_semaphore(%run_scoped3A : memref<!tpu.dma_semaphore, #tpu.memory_space<semaphore_mem>>)
      %dma_wait3A_346 = arith.constant 0 : i32
      %dma_wait3A_347 = arith.constant 0 : i32
      %dma_wait3A_348 = tpu.memref_slice %arg15[%dma_wait3A_346, %dma_wait3A_347] : memref<128x16xf32, #tpu.memory_space<vmem>> -> memref<128x16xf32, #tpu.memory_space<vmem>>
      %dma_wait3A_349 = arith.constant 0 : i32
      %dma_wait3A_350 = tpu.memref_slice %arg17[%add3A_174, %dma_wait3A_349] : memref<10016x16xf32, #tpu.memory_space<vmem_shared>> -> memref<128x16xf32, #tpu.memory_space<vmem_shared>>
      %dma_wait3A_351 = arith.constant 0 : i32
      %dma_wait3A_352 = arith.constant 0 : i32
      %dma_wait3A_353 = tpu.memref_slice %arg15[%dma_wait3A_351, %dma_wait3A_352] : memref<128x16xf32, #tpu.memory_space<vmem>> -> memref<128x16xf32, #tpu.memory_space<vmem>>
      %dma_wait3A_354 = arith.constant 0 : i32
      %dma_wait3A_355 = tpu.memref_slice %arg17[%add3A_174, %dma_wait3A_354] : memref<10016x16xf32, #tpu.memory_space<vmem_shared>> -> memref<128x16xf32, #tpu.memory_space<vmem_shared>>
      tpu.wait_dma2 semaphore(%run_scoped3A : memref<!tpu.dma_semaphore, #tpu.memory_space<semaphore_mem>>) src(%dma_wait3A_355 : memref<128x16xf32, #tpu.memory_space<vmem_shared>>) dst(%dma_wait3A_353 : memref<128x16xf32, #tpu.memory_space<vmem>>)
      tpu.yield
    }) : () -> ()
    %add3A_175 = arith.constant 128 : i32
    %add3A_176 = arith.addi %add3A_168, %add3A_175 : i32
    "tpu.region"() ({
      %run_scoped3A = tpu.sem_alloc : memref<!tpu.dma_semaphore, #tpu.memory_space<semaphore_mem>>
      %dma_start3A_336 = arith.constant 0 : i32
      %dma_start3A_337 = arith.constant 0 : i32
      %dma_start3A_338 = tpu.memref_slice %arg15[%dma_start3A_336, %dma_start3A_337] : memref<128x16xf32, #tpu.memory_space<vmem>> -> memref<128x16xf32, #tpu.memory_space<vmem>>
      %dma_start3A_339 = arith.constant 0 : i32
      %dma_start3A_340 = tpu.memref_slice %arg6[%add3A_176, %dma_start3A_339] : memref<20032x16xf32, #tpu.memory_space<hbm>> -> memref<128x16xf32, #tpu.memory_space<hbm>>
      %dma_start3A_341 = arith.constant 0 : i32
      %dma_start3A_342 = tpu.memref_slice %arg6[%add3A_176, %dma_start3A_341] : memref<20032x16xf32, #tpu.memory_space<hbm>> -> memref<128x16xf32, #tpu.memory_space<hbm>>
      %dma_start3A_343 = arith.constant 0 : i32
      %dma_start3A_344 = arith.constant 0 : i32
      %dma_start3A_345 = tpu.memref_slice %arg15[%dma_start3A_343, %dma_start3A_344] : memref<128x16xf32, #tpu.memory_space<vmem>> -> memref<128x16xf32, #tpu.memory_space<vmem>>
      tpu.enqueue_dma source(%dma_start3A_345 : memref<128x16xf32, #tpu.memory_space<vmem>>) target(%dma_start3A_342 : memref<128x16xf32, #tpu.memory_space<hbm>>) target_semaphore(%run_scoped3A : memref<!tpu.dma_semaphore, #tpu.memory_space<semaphore_mem>>)
      %dma_wait3A_346 = arith.constant 0 : i32
      %dma_wait3A_347 = arith.constant 0 : i32
      %dma_wait3A_348 = tpu.memref_slice %arg15[%dma_wait3A_346, %dma_wait3A_347] : memref<128x16xf32, #tpu.memory_space<vmem>> -> memref<128x16xf32, #tpu.memory_space<vmem>>
      %dma_wait3A_349 = arith.constant 0 : i32
      %dma_wait3A_350 = tpu.memref_slice %arg6[%add3A_176, %dma_wait3A_349] : memref<20032x16xf32, #tpu.memory_space<hbm>> -> memref<128x16xf32, #tpu.memory_space<hbm>>
      %dma_wait3A_351 = arith.constant 0 : i32
      %dma_wait3A_352 = tpu.memref_slice %arg6[%add3A_176, %dma_wait3A_351] : memref<20032x16xf32, #tpu.memory_space<hbm>> -> memref<128x16xf32, #tpu.memory_space<hbm>>
      %dma_wait3A_353 = arith.constant 0 : i32
      %dma_wait3A_354 = arith.constant 0 : i32
      %dma_wait3A_355 = tpu.memref_slice %arg15[%dma_wait3A_353, %dma_wait3A_354] : memref<128x16xf32, #tpu.memory_space<vmem>> -> memref<128x16xf32, #tpu.memory_space<vmem>>
      tpu.wait_dma2 semaphore(%run_scoped3A : memref<!tpu.dma_semaphore, #tpu.memory_space<semaphore_mem>>) src(%dma_wait3A_355 : memref<128x16xf32, #tpu.memory_space<vmem>>) dst(%dma_wait3A_352 : memref<128x16xf32, #tpu.memory_space<hbm>>)
      tpu.yield
    }) : () -> ()
    %add3A_177 = arith.constant 256 : i32
    %add3A_178 = arith.addi %mul3A_16, %add3A_177 : i32
    "tpu.region"() ({
      %run_scoped3A = tpu.sem_alloc : memref<!tpu.dma_semaphore, #tpu.memory_space<semaphore_mem>>
      %dma_start3A_336 = arith.constant 0 : i32
      %dma_start3A_337 = arith.constant 0 : i32
      %dma_start3A_338 = tpu.memref_slice %arg15[%dma_start3A_336, %dma_start3A_337] : memref<128x16xf32, #tpu.memory_space<vmem>> -> memref<128x16xf32, #tpu.memory_space<vmem>>
      %dma_start3A_339 = arith.constant 0 : i32
      %dma_start3A_340 = tpu.memref_slice %arg17[%add3A_178, %dma_start3A_339] : memref<10016x16xf32, #tpu.memory_space<vmem_shared>> -> memref<128x16xf32, #tpu.memory_space<vmem_shared>>
      %dma_start3A_341 = arith.constant 0 : i32
      %dma_start3A_342 = arith.constant 0 : i32
      %dma_start3A_343 = tpu.memref_slice %arg15[%dma_start3A_341, %dma_start3A_342] : memref<128x16xf32, #tpu.memory_space<vmem>> -> memref<128x16xf32, #tpu.memory_space<vmem>>
      %dma_start3A_344 = arith.constant 0 : i32
      %dma_start3A_345 = tpu.memref_slice %arg17[%add3A_178, %dma_start3A_344] : memref<10016x16xf32, #tpu.memory_space<vmem_shared>> -> memref<128x16xf32, #tpu.memory_space<vmem_shared>>
      tpu.enqueue_dma source(%dma_start3A_345 : memref<128x16xf32, #tpu.memory_space<vmem_shared>>) target(%dma_start3A_343 : memref<128x16xf32, #tpu.memory_space<vmem>>) target_semaphore(%run_scoped3A : memref<!tpu.dma_semaphore, #tpu.memory_space<semaphore_mem>>)
      %dma_wait3A_346 = arith.constant 0 : i32
      %dma_wait3A_347 = arith.constant 0 : i32
      %dma_wait3A_348 = tpu.memref_slice %arg15[%dma_wait3A_346, %dma_wait3A_347] : memref<128x16xf32, #tpu.memory_space<vmem>> -> memref<128x16xf32, #tpu.memory_space<vmem>>
      %dma_wait3A_349 = arith.constant 0 : i32
      %dma_wait3A_350 = tpu.memref_slice %arg17[%add3A_178, %dma_wait3A_349] : memref<10016x16xf32, #tpu.memory_space<vmem_shared>> -> memref<128x16xf32, #tpu.memory_space<vmem_shared>>
      %dma_wait3A_351 = arith.constant 0 : i32
      %dma_wait3A_352 = arith.constant 0 : i32
      %dma_wait3A_353 = tpu.memref_slice %arg15[%dma_wait3A_351, %dma_wait3A_352] : memref<128x16xf32, #tpu.memory_space<vmem>> -> memref<128x16xf32, #tpu.memory_space<vmem>>
      %dma_wait3A_354 = arith.constant 0 : i32
      %dma_wait3A_355 = tpu.memref_slice %arg17[%add3A_178, %dma_wait3A_354] : memref<10016x16xf32, #tpu.memory_space<vmem_shared>> -> memref<128x16xf32, #tpu.memory_space<vmem_shared>>
      tpu.wait_dma2 semaphore(%run_scoped3A : memref<!tpu.dma_semaphore, #tpu.memory_space<semaphore_mem>>) src(%dma_wait3A_355 : memref<128x16xf32, #tpu.memory_space<vmem_shared>>) dst(%dma_wait3A_353 : memref<128x16xf32, #tpu.memory_space<vmem>>)
      tpu.yield
    }) : () -> ()
    %add3A_179 = arith.constant 256 : i32
    %add3A_180 = arith.addi %add3A_168, %add3A_179 : i32
    "tpu.region"() ({
      %run_scoped3A = tpu.sem_alloc : memref<!tpu.dma_semaphore, #tpu.memory_space<semaphore_mem>>
      %dma_start3A_336 = arith.constant 0 : i32
      %dma_start3A_337 = arith.constant 0 : i32
      %dma_start3A_338 = tpu.memref_slice %arg15[%dma_start3A_336, %dma_start3A_337] : memref<128x16xf32, #tpu.memory_space<vmem>> -> memref<128x16xf32, #tpu.memory_space<vmem>>
      %dma_start3A_339 = arith.constant 0 : i32
      %dma_start3A_340 = tpu.memref_slice %arg6[%add3A_180, %dma_start3A_339] : memref<20032x16xf32, #tpu.memory_space<hbm>> -> memref<128x16xf32, #tpu.memory_space<hbm>>
      %dma_start3A_341 = arith.constant 0 : i32
      %dma_start3A_342 = tpu.memref_slice %arg6[%add3A_180, %dma_start3A_341] : memref<20032x16xf32, #tpu.memory_space<hbm>> -> memref<128x16xf32, #tpu.memory_space<hbm>>
      %dma_start3A_343 = arith.constant 0 : i32
      %dma_start3A_344 = arith.constant 0 : i32
      %dma_start3A_345 = tpu.memref_slice %arg15[%dma_start3A_343, %dma_start3A_344] : memref<128x16xf32, #tpu.memory_space<vmem>> -> memref<128x16xf32, #tpu.memory_space<vmem>>
      tpu.enqueue_dma source(%dma_start3A_345 : memref<128x16xf32, #tpu.memory_space<vmem>>) target(%dma_start3A_342 : memref<128x16xf32, #tpu.memory_space<hbm>>) target_semaphore(%run_scoped3A : memref<!tpu.dma_semaphore, #tpu.memory_space<semaphore_mem>>)
      %dma_wait3A_346 = arith.constant 0 : i32
      %dma_wait3A_347 = arith.constant 0 : i32
      %dma_wait3A_348 = tpu.memref_slice %arg15[%dma_wait3A_346, %dma_wait3A_347] : memref<128x16xf32, #tpu.memory_space<vmem>> -> memref<128x16xf32, #tpu.memory_space<vmem>>
      %dma_wait3A_349 = arith.constant 0 : i32
      %dma_wait3A_350 = tpu.memref_slice %arg6[%add3A_180, %dma_wait3A_349] : memref<20032x16xf32, #tpu.memory_space<hbm>> -> memref<128x16xf32, #tpu.memory_space<hbm>>
      %dma_wait3A_351 = arith.constant 0 : i32
      %dma_wait3A_352 = tpu.memref_slice %arg6[%add3A_180, %dma_wait3A_351] : memref<20032x16xf32, #tpu.memory_space<hbm>> -> memref<128x16xf32, #tpu.memory_space<hbm>>
      %dma_wait3A_353 = arith.constant 0 : i32
      %dma_wait3A_354 = arith.constant 0 : i32
      %dma_wait3A_355 = tpu.memref_slice %arg15[%dma_wait3A_353, %dma_wait3A_354] : memref<128x16xf32, #tpu.memory_space<vmem>> -> memref<128x16xf32, #tpu.memory_space<vmem>>
      tpu.wait_dma2 semaphore(%run_scoped3A : memref<!tpu.dma_semaphore, #tpu.memory_space<semaphore_mem>>) src(%dma_wait3A_355 : memref<128x16xf32, #tpu.memory_space<vmem>>) dst(%dma_wait3A_352 : memref<128x16xf32, #tpu.memory_space<hbm>>)
      tpu.yield
    }) : () -> ()
    %add3A_181 = arith.constant 384 : i32
    %add3A_182 = arith.addi %mul3A_16, %add3A_181 : i32
    "tpu.region"() ({
      %run_scoped3A = tpu.sem_alloc : memref<!tpu.dma_semaphore, #tpu.memory_space<semaphore_mem>>
      %dma_start3A_336 = arith.constant 0 : i32
      %dma_start3A_337 = arith.constant 0 : i32
      %dma_start3A_338 = tpu.memref_slice %arg15[%dma_start3A_336, %dma_start3A_337] : memref<128x16xf32, #tpu.memory_space<vmem>> -> memref<128x16xf32, #tpu.memory_space<vmem>>
      %dma_start3A_339 = arith.constant 0 : i32
      %dma_start3A_340 = tpu.memref_slice %arg17[%add3A_182, %dma_start3A_339] : memref<10016x16xf32, #tpu.memory_space<vmem_shared>> -> memref<128x16xf32, #tpu.memory_space<vmem_shared>>
      %dma_start3A_341 = arith.constant 0 : i32
      %dma_start3A_342 = arith.constant 0 : i32
      %dma_start3A_343 = tpu.memref_slice %arg15[%dma_start3A_341, %dma_start3A_342] : memref<128x16xf32, #tpu.memory_space<vmem>> -> memref<128x16xf32, #tpu.memory_space<vmem>>
      %dma_start3A_344 = arith.constant 0 : i32
      %dma_start3A_345 = tpu.memref_slice %arg17[%add3A_182, %dma_start3A_344] : memref<10016x16xf32, #tpu.memory_space<vmem_shared>> -> memref<128x16xf32, #tpu.memory_space<vmem_shared>>
      tpu.enqueue_dma source(%dma_start3A_345 : memref<128x16xf32, #tpu.memory_space<vmem_shared>>) target(%dma_start3A_343 : memref<128x16xf32, #tpu.memory_space<vmem>>) target_semaphore(%run_scoped3A : memref<!tpu.dma_semaphore, #tpu.memory_space<semaphore_mem>>)
      %dma_wait3A_346 = arith.constant 0 : i32
      %dma_wait3A_347 = arith.constant 0 : i32
      %dma_wait3A_348 = tpu.memref_slice %arg15[%dma_wait3A_346, %dma_wait3A_347] : memref<128x16xf32, #tpu.memory_space<vmem>> -> memref<128x16xf32, #tpu.memory_space<vmem>>
      %dma_wait3A_349 = arith.constant 0 : i32
      %dma_wait3A_350 = tpu.memref_slice %arg17[%add3A_182, %dma_wait3A_349] : memref<10016x16xf32, #tpu.memory_space<vmem_shared>> -> memref<128x16xf32, #tpu.memory_space<vmem_shared>>
      %dma_wait3A_351 = arith.constant 0 : i32
      %dma_wait3A_352 = arith.constant 0 : i32
      %dma_wait3A_353 = tpu.memref_slice %arg15[%dma_wait3A_351, %dma_wait3A_352] : memref<128x16xf32, #tpu.memory_space<vmem>> -> memref<128x16xf32, #tpu.memory_space<vmem>>
      %dma_wait3A_354 = arith.constant 0 : i32
      %dma_wait3A_355 = tpu.memref_slice %arg17[%add3A_182, %dma_wait3A_354] : memref<10016x16xf32, #tpu.memory_space<vmem_shared>> -> memref<128x16xf32, #tpu.memory_space<vmem_shared>>
      tpu.wait_dma2 semaphore(%run_scoped3A : memref<!tpu.dma_semaphore, #tpu.memory_space<semaphore_mem>>) src(%dma_wait3A_355 : memref<128x16xf32, #tpu.memory_space<vmem_shared>>) dst(%dma_wait3A_353 : memref<128x16xf32, #tpu.memory_space<vmem>>)
      tpu.yield
    }) : () -> ()
    %add3A_183 = arith.constant 384 : i32
    %add3A_184 = arith.addi %add3A_168, %add3A_183 : i32
    "tpu.region"() ({
      %run_scoped3A = tpu.sem_alloc : memref<!tpu.dma_semaphore, #tpu.memory_space<semaphore_mem>>
      %dma_start3A_336 = arith.constant 0 : i32
      %dma_start3A_337 = arith.constant 0 : i32
      %dma_start3A_338 = tpu.memref_slice %arg15[%dma_start3A_336, %dma_start3A_337] : memref<128x16xf32, #tpu.memory_space<vmem>> -> memref<128x16xf32, #tpu.memory_space<vmem>>
      %dma_start3A_339 = arith.constant 0 : i32
      %dma_start3A_340 = tpu.memref_slice %arg6[%add3A_184, %dma_start3A_339] : memref<20032x16xf32, #tpu.memory_space<hbm>> -> memref<128x16xf32, #tpu.memory_space<hbm>>
      %dma_start3A_341 = arith.constant 0 : i32
      %dma_start3A_342 = tpu.memref_slice %arg6[%add3A_184, %dma_start3A_341] : memref<20032x16xf32, #tpu.memory_space<hbm>> -> memref<128x16xf32, #tpu.memory_space<hbm>>
      %dma_start3A_343 = arith.constant 0 : i32
      %dma_start3A_344 = arith.constant 0 : i32
      %dma_start3A_345 = tpu.memref_slice %arg15[%dma_start3A_343, %dma_start3A_344] : memref<128x16xf32, #tpu.memory_space<vmem>> -> memref<128x16xf32, #tpu.memory_space<vmem>>
      tpu.enqueue_dma source(%dma_start3A_345 : memref<128x16xf32, #tpu.memory_space<vmem>>) target(%dma_start3A_342 : memref<128x16xf32, #tpu.memory_space<hbm>>) target_semaphore(%run_scoped3A : memref<!tpu.dma_semaphore, #tpu.memory_space<semaphore_mem>>)
      %dma_wait3A_346 = arith.constant 0 : i32
      %dma_wait3A_347 = arith.constant 0 : i32
      %dma_wait3A_348 = tpu.memref_slice %arg15[%dma_wait3A_346, %dma_wait3A_347] : memref<128x16xf32, #tpu.memory_space<vmem>> -> memref<128x16xf32, #tpu.memory_space<vmem>>
      %dma_wait3A_349 = arith.constant 0 : i32
      %dma_wait3A_350 = tpu.memref_slice %arg6[%add3A_184, %dma_wait3A_349] : memref<20032x16xf32, #tpu.memory_space<hbm>> -> memref<128x16xf32, #tpu.memory_space<hbm>>
      %dma_wait3A_351 = arith.constant 0 : i32
      %dma_wait3A_352 = tpu.memref_slice %arg6[%add3A_184, %dma_wait3A_351] : memref<20032x16xf32, #tpu.memory_space<hbm>> -> memref<128x16xf32, #tpu.memory_space<hbm>>
      %dma_wait3A_353 = arith.constant 0 : i32
      %dma_wait3A_354 = arith.constant 0 : i32
      %dma_wait3A_355 = tpu.memref_slice %arg15[%dma_wait3A_353, %dma_wait3A_354] : memref<128x16xf32, #tpu.memory_space<vmem>> -> memref<128x16xf32, #tpu.memory_space<vmem>>
      tpu.wait_dma2 semaphore(%run_scoped3A : memref<!tpu.dma_semaphore, #tpu.memory_space<semaphore_mem>>) src(%dma_wait3A_355 : memref<128x16xf32, #tpu.memory_space<vmem>>) dst(%dma_wait3A_352 : memref<128x16xf32, #tpu.memory_space<hbm>>)
      tpu.yield
    }) : () -> ()
    %add3A_185 = arith.constant 512 : i32
    %add3A_186 = arith.addi %mul3A_16, %add3A_185 : i32
    "tpu.region"() ({
      %run_scoped3A = tpu.sem_alloc : memref<!tpu.dma_semaphore, #tpu.memory_space<semaphore_mem>>
      %dma_start3A_336 = arith.constant 0 : i32
      %dma_start3A_337 = arith.constant 0 : i32
      %dma_start3A_338 = tpu.memref_slice %arg15[%dma_start3A_336, %dma_start3A_337] : memref<128x16xf32, #tpu.memory_space<vmem>> -> memref<114x16xf32, #tpu.memory_space<vmem>>
      %dma_start3A_339 = arith.constant 0 : i32
      %dma_start3A_340 = tpu.memref_slice %arg17[%add3A_186, %dma_start3A_339] : memref<10016x16xf32, #tpu.memory_space<vmem_shared>> -> memref<114x16xf32, #tpu.memory_space<vmem_shared>>
      %dma_start3A_341 = arith.constant 0 : i32
      %dma_start3A_342 = arith.constant 0 : i32
      %dma_start3A_343 = tpu.memref_slice %arg15[%dma_start3A_341, %dma_start3A_342] : memref<128x16xf32, #tpu.memory_space<vmem>> -> memref<114x16xf32, #tpu.memory_space<vmem>>
      %dma_start3A_344 = arith.constant 0 : i32
      %dma_start3A_345 = tpu.memref_slice %arg17[%add3A_186, %dma_start3A_344] : memref<10016x16xf32, #tpu.memory_space<vmem_shared>> -> memref<114x16xf32, #tpu.memory_space<vmem_shared>>
      tpu.enqueue_dma source(%dma_start3A_345 : memref<114x16xf32, #tpu.memory_space<vmem_shared>>) target(%dma_start3A_343 : memref<114x16xf32, #tpu.memory_space<vmem>>) target_semaphore(%run_scoped3A : memref<!tpu.dma_semaphore, #tpu.memory_space<semaphore_mem>>)
      %dma_wait3A_346 = arith.constant 0 : i32
      %dma_wait3A_347 = arith.constant 0 : i32
      %dma_wait3A_348 = tpu.memref_slice %arg15[%dma_wait3A_346, %dma_wait3A_347] : memref<128x16xf32, #tpu.memory_space<vmem>> -> memref<114x16xf32, #tpu.memory_space<vmem>>
      %dma_wait3A_349 = arith.constant 0 : i32
      %dma_wait3A_350 = tpu.memref_slice %arg17[%add3A_186, %dma_wait3A_349] : memref<10016x16xf32, #tpu.memory_space<vmem_shared>> -> memref<114x16xf32, #tpu.memory_space<vmem_shared>>
      %dma_wait3A_351 = arith.constant 0 : i32
      %dma_wait3A_352 = arith.constant 0 : i32
      %dma_wait3A_353 = tpu.memref_slice %arg15[%dma_wait3A_351, %dma_wait3A_352] : memref<128x16xf32, #tpu.memory_space<vmem>> -> memref<114x16xf32, #tpu.memory_space<vmem>>
      %dma_wait3A_354 = arith.constant 0 : i32
      %dma_wait3A_355 = tpu.memref_slice %arg17[%add3A_186, %dma_wait3A_354] : memref<10016x16xf32, #tpu.memory_space<vmem_shared>> -> memref<114x16xf32, #tpu.memory_space<vmem_shared>>
      tpu.wait_dma2 semaphore(%run_scoped3A : memref<!tpu.dma_semaphore, #tpu.memory_space<semaphore_mem>>) src(%dma_wait3A_355 : memref<114x16xf32, #tpu.memory_space<vmem_shared>>) dst(%dma_wait3A_353 : memref<114x16xf32, #tpu.memory_space<vmem>>)
      tpu.yield
    }) : () -> ()
    %add3A_187 = arith.constant 512 : i32
    %add3A_188 = arith.addi %add3A_168, %add3A_187 : i32
    "tpu.region"() ({
      %run_scoped3A = tpu.sem_alloc : memref<!tpu.dma_semaphore, #tpu.memory_space<semaphore_mem>>
      %dma_start3A_336 = arith.constant 0 : i32
      %dma_start3A_337 = arith.constant 0 : i32
      %dma_start3A_338 = tpu.memref_slice %arg15[%dma_start3A_336, %dma_start3A_337] : memref<128x16xf32, #tpu.memory_space<vmem>> -> memref<114x16xf32, #tpu.memory_space<vmem>>
      %dma_start3A_339 = arith.constant 0 : i32
      %dma_start3A_340 = tpu.memref_slice %arg6[%add3A_188, %dma_start3A_339] : memref<20032x16xf32, #tpu.memory_space<hbm>> -> memref<114x16xf32, #tpu.memory_space<hbm>>
      %dma_start3A_341 = arith.constant 0 : i32
      %dma_start3A_342 = tpu.memref_slice %arg6[%add3A_188, %dma_start3A_341] : memref<20032x16xf32, #tpu.memory_space<hbm>> -> memref<114x16xf32, #tpu.memory_space<hbm>>
      %dma_start3A_343 = arith.constant 0 : i32
      %dma_start3A_344 = arith.constant 0 : i32
      %dma_start3A_345 = tpu.memref_slice %arg15[%dma_start3A_343, %dma_start3A_344] : memref<128x16xf32, #tpu.memory_space<vmem>> -> memref<114x16xf32, #tpu.memory_space<vmem>>
      tpu.enqueue_dma source(%dma_start3A_345 : memref<114x16xf32, #tpu.memory_space<vmem>>) target(%dma_start3A_342 : memref<114x16xf32, #tpu.memory_space<hbm>>) target_semaphore(%run_scoped3A : memref<!tpu.dma_semaphore, #tpu.memory_space<semaphore_mem>>)
      %dma_wait3A_346 = arith.constant 0 : i32
      %dma_wait3A_347 = arith.constant 0 : i32
      %dma_wait3A_348 = tpu.memref_slice %arg15[%dma_wait3A_346, %dma_wait3A_347] : memref<128x16xf32, #tpu.memory_space<vmem>> -> memref<114x16xf32, #tpu.memory_space<vmem>>
      %dma_wait3A_349 = arith.constant 0 : i32
      %dma_wait3A_350 = tpu.memref_slice %arg6[%add3A_188, %dma_wait3A_349] : memref<20032x16xf32, #tpu.memory_space<hbm>> -> memref<114x16xf32, #tpu.memory_space<hbm>>
      %dma_wait3A_351 = arith.constant 0 : i32
      %dma_wait3A_352 = tpu.memref_slice %arg6[%add3A_188, %dma_wait3A_351] : memref<20032x16xf32, #tpu.memory_space<hbm>> -> memref<114x16xf32, #tpu.memory_space<hbm>>
      %dma_wait3A_353 = arith.constant 0 : i32
      %dma_wait3A_354 = arith.constant 0 : i32
      %dma_wait3A_355 = tpu.memref_slice %arg15[%dma_wait3A_353, %dma_wait3A_354] : memref<128x16xf32, #tpu.memory_space<vmem>> -> memref<114x16xf32, #tpu.memory_space<vmem>>
      tpu.wait_dma2 semaphore(%run_scoped3A : memref<!tpu.dma_semaphore, #tpu.memory_space<semaphore_mem>>) src(%dma_wait3A_355 : memref<114x16xf32, #tpu.memory_space<vmem>>) dst(%dma_wait3A_352 : memref<114x16xf32, #tpu.memory_space<hbm>>)
      tpu.yield
    }) : () -> ()
    %barrier3A_189 = arith.constant 0 : index
    tpu.barrier barrier_id(%barrier3A_189)
    %add3A_190 = arith.constant 0 : i32
    %add3A_191 = arith.addi %mul3A_16, %add3A_190 : i32
    "tpu.region"() ({
      %run_scoped3A = tpu.sem_alloc : memref<!tpu.dma_semaphore, #tpu.memory_space<semaphore_mem>>
      %dma_start3A_336 = arith.constant 0 : i32
      %dma_start3A_337 = arith.constant 0 : i32
      %dma_start3A_338 = tpu.memref_slice %arg14[%dma_start3A_336, %dma_start3A_337] : memref<128x32xf32, #tpu.memory_space<vmem>> -> memref<128x32xf32, #tpu.memory_space<vmem>>
      %dma_start3A_339 = arith.constant 0 : i32
      %dma_start3A_340 = tpu.memref_slice %arg16[%add3A_191, %dma_start3A_339] : memref<10016x32xf32, #tpu.memory_space<vmem_shared>> -> memref<128x32xf32, #tpu.memory_space<vmem_shared>>
      %dma_start3A_341 = arith.constant 0 : i32
      %dma_start3A_342 = tpu.memref_slice %arg16[%add3A_191, %dma_start3A_341] : memref<10016x32xf32, #tpu.memory_space<vmem_shared>> -> memref<128x32xf32, #tpu.memory_space<vmem_shared>>
      %dma_start3A_343 = arith.constant 0 : i32
      %dma_start3A_344 = arith.constant 0 : i32
      %dma_start3A_345 = tpu.memref_slice %arg14[%dma_start3A_343, %dma_start3A_344] : memref<128x32xf32, #tpu.memory_space<vmem>> -> memref<128x32xf32, #tpu.memory_space<vmem>>
      tpu.enqueue_dma source(%dma_start3A_345 : memref<128x32xf32, #tpu.memory_space<vmem>>) target(%dma_start3A_342 : memref<128x32xf32, #tpu.memory_space<vmem_shared>>) target_semaphore(%run_scoped3A : memref<!tpu.dma_semaphore, #tpu.memory_space<semaphore_mem>>)
      %dma_wait3A_346 = arith.constant 0 : i32
      %dma_wait3A_347 = arith.constant 0 : i32
      %dma_wait3A_348 = tpu.memref_slice %arg14[%dma_wait3A_346, %dma_wait3A_347] : memref<128x32xf32, #tpu.memory_space<vmem>> -> memref<128x32xf32, #tpu.memory_space<vmem>>
      %dma_wait3A_349 = arith.constant 0 : i32
      %dma_wait3A_350 = tpu.memref_slice %arg16[%add3A_191, %dma_wait3A_349] : memref<10016x32xf32, #tpu.memory_space<vmem_shared>> -> memref<128x32xf32, #tpu.memory_space<vmem_shared>>
      %dma_wait3A_351 = arith.constant 0 : i32
      %dma_wait3A_352 = tpu.memref_slice %arg16[%add3A_191, %dma_wait3A_351] : memref<10016x32xf32, #tpu.memory_space<vmem_shared>> -> memref<128x32xf32, #tpu.memory_space<vmem_shared>>
      %dma_wait3A_353 = arith.constant 0 : i32
      %dma_wait3A_354 = arith.constant 0 : i32
      %dma_wait3A_355 = tpu.memref_slice %arg14[%dma_wait3A_353, %dma_wait3A_354] : memref<128x32xf32, #tpu.memory_space<vmem>> -> memref<128x32xf32, #tpu.memory_space<vmem>>
      tpu.wait_dma2 semaphore(%run_scoped3A : memref<!tpu.dma_semaphore, #tpu.memory_space<semaphore_mem>>) src(%dma_wait3A_355 : memref<128x32xf32, #tpu.memory_space<vmem>>) dst(%dma_wait3A_352 : memref<128x32xf32, #tpu.memory_space<vmem_shared>>)
      tpu.yield
    }) : () -> ()
    %add3A_192 = arith.constant 128 : i32
    %add3A_193 = arith.addi %mul3A_16, %add3A_192 : i32
    "tpu.region"() ({
      %run_scoped3A = tpu.sem_alloc : memref<!tpu.dma_semaphore, #tpu.memory_space<semaphore_mem>>
      %dma_start3A_336 = arith.constant 0 : i32
      %dma_start3A_337 = arith.constant 0 : i32
      %dma_start3A_338 = tpu.memref_slice %arg14[%dma_start3A_336, %dma_start3A_337] : memref<128x32xf32, #tpu.memory_space<vmem>> -> memref<128x32xf32, #tpu.memory_space<vmem>>
      %dma_start3A_339 = arith.constant 0 : i32
      %dma_start3A_340 = tpu.memref_slice %arg16[%add3A_193, %dma_start3A_339] : memref<10016x32xf32, #tpu.memory_space<vmem_shared>> -> memref<128x32xf32, #tpu.memory_space<vmem_shared>>
      %dma_start3A_341 = arith.constant 0 : i32
      %dma_start3A_342 = tpu.memref_slice %arg16[%add3A_193, %dma_start3A_341] : memref<10016x32xf32, #tpu.memory_space<vmem_shared>> -> memref<128x32xf32, #tpu.memory_space<vmem_shared>>
      %dma_start3A_343 = arith.constant 0 : i32
      %dma_start3A_344 = arith.constant 0 : i32
      %dma_start3A_345 = tpu.memref_slice %arg14[%dma_start3A_343, %dma_start3A_344] : memref<128x32xf32, #tpu.memory_space<vmem>> -> memref<128x32xf32, #tpu.memory_space<vmem>>
      tpu.enqueue_dma source(%dma_start3A_345 : memref<128x32xf32, #tpu.memory_space<vmem>>) target(%dma_start3A_342 : memref<128x32xf32, #tpu.memory_space<vmem_shared>>) target_semaphore(%run_scoped3A : memref<!tpu.dma_semaphore, #tpu.memory_space<semaphore_mem>>)
      %dma_wait3A_346 = arith.constant 0 : i32
      %dma_wait3A_347 = arith.constant 0 : i32
      %dma_wait3A_348 = tpu.memref_slice %arg14[%dma_wait3A_346, %dma_wait3A_347] : memref<128x32xf32, #tpu.memory_space<vmem>> -> memref<128x32xf32, #tpu.memory_space<vmem>>
      %dma_wait3A_349 = arith.constant 0 : i32
      %dma_wait3A_350 = tpu.memref_slice %arg16[%add3A_193, %dma_wait3A_349] : memref<10016x32xf32, #tpu.memory_space<vmem_shared>> -> memref<128x32xf32, #tpu.memory_space<vmem_shared>>
      %dma_wait3A_351 = arith.constant 0 : i32
      %dma_wait3A_352 = tpu.memref_slice %arg16[%add3A_193, %dma_wait3A_351] : memref<10016x32xf32, #tpu.memory_space<vmem_shared>> -> memref<128x32xf32, #tpu.memory_space<vmem_shared>>
      %dma_wait3A_353 = arith.constant 0 : i32
      %dma_wait3A_354 = arith.constant 0 : i32
      %dma_wait3A_355 = tpu.memref_slice %arg14[%dma_wait3A_353, %dma_wait3A_354] : memref<128x32xf32, #tpu.memory_space<vmem>> -> memref<128x32xf32, #tpu.memory_space<vmem>>
      tpu.wait_dma2 semaphore(%run_scoped3A : memref<!tpu.dma_semaphore, #tpu.memory_space<semaphore_mem>>) src(%dma_wait3A_355 : memref<128x32xf32, #tpu.memory_space<vmem>>) dst(%dma_wait3A_352 : memref<128x32xf32, #tpu.memory_space<vmem_shared>>)
      tpu.yield
    }) : () -> ()
    %add3A_194 = arith.constant 256 : i32
    %add3A_195 = arith.addi %mul3A_16, %add3A_194 : i32
    "tpu.region"() ({
      %run_scoped3A = tpu.sem_alloc : memref<!tpu.dma_semaphore, #tpu.memory_space<semaphore_mem>>
      %dma_start3A_336 = arith.constant 0 : i32
      %dma_start3A_337 = arith.constant 0 : i32
      %dma_start3A_338 = tpu.memref_slice %arg14[%dma_start3A_336, %dma_start3A_337] : memref<128x32xf32, #tpu.memory_space<vmem>> -> memref<128x32xf32, #tpu.memory_space<vmem>>
      %dma_start3A_339 = arith.constant 0 : i32
      %dma_start3A_340 = tpu.memref_slice %arg16[%add3A_195, %dma_start3A_339] : memref<10016x32xf32, #tpu.memory_space<vmem_shared>> -> memref<128x32xf32, #tpu.memory_space<vmem_shared>>
      %dma_start3A_341 = arith.constant 0 : i32
      %dma_start3A_342 = tpu.memref_slice %arg16[%add3A_195, %dma_start3A_341] : memref<10016x32xf32, #tpu.memory_space<vmem_shared>> -> memref<128x32xf32, #tpu.memory_space<vmem_shared>>
      %dma_start3A_343 = arith.constant 0 : i32
      %dma_start3A_344 = arith.constant 0 : i32
      %dma_start3A_345 = tpu.memref_slice %arg14[%dma_start3A_343, %dma_start3A_344] : memref<128x32xf32, #tpu.memory_space<vmem>> -> memref<128x32xf32, #tpu.memory_space<vmem>>
      tpu.enqueue_dma source(%dma_start3A_345 : memref<128x32xf32, #tpu.memory_space<vmem>>) target(%dma_start3A_342 : memref<128x32xf32, #tpu.memory_space<vmem_shared>>) target_semaphore(%run_scoped3A : memref<!tpu.dma_semaphore, #tpu.memory_space<semaphore_mem>>)
      %dma_wait3A_346 = arith.constant 0 : i32
      %dma_wait3A_347 = arith.constant 0 : i32
      %dma_wait3A_348 = tpu.memref_slice %arg14[%dma_wait3A_346, %dma_wait3A_347] : memref<128x32xf32, #tpu.memory_space<vmem>> -> memref<128x32xf32, #tpu.memory_space<vmem>>
      %dma_wait3A_349 = arith.constant 0 : i32
      %dma_wait3A_350 = tpu.memref_slice %arg16[%add3A_195, %dma_wait3A_349] : memref<10016x32xf32, #tpu.memory_space<vmem_shared>> -> memref<128x32xf32, #tpu.memory_space<vmem_shared>>
      %dma_wait3A_351 = arith.constant 0 : i32
      %dma_wait3A_352 = tpu.memref_slice %arg16[%add3A_195, %dma_wait3A_351] : memref<10016x32xf32, #tpu.memory_space<vmem_shared>> -> memref<128x32xf32, #tpu.memory_space<vmem_shared>>
      %dma_wait3A_353 = arith.constant 0 : i32
      %dma_wait3A_354 = arith.constant 0 : i32
      %dma_wait3A_355 = tpu.memref_slice %arg14[%dma_wait3A_353, %dma_wait3A_354] : memref<128x32xf32, #tpu.memory_space<vmem>> -> memref<128x32xf32, #tpu.memory_space<vmem>>
      tpu.wait_dma2 semaphore(%run_scoped3A : memref<!tpu.dma_semaphore, #tpu.memory_space<semaphore_mem>>) src(%dma_wait3A_355 : memref<128x32xf32, #tpu.memory_space<vmem>>) dst(%dma_wait3A_352 : memref<128x32xf32, #tpu.memory_space<vmem_shared>>)
      tpu.yield
    }) : () -> ()
    %add3A_196 = arith.constant 384 : i32
    %add3A_197 = arith.addi %mul3A_16, %add3A_196 : i32
    "tpu.region"() ({
      %run_scoped3A = tpu.sem_alloc : memref<!tpu.dma_semaphore, #tpu.memory_space<semaphore_mem>>
      %dma_start3A_336 = arith.constant 0 : i32
      %dma_start3A_337 = arith.constant 0 : i32
      %dma_start3A_338 = tpu.memref_slice %arg14[%dma_start3A_336, %dma_start3A_337] : memref<128x32xf32, #tpu.memory_space<vmem>> -> memref<128x32xf32, #tpu.memory_space<vmem>>
      %dma_start3A_339 = arith.constant 0 : i32
      %dma_start3A_340 = tpu.memref_slice %arg16[%add3A_197, %dma_start3A_339] : memref<10016x32xf32, #tpu.memory_space<vmem_shared>> -> memref<128x32xf32, #tpu.memory_space<vmem_shared>>
      %dma_start3A_341 = arith.constant 0 : i32
      %dma_start3A_342 = tpu.memref_slice %arg16[%add3A_197, %dma_start3A_341] : memref<10016x32xf32, #tpu.memory_space<vmem_shared>> -> memref<128x32xf32, #tpu.memory_space<vmem_shared>>
      %dma_start3A_343 = arith.constant 0 : i32
      %dma_start3A_344 = arith.constant 0 : i32
      %dma_start3A_345 = tpu.memref_slice %arg14[%dma_start3A_343, %dma_start3A_344] : memref<128x32xf32, #tpu.memory_space<vmem>> -> memref<128x32xf32, #tpu.memory_space<vmem>>
      tpu.enqueue_dma source(%dma_start3A_345 : memref<128x32xf32, #tpu.memory_space<vmem>>) target(%dma_start3A_342 : memref<128x32xf32, #tpu.memory_space<vmem_shared>>) target_semaphore(%run_scoped3A : memref<!tpu.dma_semaphore, #tpu.memory_space<semaphore_mem>>)
      %dma_wait3A_346 = arith.constant 0 : i32
      %dma_wait3A_347 = arith.constant 0 : i32
      %dma_wait3A_348 = tpu.memref_slice %arg14[%dma_wait3A_346, %dma_wait3A_347] : memref<128x32xf32, #tpu.memory_space<vmem>> -> memref<128x32xf32, #tpu.memory_space<vmem>>
      %dma_wait3A_349 = arith.constant 0 : i32
      %dma_wait3A_350 = tpu.memref_slice %arg16[%add3A_197, %dma_wait3A_349] : memref<10016x32xf32, #tpu.memory_space<vmem_shared>> -> memref<128x32xf32, #tpu.memory_space<vmem_shared>>
      %dma_wait3A_351 = arith.constant 0 : i32
      %dma_wait3A_352 = tpu.memref_slice %arg16[%add3A_197, %dma_wait3A_351] : memref<10016x32xf32, #tpu.memory_space<vmem_shared>> -> memref<128x32xf32, #tpu.memory_space<vmem_shared>>
      %dma_wait3A_353 = arith.constant 0 : i32
      %dma_wait3A_354 = arith.constant 0 : i32
      %dma_wait3A_355 = tpu.memref_slice %arg14[%dma_wait3A_353, %dma_wait3A_354] : memref<128x32xf32, #tpu.memory_space<vmem>> -> memref<128x32xf32, #tpu.memory_space<vmem>>
      tpu.wait_dma2 semaphore(%run_scoped3A : memref<!tpu.dma_semaphore, #tpu.memory_space<semaphore_mem>>) src(%dma_wait3A_355 : memref<128x32xf32, #tpu.memory_space<vmem>>) dst(%dma_wait3A_352 : memref<128x32xf32, #tpu.memory_space<vmem_shared>>)
      tpu.yield
    }) : () -> ()
    %add3A_198 = arith.constant 512 : i32
    %add3A_199 = arith.addi %mul3A_16, %add3A_198 : i32
    "tpu.region"() ({
      %run_scoped3A = tpu.sem_alloc : memref<!tpu.dma_semaphore, #tpu.memory_space<semaphore_mem>>
      %dma_start3A_336 = arith.constant 0 : i32
      %dma_start3A_337 = arith.constant 0 : i32
      %dma_start3A_338 = tpu.memref_slice %arg14[%dma_start3A_336, %dma_start3A_337] : memref<128x32xf32, #tpu.memory_space<vmem>> -> memref<114x32xf32, #tpu.memory_space<vmem>>
      %dma_start3A_339 = arith.constant 0 : i32
      %dma_start3A_340 = tpu.memref_slice %arg16[%add3A_199, %dma_start3A_339] : memref<10016x32xf32, #tpu.memory_space<vmem_shared>> -> memref<114x32xf32, #tpu.memory_space<vmem_shared>>
      %dma_start3A_341 = arith.constant 0 : i32
      %dma_start3A_342 = tpu.memref_slice %arg16[%add3A_199, %dma_start3A_341] : memref<10016x32xf32, #tpu.memory_space<vmem_shared>> -> memref<114x32xf32, #tpu.memory_space<vmem_shared>>
      %dma_start3A_343 = arith.constant 0 : i32
      %dma_start3A_344 = arith.constant 0 : i32
      %dma_start3A_345 = tpu.memref_slice %arg14[%dma_start3A_343, %dma_start3A_344] : memref<128x32xf32, #tpu.memory_space<vmem>> -> memref<114x32xf32, #tpu.memory_space<vmem>>
      tpu.enqueue_dma source(%dma_start3A_345 : memref<114x32xf32, #tpu.memory_space<vmem>>) target(%dma_start3A_342 : memref<114x32xf32, #tpu.memory_space<vmem_shared>>) target_semaphore(%run_scoped3A : memref<!tpu.dma_semaphore, #tpu.memory_space<semaphore_mem>>)
      %dma_wait3A_346 = arith.constant 0 : i32
      %dma_wait3A_347 = arith.constant 0 : i32
      %dma_wait3A_348 = tpu.memref_slice %arg14[%dma_wait3A_346, %dma_wait3A_347] : memref<128x32xf32, #tpu.memory_space<vmem>> -> memref<114x32xf32, #tpu.memory_space<vmem>>
      %dma_wait3A_349 = arith.constant 0 : i32
      %dma_wait3A_350 = tpu.memref_slice %arg16[%add3A_199, %dma_wait3A_349] : memref<10016x32xf32, #tpu.memory_space<vmem_shared>> -> memref<114x32xf32, #tpu.memory_space<vmem_shared>>
      %dma_wait3A_351 = arith.constant 0 : i32
      %dma_wait3A_352 = tpu.memref_slice %arg16[%add3A_199, %dma_wait3A_351] : memref<10016x32xf32, #tpu.memory_space<vmem_shared>> -> memref<114x32xf32, #tpu.memory_space<vmem_shared>>
      %dma_wait3A_353 = arith.constant 0 : i32
      %dma_wait3A_354 = arith.constant 0 : i32
      %dma_wait3A_355 = tpu.memref_slice %arg14[%dma_wait3A_353, %dma_wait3A_354] : memref<128x32xf32, #tpu.memory_space<vmem>> -> memref<114x32xf32, #tpu.memory_space<vmem>>
      tpu.wait_dma2 semaphore(%run_scoped3A : memref<!tpu.dma_semaphore, #tpu.memory_space<semaphore_mem>>) src(%dma_wait3A_355 : memref<114x32xf32, #tpu.memory_space<vmem>>) dst(%dma_wait3A_352 : memref<114x32xf32, #tpu.memory_space<vmem_shared>>)
      tpu.yield
    }) : () -> ()
    %barrier3A_200 = arith.constant 0 : index
    tpu.barrier barrier_id(%barrier3A_200)
    %mul3A_201 = arith.constant 2 : i32
    %mul3A_202 = arith.muli %arg0, %mul3A_201 : i32
    %add3A_203 = arith.constant 1 : i32
    %add3A_204 = arith.addi %mul3A_202, %add3A_203 : i32
    %mul3A_205 = arith.constant 10016 : i32
    %mul3A_206 = arith.muli %add3A_204, %mul3A_205 : i32
    %broadcast_in_dim3A_207 = arith.constant 0 : i32
    %broadcast_in_dim3A_208 = vector.broadcast %broadcast_in_dim3A_207 : i32 to vector<16xi32>
    %add3A_209 = vector.broadcast %mul3A_206 : i32 to vector<16xi32>
    %add3A_210 = arith.addi %broadcast_in_dim3A_208, %add3A_209 : vector<16xi32>
    %get3A_211 = arith.constant 0 : i32
    %get3A_212 = arith.index_cast %get3A_211 : i32 to index
    %get3A_213 = arith.constant 0 : index
    %get3A_214 = tpu.vector_load %arg7[%get3A_212, %get3A_213] {strides = array<i32>} : memref<314x128xi32, #tpu.memory_space<vmem>>, vector<1x16xi32>,
    %get3A_215 = vector.shape_cast %get3A_214 : vector<1x16xi32> to vector<16xi32>
    %add3A_216 = arith.addi %get3A_215, %add3A_210 : vector<16xi32>
    %swap3A_217 = arith.constant 0 : index
    %swap3A_218 = tpu.vector_load %arg9[%swap3A_217] {strides = array<i32>} : memref<128xi32, #tpu.memory_space<vmem>>, vector<16xi32>,
    %swap3A_219 = vector.shape_cast %swap3A_218 : vector<16xi32> to vector<16xi32>
    %swap3A_220 = vector.shape_cast %add3A_216 : vector<16xi32> to vector<16xi32>
    tpu.vector_store %arg9[%swap3A_217], %swap3A_220 {strides = array<i32>} : memref<128xi32, #tpu.memory_space<vmem>>, vector<16xi32>,
    %get3A_221 = arith.constant 0 : i32
    %get3A_222 = arith.index_cast %get3A_221 : i32 to index
    %get3A_223 = arith.constant 16 : index
    %get3A_224 = tpu.vector_load %arg7[%get3A_222, %get3A_223] {strides = array<i32>} : memref<314x128xi32, #tpu.memory_space<vmem>>, vector<1x16xi32>,
    %get3A_225 = vector.shape_cast %get3A_224 : vector<1x16xi32> to vector<16xi32>
    %add3A_226 = arith.addi %get3A_225, %add3A_210 : vector<16xi32>
    %swap3A_227 = arith.constant 16 : index
    %swap3A_228 = tpu.vector_load %arg9[%swap3A_227] {strides = array<i32>} : memref<128xi32, #tpu.memory_space<vmem>>, vector<16xi32>,
    %swap3A_229 = vector.shape_cast %swap3A_228 : vector<16xi32> to vector<16xi32>
    %swap3A_230 = vector.shape_cast %add3A_226 : vector<16xi32> to vector<16xi32>
    tpu.vector_store %arg9[%swap3A_227], %swap3A_230 {strides = array<i32>} : memref<128xi32, #tpu.memory_space<vmem>>, vector<16xi32>,
    %get3A_231 = arith.constant 0 : i32
    %get3A_232 = arith.index_cast %get3A_231 : i32 to index
    %get3A_233 = arith.constant 32 : index
    %get3A_234 = tpu.vector_load %arg7[%get3A_232, %get3A_233] {strides = array<i32>} : memref<314x128xi32, #tpu.memory_space<vmem>>, vector<1x16xi32>,
    %get3A_235 = vector.shape_cast %get3A_234 : vector<1x16xi32> to vector<16xi32>
    %add3A_236 = arith.addi %get3A_235, %add3A_210 : vector<16xi32>
    %swap3A_237 = arith.constant 32 : index
    %swap3A_238 = tpu.vector_load %arg9[%swap3A_237] {strides = array<i32>} : memref<128xi32, #tpu.memory_space<vmem>>, vector<16xi32>,
    %swap3A_239 = vector.shape_cast %swap3A_238 : vector<16xi32> to vector<16xi32>
    %swap3A_240 = vector.shape_cast %add3A_236 : vector<16xi32> to vector<16xi32>
    tpu.vector_store %arg9[%swap3A_237], %swap3A_240 {strides = array<i32>} : memref<128xi32, #tpu.memory_space<vmem>>, vector<16xi32>,
    %get3A_241 = arith.constant 0 : i32
    %get3A_242 = arith.index_cast %get3A_241 : i32 to index
    %get3A_243 = arith.constant 48 : index
    %get3A_244 = tpu.vector_load %arg7[%get3A_242, %get3A_243] {strides = array<i32>} : memref<314x128xi32, #tpu.memory_space<vmem>>, vector<1x16xi32>,
    %get3A_245 = vector.shape_cast %get3A_244 : vector<1x16xi32> to vector<16xi32>
    %add3A_246 = arith.addi %get3A_245, %add3A_210 : vector<16xi32>
    %swap3A_247 = arith.constant 48 : index
    %swap3A_248 = tpu.vector_load %arg9[%swap3A_247] {strides = array<i32>} : memref<128xi32, #tpu.memory_space<vmem>>, vector<16xi32>,
    %swap3A_249 = vector.shape_cast %swap3A_248 : vector<16xi32> to vector<16xi32>
    %swap3A_250 = vector.shape_cast %add3A_246 : vector<16xi32> to vector<16xi32>
    tpu.vector_store %arg9[%swap3A_247], %swap3A_250 {strides = array<i32>} : memref<128xi32, #tpu.memory_space<vmem>>, vector<16xi32>,
    %get3A_251 = arith.constant 0 : i32
    %get3A_252 = arith.index_cast %get3A_251 : i32 to index
    %get3A_253 = arith.constant 64 : index
    %get3A_254 = tpu.vector_load %arg7[%get3A_252, %get3A_253] {strides = array<i32>} : memref<314x128xi32, #tpu.memory_space<vmem>>, vector<1x16xi32>,
    %get3A_255 = vector.shape_cast %get3A_254 : vector<1x16xi32> to vector<16xi32>
    %add3A_256 = arith.addi %get3A_255, %add3A_210 : vector<16xi32>
    %swap3A_257 = arith.constant 64 : index
    %swap3A_258 = tpu.vector_load %arg9[%swap3A_257] {strides = array<i32>} : memref<128xi32, #tpu.memory_space<vmem>>, vector<16xi32>,
    %swap3A_259 = vector.shape_cast %swap3A_258 : vector<16xi32> to vector<16xi32>
    %swap3A_260 = vector.shape_cast %add3A_256 : vector<16xi32> to vector<16xi32>
    tpu.vector_store %arg9[%swap3A_257], %swap3A_260 {strides = array<i32>} : memref<128xi32, #tpu.memory_space<vmem>>, vector<16xi32>,
    %get3A_261 = arith.constant 0 : i32
    %get3A_262 = arith.index_cast %get3A_261 : i32 to index
    %get3A_263 = arith.constant 80 : index
    %get3A_264 = tpu.vector_load %arg7[%get3A_262, %get3A_263] {strides = array<i32>} : memref<314x128xi32, #tpu.memory_space<vmem>>, vector<1x16xi32>,
    %get3A_265 = vector.shape_cast %get3A_264 : vector<1x16xi32> to vector<16xi32>
    %add3A_266 = arith.addi %get3A_265, %add3A_210 : vector<16xi32>
    %swap3A_267 = arith.constant 80 : index
    %swap3A_268 = tpu.vector_load %arg9[%swap3A_267] {strides = array<i32>} : memref<128xi32, #tpu.memory_space<vmem>>, vector<16xi32>,
    %swap3A_269 = vector.shape_cast %swap3A_268 : vector<16xi32> to vector<16xi32>
    %swap3A_270 = vector.shape_cast %add3A_266 : vector<16xi32> to vector<16xi32>
    tpu.vector_store %arg9[%swap3A_267], %swap3A_270 {strides = array<i32>} : memref<128xi32, #tpu.memory_space<vmem>>, vector<16xi32>,
    %get3A_271 = arith.constant 0 : i32
    %get3A_272 = arith.index_cast %get3A_271 : i32 to index
    %get3A_273 = arith.constant 96 : index
    %get3A_274 = tpu.vector_load %arg7[%get3A_272, %get3A_273] {strides = array<i32>} : memref<314x128xi32, #tpu.memory_space<vmem>>, vector<1x16xi32>,
    %get3A_275 = vector.shape_cast %get3A_274 : vector<1x16xi32> to vector<16xi32>
    %add3A_276 = arith.addi %get3A_275, %add3A_210 : vector<16xi32>
    %swap3A_277 = arith.constant 96 : index
    %swap3A_278 = tpu.vector_load %arg9[%swap3A_277] {strides = array<i32>} : memref<128xi32, #tpu.memory_space<vmem>>, vector<16xi32>,
    %swap3A_279 = vector.shape_cast %swap3A_278 : vector<16xi32> to vector<16xi32>
    %swap3A_280 = vector.shape_cast %add3A_276 : vector<16xi32> to vector<16xi32>
    tpu.vector_store %arg9[%swap3A_277], %swap3A_280 {strides = array<i32>} : memref<128xi32, #tpu.memory_space<vmem>>, vector<16xi32>,
    %get3A_281 = arith.constant 0 : i32
    %get3A_282 = arith.index_cast %get3A_281 : i32 to index
    %get3A_283 = arith.constant 112 : index
    %get3A_284 = tpu.vector_load %arg7[%get3A_282, %get3A_283] {strides = array<i32>} : memref<314x128xi32, #tpu.memory_space<vmem>>, vector<1x16xi32>,
    %get3A_285 = vector.shape_cast %get3A_284 : vector<1x16xi32> to vector<16xi32>
    %add3A_286 = arith.addi %get3A_285, %add3A_210 : vector<16xi32>
    %swap3A_287 = arith.constant 112 : index
    %swap3A_288 = tpu.vector_load %arg9[%swap3A_287] {strides = array<i32>} : memref<128xi32, #tpu.memory_space<vmem>>, vector<16xi32>,
    %swap3A_289 = vector.shape_cast %swap3A_288 : vector<16xi32> to vector<16xi32>
    %swap3A_290 = vector.shape_cast %add3A_286 : vector<16xi32> to vector<16xi32>
    tpu.vector_store %arg9[%swap3A_287], %swap3A_290 {strides = array<i32>} : memref<128xi32, #tpu.memory_space<vmem>>, vector<16xi32>,
    %dma_start3A_291 = arith.constant 0 : i32
    %dma_start3A_292 = arith.constant 0 : i32
    %dma_start3A_293 = tpu.memref_slice %arg2[%dma_start3A_291, %dma_start3A_292] : memref<40064x32xf32, #tpu.memory_space<hbm>> -> memref<40064x32xf32, #tpu.memory_space<hbm>>
    tpu.enqueue_indirect_dma source(%dma_start3A_293 : memref<40064x32xf32, #tpu.memory_space<hbm>>) target(%arg11 : memref<128x32xf32, #tpu.memory_space<vmem>>) offsets(%arg9 : memref<128xi32, #tpu.memory_space<vmem>>) semaphore(%arg18 : memref<!tpu.dma_semaphore, #tpu.memory_space<semaphore_mem>>)
    %scan3A_294 = arith.constant 0 : i32
    %scan3A_295 = arith.constant 0 : i32
    %scan3A_296 = arith.constant 157 : i32
    %scan3A_297 = arith.addi %scan3A_295, %scan3A_296 : i32
    %scan3A_298 = arith.constant 1 : i32
    %scan3A_299 = scf.for %scan3A_336 = %scan3A_295 to %scan3A_297 step %scan3A_298 iter_args(%scan3A_337 = %scan3A_294) -> (i32)  : i32 {
      %mul3A_338 = arith.constant 2 : i32
      %mul3A_339 = arith.muli %scan3A_336, %mul3A_338 : i32
      %add3A_340 = arith.constant 1 : i32
      %add3A_341 = arith.addi %mul3A_339, %add3A_340 : i32
      %get3A_342 = arith.index_cast %add3A_341 : i32 to index
      %get3A_343 = arith.constant 0 : index
      %get3A_344 = tpu.vector_load %arg7[%get3A_342, %get3A_343] {strides = array<i32>} : memref<314x128xi32, #tpu.memory_space<vmem>>, vector<1x16xi32>,
      %get3A_345 = vector.shape_cast %get3A_344 : vector<1x16xi32> to vector<16xi32>
      %add3A_346 = arith.addi %get3A_345, %add3A_210 : vector<16xi32>
      %swap3A_347 = arith.constant 0 : index
      %swap3A_348 = tpu.vector_load %arg10[%swap3A_347] {strides = array<i32>} : memref<128xi32, #tpu.memory_space<vmem>>, vector<16xi32>,
      %swap3A_349 = vector.shape_cast %swap3A_348 : vector<16xi32> to vector<16xi32>
      %swap3A_350 = vector.shape_cast %add3A_346 : vector<16xi32> to vector<16xi32>
      tpu.vector_store %arg10[%swap3A_347], %swap3A_350 {strides = array<i32>} : memref<128xi32, #tpu.memory_space<vmem>>, vector<16xi32>,
      %get3A_351 = arith.index_cast %add3A_341 : i32 to index
      %get3A_352 = arith.constant 16 : index
      %get3A_353 = tpu.vector_load %arg7[%get3A_351, %get3A_352] {strides = array<i32>} : memref<314x128xi32, #tpu.memory_space<vmem>>, vector<1x16xi32>,
      %get3A_354 = vector.shape_cast %get3A_353 : vector<1x16xi32> to vector<16xi32>
      %add3A_355 = arith.addi %get3A_354, %add3A_210 : vector<16xi32>
      %swap3A_356 = arith.constant 16 : index
      %swap3A_357 = tpu.vector_load %arg10[%swap3A_356] {strides = array<i32>} : memref<128xi32, #tpu.memory_space<vmem>>, vector<16xi32>,
      %swap3A_358 = vector.shape_cast %swap3A_357 : vector<16xi32> to vector<16xi32>
      %swap3A_359 = vector.shape_cast %add3A_355 : vector<16xi32> to vector<16xi32>
      tpu.vector_store %arg10[%swap3A_356], %swap3A_359 {strides = array<i32>} : memref<128xi32, #tpu.memory_space<vmem>>, vector<16xi32>,
      %get3A_360 = arith.index_cast %add3A_341 : i32 to index
      %get3A_361 = arith.constant 32 : index
      %get3A_362 = tpu.vector_load %arg7[%get3A_360, %get3A_361] {strides = array<i32>} : memref<314x128xi32, #tpu.memory_space<vmem>>, vector<1x16xi32>,
      %get3A_363 = vector.shape_cast %get3A_362 : vector<1x16xi32> to vector<16xi32>
      %add3A_364 = arith.addi %get3A_363, %add3A_210 : vector<16xi32>
      %swap3A_365 = arith.constant 32 : index
      %swap3A_366 = tpu.vector_load %arg10[%swap3A_365] {strides = array<i32>} : memref<128xi32, #tpu.memory_space<vmem>>, vector<16xi32>,
      %swap3A_367 = vector.shape_cast %swap3A_366 : vector<16xi32> to vector<16xi32>
      %swap3A_368 = vector.shape_cast %add3A_364 : vector<16xi32> to vector<16xi32>
      tpu.vector_store %arg10[%swap3A_365], %swap3A_368 {strides = array<i32>} : memref<128xi32, #tpu.memory_space<vmem>>, vector<16xi32>,
      %get3A_369 = arith.index_cast %add3A_341 : i32 to index
      %get3A_370 = arith.constant 48 : index
      %get3A_371 = tpu.vector_load %arg7[%get3A_369, %get3A_370] {strides = array<i32>} : memref<314x128xi32, #tpu.memory_space<vmem>>, vector<1x16xi32>,
      %get3A_372 = vector.shape_cast %get3A_371 : vector<1x16xi32> to vector<16xi32>
      %add3A_373 = arith.addi %get3A_372, %add3A_210 : vector<16xi32>
      %swap3A_374 = arith.constant 48 : index
      %swap3A_375 = tpu.vector_load %arg10[%swap3A_374] {strides = array<i32>} : memref<128xi32, #tpu.memory_space<vmem>>, vector<16xi32>,
      %swap3A_376 = vector.shape_cast %swap3A_375 : vector<16xi32> to vector<16xi32>
      %swap3A_377 = vector.shape_cast %add3A_373 : vector<16xi32> to vector<16xi32>
      tpu.vector_store %arg10[%swap3A_374], %swap3A_377 {strides = array<i32>} : memref<128xi32, #tpu.memory_space<vmem>>, vector<16xi32>,
      %get3A_378 = arith.index_cast %add3A_341 : i32 to index
      %get3A_379 = arith.constant 64 : index
      %get3A_380 = tpu.vector_load %arg7[%get3A_378, %get3A_379] {strides = array<i32>} : memref<314x128xi32, #tpu.memory_space<vmem>>, vector<1x16xi32>,
      %get3A_381 = vector.shape_cast %get3A_380 : vector<1x16xi32> to vector<16xi32>
      %add3A_382 = arith.addi %get3A_381, %add3A_210 : vector<16xi32>
      %swap3A_383 = arith.constant 64 : index
      %swap3A_384 = tpu.vector_load %arg10[%swap3A_383] {strides = array<i32>} : memref<128xi32, #tpu.memory_space<vmem>>, vector<16xi32>,
      %swap3A_385 = vector.shape_cast %swap3A_384 : vector<16xi32> to vector<16xi32>
      %swap3A_386 = vector.shape_cast %add3A_382 : vector<16xi32> to vector<16xi32>
      tpu.vector_store %arg10[%swap3A_383], %swap3A_386 {strides = array<i32>} : memref<128xi32, #tpu.memory_space<vmem>>, vector<16xi32>,
      %get3A_387 = arith.index_cast %add3A_341 : i32 to index
      %get3A_388 = arith.constant 80 : index
      %get3A_389 = tpu.vector_load %arg7[%get3A_387, %get3A_388] {strides = array<i32>} : memref<314x128xi32, #tpu.memory_space<vmem>>, vector<1x16xi32>,
      %get3A_390 = vector.shape_cast %get3A_389 : vector<1x16xi32> to vector<16xi32>
      %add3A_391 = arith.addi %get3A_390, %add3A_210 : vector<16xi32>
      %swap3A_392 = arith.constant 80 : index
      %swap3A_393 = tpu.vector_load %arg10[%swap3A_392] {strides = array<i32>} : memref<128xi32, #tpu.memory_space<vmem>>, vector<16xi32>,
      %swap3A_394 = vector.shape_cast %swap3A_393 : vector<16xi32> to vector<16xi32>
      %swap3A_395 = vector.shape_cast %add3A_391 : vector<16xi32> to vector<16xi32>
      tpu.vector_store %arg10[%swap3A_392], %swap3A_395 {strides = array<i32>} : memref<128xi32, #tpu.memory_space<vmem>>, vector<16xi32>,
      %get3A_396 = arith.index_cast %add3A_341 : i32 to index
      %get3A_397 = arith.constant 96 : index
      %get3A_398 = tpu.vector_load %arg7[%get3A_396, %get3A_397] {strides = array<i32>} : memref<314x128xi32, #tpu.memory_space<vmem>>, vector<1x16xi32>,
      %get3A_399 = vector.shape_cast %get3A_398 : vector<1x16xi32> to vector<16xi32>
      %add3A_400 = arith.addi %get3A_399, %add3A_210 : vector<16xi32>
      %swap3A_401 = arith.constant 96 : index
      %swap3A_402 = tpu.vector_load %arg10[%swap3A_401] {strides = array<i32>} : memref<128xi32, #tpu.memory_space<vmem>>, vector<16xi32>,
      %swap3A_403 = vector.shape_cast %swap3A_402 : vector<16xi32> to vector<16xi32>
      %swap3A_404 = vector.shape_cast %add3A_400 : vector<16xi32> to vector<16xi32>
      tpu.vector_store %arg10[%swap3A_401], %swap3A_404 {strides = array<i32>} : memref<128xi32, #tpu.memory_space<vmem>>, vector<16xi32>,
      %get3A_405 = arith.index_cast %add3A_341 : i32 to index
      %get3A_406 = arith.constant 112 : index
      %get3A_407 = tpu.vector_load %arg7[%get3A_405, %get3A_406] {strides = array<i32>} : memref<314x128xi32, #tpu.memory_space<vmem>>, vector<1x16xi32>,
      %get3A_408 = vector.shape_cast %get3A_407 : vector<1x16xi32> to vector<16xi32>
      %add3A_409 = arith.addi %get3A_408, %add3A_210 : vector<16xi32>
      %swap3A_410 = arith.constant 112 : index
      %swap3A_411 = tpu.vector_load %arg10[%swap3A_410] {strides = array<i32>} : memref<128xi32, #tpu.memory_space<vmem>>, vector<16xi32>,
      %swap3A_412 = vector.shape_cast %swap3A_411 : vector<16xi32> to vector<16xi32>
      %swap3A_413 = vector.shape_cast %add3A_409 : vector<16xi32> to vector<16xi32>
      tpu.vector_store %arg10[%swap3A_410], %swap3A_413 {strides = array<i32>} : memref<128xi32, #tpu.memory_space<vmem>>, vector<16xi32>,
      %dma_start3A_414 = arith.constant 0 : i32
      %dma_start3A_415 = arith.constant 0 : i32
      %dma_start3A_416 = tpu.memref_slice %arg2[%dma_start3A_414, %dma_start3A_415] : memref<40064x32xf32, #tpu.memory_space<hbm>> -> memref<40064x32xf32, #tpu.memory_space<hbm>>
      tpu.enqueue_indirect_dma source(%dma_start3A_416 : memref<40064x32xf32, #tpu.memory_space<hbm>>) target(%arg12 : memref<128x32xf32, #tpu.memory_space<vmem>>) offsets(%arg10 : memref<128xi32, #tpu.memory_space<vmem>>) semaphore(%arg19 : memref<!tpu.dma_semaphore, #tpu.memory_space<semaphore_mem>>)
      %dma_wait3A_417 = arith.constant 0 : i32
      %dma_wait3A_418 = arith.constant 0 : i32
      %dma_wait3A_419 = tpu.memref_slice %arg2[%dma_wait3A_417, %dma_wait3A_418] : memref<40064x32xf32, #tpu.memory_space<hbm>> -> memref<128x32xf32, #tpu.memory_space<hbm>>
      %dma_wait3A_420 = arith.constant 0 : i32
      %dma_wait3A_421 = arith.constant 0 : i32
      %dma_wait3A_422 = tpu.memref_slice %arg2[%dma_wait3A_420, %dma_wait3A_421] : memref<40064x32xf32, #tpu.memory_space<hbm>> -> memref<128x32xf32, #tpu.memory_space<hbm>>
      tpu.wait_dma2 semaphore(%arg18 : memref<!tpu.dma_semaphore, #tpu.memory_space<semaphore_mem>>) src(%dma_wait3A_422 : memref<128x32xf32, #tpu.memory_space<hbm>>) dst(%arg11 : memref<128x32xf32, #tpu.memory_space<vmem>>)
      "tpu.region"() ({
        %run_scoped3A = tpu.sem_alloc : memref<!tpu.dma_semaphore, #tpu.memory_space<semaphore_mem>>
        %dma_start3A_510 = arith.constant 0 : i32
        %dma_start3A_511 = tpu.memref_slice %arg8[%mul3A_339, %dma_start3A_510] : memref<314x128xi32, #tpu.memory_space<vmem>> -> memref<1x128xi32, #tpu.memory_space<vmem>>
        %dma_start3A_512 = tpu.memref_squeeze %dma_start3A_511 : memref<1x128xi32, #tpu.memory_space<vmem>> -> memref<128xi32, #tpu.memory_space<vmem>>
        %dma_start3A_513 = arith.constant 0 : i32
        %dma_start3A_514 = arith.constant 0 : i32
        %dma_start3A_515 = tpu.memref_slice %arg16[%dma_start3A_513, %dma_start3A_514] : memref<10016x32xf32, #tpu.memory_space<vmem_shared>> -> memref<10016x32xf32, #tpu.memory_space<vmem_shared>>
        tpu.enqueue_indirect_dma source(%arg11 : memref<128x32xf32, #tpu.memory_space<vmem>>) target(%dma_start3A_515 : memref<10016x32xf32, #tpu.memory_space<vmem_shared>>) offsets(%dma_start3A_512 : memref<128xi32, #tpu.memory_space<vmem>>) semaphore(%run_scoped3A : memref<!tpu.dma_semaphore, #tpu.memory_space<semaphore_mem>>) {add = true}
        %dma_wait3A_516 = arith.constant 0 : i32
        %dma_wait3A_517 = tpu.memref_slice %arg8[%mul3A_339, %dma_wait3A_516] : memref<314x128xi32, #tpu.memory_space<vmem>> -> memref<1x128xi32, #tpu.memory_space<vmem>>
        %dma_wait3A_518 = tpu.memref_squeeze %dma_wait3A_517 : memref<1x128xi32, #tpu.memory_space<vmem>> -> memref<128xi32, #tpu.memory_space<vmem>>
        %dma_wait3A_519 = arith.constant 0 : i32
        %dma_wait3A_520 = arith.constant 0 : i32
        %dma_wait3A_521 = tpu.memref_slice %arg16[%dma_wait3A_519, %dma_wait3A_520] : memref<10016x32xf32, #tpu.memory_space<vmem_shared>> -> memref<10016x32xf32, #tpu.memory_space<vmem_shared>>
        tpu.wait_indirect_dma semaphore(%run_scoped3A : memref<!tpu.dma_semaphore, #tpu.memory_space<semaphore_mem>>) src(%arg11 : memref<128x32xf32, #tpu.memory_space<vmem>>) dst(%dma_wait3A_521 : memref<10016x32xf32, #tpu.memory_space<vmem_shared>>)
        tpu.yield
      }) : () -> ()
      %add3A_423 = arith.constant 2 : i32
      %add3A_424 = arith.addi %mul3A_339, %add3A_423 : i32
      %min3A = arith.constant 312 : i32
      %min3A_425 = arith.minsi %add3A_424, %min3A : i32
      %get3A_426 = arith.index_cast %min3A_425 : i32 to index
      %get3A_427 = arith.constant 0 : index
      %get3A_428 = tpu.vector_load %arg7[%get3A_426, %get3A_427] {strides = array<i32>} : memref<314x128xi32, #tpu.memory_space<vmem>>, vector<1x16xi32>,
      %get3A_429 = vector.shape_cast %get3A_428 : vector<1x16xi32> to vector<16xi32>
      %add3A_430 = arith.addi %get3A_429, %add3A_210 : vector<16xi32>
      %swap3A_431 = arith.constant 0 : index
      %swap3A_432 = tpu.vector_load %arg9[%swap3A_431] {strides = array<i32>} : memref<128xi32, #tpu.memory_space<vmem>>, vector<16xi32>,
      %swap3A_433 = vector.shape_cast %swap3A_432 : vector<16xi32> to vector<16xi32>
      %swap3A_434 = vector.shape_cast %add3A_430 : vector<16xi32> to vector<16xi32>
      tpu.vector_store %arg9[%swap3A_431], %swap3A_434 {strides = array<i32>} : memref<128xi32, #tpu.memory_space<vmem>>, vector<16xi32>,
      %get3A_435 = arith.index_cast %min3A_425 : i32 to index
      %get3A_436 = arith.constant 16 : index
      %get3A_437 = tpu.vector_load %arg7[%get3A_435, %get3A_436] {strides = array<i32>} : memref<314x128xi32, #tpu.memory_space<vmem>>, vector<1x16xi32>,
      %get3A_438 = vector.shape_cast %get3A_437 : vector<1x16xi32> to vector<16xi32>
      %add3A_439 = arith.addi %get3A_438, %add3A_210 : vector<16xi32>
      %swap3A_440 = arith.constant 16 : index
      %swap3A_441 = tpu.vector_load %arg9[%swap3A_440] {strides = array<i32>} : memref<128xi32, #tpu.memory_space<vmem>>, vector<16xi32>,
      %swap3A_442 = vector.shape_cast %swap3A_441 : vector<16xi32> to vector<16xi32>
      %swap3A_443 = vector.shape_cast %add3A_439 : vector<16xi32> to vector<16xi32>
      tpu.vector_store %arg9[%swap3A_440], %swap3A_443 {strides = array<i32>} : memref<128xi32, #tpu.memory_space<vmem>>, vector<16xi32>,
      %get3A_444 = arith.index_cast %min3A_425 : i32 to index
      %get3A_445 = arith.constant 32 : index
      %get3A_446 = tpu.vector_load %arg7[%get3A_444, %get3A_445] {strides = array<i32>} : memref<314x128xi32, #tpu.memory_space<vmem>>, vector<1x16xi32>,
      %get3A_447 = vector.shape_cast %get3A_446 : vector<1x16xi32> to vector<16xi32>
      %add3A_448 = arith.addi %get3A_447, %add3A_210 : vector<16xi32>
      %swap3A_449 = arith.constant 32 : index
      %swap3A_450 = tpu.vector_load %arg9[%swap3A_449] {strides = array<i32>} : memref<128xi32, #tpu.memory_space<vmem>>, vector<16xi32>,
      %swap3A_451 = vector.shape_cast %swap3A_450 : vector<16xi32> to vector<16xi32>
      %swap3A_452 = vector.shape_cast %add3A_448 : vector<16xi32> to vector<16xi32>
      tpu.vector_store %arg9[%swap3A_449], %swap3A_452 {strides = array<i32>} : memref<128xi32, #tpu.memory_space<vmem>>, vector<16xi32>,
      %get3A_453 = arith.index_cast %min3A_425 : i32 to index
      %get3A_454 = arith.constant 48 : index
      %get3A_455 = tpu.vector_load %arg7[%get3A_453, %get3A_454] {strides = array<i32>} : memref<314x128xi32, #tpu.memory_space<vmem>>, vector<1x16xi32>,
      %get3A_456 = vector.shape_cast %get3A_455 : vector<1x16xi32> to vector<16xi32>
      %add3A_457 = arith.addi %get3A_456, %add3A_210 : vector<16xi32>
      %swap3A_458 = arith.constant 48 : index
      %swap3A_459 = tpu.vector_load %arg9[%swap3A_458] {strides = array<i32>} : memref<128xi32, #tpu.memory_space<vmem>>, vector<16xi32>,
      %swap3A_460 = vector.shape_cast %swap3A_459 : vector<16xi32> to vector<16xi32>
      %swap3A_461 = vector.shape_cast %add3A_457 : vector<16xi32> to vector<16xi32>
      tpu.vector_store %arg9[%swap3A_458], %swap3A_461 {strides = array<i32>} : memref<128xi32, #tpu.memory_space<vmem>>, vector<16xi32>,
      %get3A_462 = arith.index_cast %min3A_425 : i32 to index
      %get3A_463 = arith.constant 64 : index
      %get3A_464 = tpu.vector_load %arg7[%get3A_462, %get3A_463] {strides = array<i32>} : memref<314x128xi32, #tpu.memory_space<vmem>>, vector<1x16xi32>,
      %get3A_465 = vector.shape_cast %get3A_464 : vector<1x16xi32> to vector<16xi32>
      %add3A_466 = arith.addi %get3A_465, %add3A_210 : vector<16xi32>
      %swap3A_467 = arith.constant 64 : index
      %swap3A_468 = tpu.vector_load %arg9[%swap3A_467] {strides = array<i32>} : memref<128xi32, #tpu.memory_space<vmem>>, vector<16xi32>,
      %swap3A_469 = vector.shape_cast %swap3A_468 : vector<16xi32> to vector<16xi32>
      %swap3A_470 = vector.shape_cast %add3A_466 : vector<16xi32> to vector<16xi32>
      tpu.vector_store %arg9[%swap3A_467], %swap3A_470 {strides = array<i32>} : memref<128xi32, #tpu.memory_space<vmem>>, vector<16xi32>,
      %get3A_471 = arith.index_cast %min3A_425 : i32 to index
      %get3A_472 = arith.constant 80 : index
      %get3A_473 = tpu.vector_load %arg7[%get3A_471, %get3A_472] {strides = array<i32>} : memref<314x128xi32, #tpu.memory_space<vmem>>, vector<1x16xi32>,
      %get3A_474 = vector.shape_cast %get3A_473 : vector<1x16xi32> to vector<16xi32>
      %add3A_475 = arith.addi %get3A_474, %add3A_210 : vector<16xi32>
      %swap3A_476 = arith.constant 80 : index
      %swap3A_477 = tpu.vector_load %arg9[%swap3A_476] {strides = array<i32>} : memref<128xi32, #tpu.memory_space<vmem>>, vector<16xi32>,
      %swap3A_478 = vector.shape_cast %swap3A_477 : vector<16xi32> to vector<16xi32>
      %swap3A_479 = vector.shape_cast %add3A_475 : vector<16xi32> to vector<16xi32>
      tpu.vector_store %arg9[%swap3A_476], %swap3A_479 {strides = array<i32>} : memref<128xi32, #tpu.memory_space<vmem>>, vector<16xi32>,
      %get3A_480 = arith.index_cast %min3A_425 : i32 to index
      %get3A_481 = arith.constant 96 : index
      %get3A_482 = tpu.vector_load %arg7[%get3A_480, %get3A_481] {strides = array<i32>} : memref<314x128xi32, #tpu.memory_space<vmem>>, vector<1x16xi32>,
      %get3A_483 = vector.shape_cast %get3A_482 : vector<1x16xi32> to vector<16xi32>
      %add3A_484 = arith.addi %get3A_483, %add3A_210 : vector<16xi32>
      %swap3A_485 = arith.constant 96 : index
      %swap3A_486 = tpu.vector_load %arg9[%swap3A_485] {strides = array<i32>} : memref<128xi32, #tpu.memory_space<vmem>>, vector<16xi32>,
      %swap3A_487 = vector.shape_cast %swap3A_486 : vector<16xi32> to vector<16xi32>
      %swap3A_488 = vector.shape_cast %add3A_484 : vector<16xi32> to vector<16xi32>
      tpu.vector_store %arg9[%swap3A_485], %swap3A_488 {strides = array<i32>} : memref<128xi32, #tpu.memory_space<vmem>>, vector<16xi32>,
      %get3A_489 = arith.index_cast %min3A_425 : i32 to index
      %get3A_490 = arith.constant 112 : index
      %get3A_491 = tpu.vector_load %arg7[%get3A_489, %get3A_490] {strides = array<i32>} : memref<314x128xi32, #tpu.memory_space<vmem>>, vector<1x16xi32>,
      %get3A_492 = vector.shape_cast %get3A_491 : vector<1x16xi32> to vector<16xi32>
      %add3A_493 = arith.addi %get3A_492, %add3A_210 : vector<16xi32>
      %swap3A_494 = arith.constant 112 : index
      %swap3A_495 = tpu.vector_load %arg9[%swap3A_494] {strides = array<i32>} : memref<128xi32, #tpu.memory_space<vmem>>, vector<16xi32>,
      %swap3A_496 = vector.shape_cast %swap3A_495 : vector<16xi32> to vector<16xi32>
      %swap3A_497 = vector.shape_cast %add3A_493 : vector<16xi32> to vector<16xi32>
      tpu.vector_store %arg9[%swap3A_494], %swap3A_497 {strides = array<i32>} : memref<128xi32, #tpu.memory_space<vmem>>, vector<16xi32>,
      %dma_start3A_498 = arith.constant 0 : i32
      %dma_start3A_499 = arith.constant 0 : i32
      %dma_start3A_500 = tpu.memref_slice %arg2[%dma_start3A_498, %dma_start3A_499] : memref<40064x32xf32, #tpu.memory_space<hbm>> -> memref<40064x32xf32, #tpu.memory_space<hbm>>
      tpu.enqueue_indirect_dma source(%dma_start3A_500 : memref<40064x32xf32, #tpu.memory_space<hbm>>) target(%arg11 : memref<128x32xf32, #tpu.memory_space<vmem>>) offsets(%arg9 : memref<128xi32, #tpu.memory_space<vmem>>) semaphore(%arg18 : memref<!tpu.dma_semaphore, #tpu.memory_space<semaphore_mem>>)
      %dma_wait3A_501 = arith.constant 0 : i32
      %dma_wait3A_502 = arith.constant 0 : i32
      %dma_wait3A_503 = tpu.memref_slice %arg2[%dma_wait3A_501, %dma_wait3A_502] : memref<40064x32xf32, #tpu.memory_space<hbm>> -> memref<128x32xf32, #tpu.memory_space<hbm>>
      %dma_wait3A_504 = arith.constant 0 : i32
      %dma_wait3A_505 = arith.constant 0 : i32
      %dma_wait3A_506 = tpu.memref_slice %arg2[%dma_wait3A_504, %dma_wait3A_505] : memref<40064x32xf32, #tpu.memory_space<hbm>> -> memref<128x32xf32, #tpu.memory_space<hbm>>
      tpu.wait_dma2 semaphore(%arg19 : memref<!tpu.dma_semaphore, #tpu.memory_space<semaphore_mem>>) src(%dma_wait3A_506 : memref<128x32xf32, #tpu.memory_space<hbm>>) dst(%arg12 : memref<128x32xf32, #tpu.memory_space<vmem>>)
      %add3A_507 = arith.constant 1 : i32
      %add3A_508 = arith.addi %mul3A_339, %add3A_507 : i32
      "tpu.region"() ({
        %run_scoped3A = tpu.sem_alloc : memref<!tpu.dma_semaphore, #tpu.memory_space<semaphore_mem>>
        %dma_start3A_510 = arith.constant 0 : i32
        %dma_start3A_511 = tpu.memref_slice %arg8[%add3A_508, %dma_start3A_510] : memref<314x128xi32, #tpu.memory_space<vmem>> -> memref<1x128xi32, #tpu.memory_space<vmem>>
        %dma_start3A_512 = tpu.memref_squeeze %dma_start3A_511 : memref<1x128xi32, #tpu.memory_space<vmem>> -> memref<128xi32, #tpu.memory_space<vmem>>
        %dma_start3A_513 = arith.constant 0 : i32
        %dma_start3A_514 = arith.constant 0 : i32
        %dma_start3A_515 = tpu.memref_slice %arg16[%dma_start3A_513, %dma_start3A_514] : memref<10016x32xf32, #tpu.memory_space<vmem_shared>> -> memref<10016x32xf32, #tpu.memory_space<vmem_shared>>
        tpu.enqueue_indirect_dma source(%arg12 : memref<128x32xf32, #tpu.memory_space<vmem>>) target(%dma_start3A_515 : memref<10016x32xf32, #tpu.memory_space<vmem_shared>>) offsets(%dma_start3A_512 : memref<128xi32, #tpu.memory_space<vmem>>) semaphore(%run_scoped3A : memref<!tpu.dma_semaphore, #tpu.memory_space<semaphore_mem>>) {add = true}
        %dma_wait3A_516 = arith.constant 0 : i32
        %dma_wait3A_517 = tpu.memref_slice %arg8[%add3A_508, %dma_wait3A_516] : memref<314x128xi32, #tpu.memory_space<vmem>> -> memref<1x128xi32, #tpu.memory_space<vmem>>
        %dma_wait3A_518 = tpu.memref_squeeze %dma_wait3A_517 : memref<1x128xi32, #tpu.memory_space<vmem>> -> memref<128xi32, #tpu.memory_space<vmem>>
        %dma_wait3A_519 = arith.constant 0 : i32
        %dma_wait3A_520 = arith.constant 0 : i32
        %dma_wait3A_521 = tpu.memref_slice %arg16[%dma_wait3A_519, %dma_wait3A_520] : memref<10016x32xf32, #tpu.memory_space<vmem_shared>> -> memref<10016x32xf32, #tpu.memory_space<vmem_shared>>
        tpu.wait_indirect_dma semaphore(%run_scoped3A : memref<!tpu.dma_semaphore, #tpu.memory_space<semaphore_mem>>) src(%arg12 : memref<128x32xf32, #tpu.memory_space<vmem>>) dst(%dma_wait3A_521 : memref<10016x32xf32, #tpu.memory_space<vmem_shared>>)
        tpu.yield
      }) : () -> ()
      %scan3A_509 = arith.constant 0 : i32
      scf.yield %scan3A_509 : i32
    }
    %scan3A_300 = arith.constant 157 : i32
    %dma_wait3A_301 = arith.constant 0 : i32
    %dma_wait3A_302 = arith.constant 0 : i32
    %dma_wait3A_303 = tpu.memref_slice %arg2[%dma_wait3A_301, %dma_wait3A_302] : memref<40064x32xf32, #tpu.memory_space<hbm>> -> memref<128x32xf32, #tpu.memory_space<hbm>>
    %dma_wait3A_304 = arith.constant 0 : i32
    %dma_wait3A_305 = arith.constant 0 : i32
    %dma_wait3A_306 = tpu.memref_slice %arg2[%dma_wait3A_304, %dma_wait3A_305] : memref<40064x32xf32, #tpu.memory_space<hbm>> -> memref<128x32xf32, #tpu.memory_space<hbm>>
    tpu.wait_dma2 semaphore(%arg18 : memref<!tpu.dma_semaphore, #tpu.memory_space<semaphore_mem>>) src(%dma_wait3A_306 : memref<128x32xf32, #tpu.memory_space<hbm>>) dst(%arg11 : memref<128x32xf32, #tpu.memory_space<vmem>>)
    %barrier3A_307 = arith.constant 0 : index
    tpu.barrier barrier_id(%barrier3A_307)
    %mul3A_308 = arith.constant 2 : i32
    %mul3A_309 = arith.muli %arg0, %mul3A_308 : i32
    %add3A_310 = arith.constant 1 : i32
    %add3A_311 = arith.addi %mul3A_309, %add3A_310 : i32
    %mul3A_312 = arith.constant 10016 : i32
    %mul3A_313 = arith.muli %add3A_311, %mul3A_312 : i32
    %add3A_314 = arith.addi %mul3A_313, %mul3A_16 : i32
    %add3A_315 = arith.constant 0 : i32
    %add3A_316 = arith.addi %mul3A_16, %add3A_315 : i32
    "tpu.region"() ({
      %run_scoped3A = tpu.sem_alloc : memref<!tpu.dma_semaphore, #tpu.memory_space<semaphore_mem>>
      %dma_start3A_336 = arith.constant 0 : i32
      %dma_start3A_337 = arith.constant 0 : i32
      %dma_start3A_338 = tpu.memref_slice %arg11[%dma_start3A_336, %dma_start3A_337] : memref<128x32xf32, #tpu.memory_space<vmem>> -> memref<128x32xf32, #tpu.memory_space<vmem>>
      %dma_start3A_339 = arith.constant 0 : i32
      %dma_start3A_340 = tpu.memref_slice %arg16[%add3A_316, %dma_start3A_339] : memref<10016x32xf32, #tpu.memory_space<vmem_shared>> -> memref<128x32xf32, #tpu.memory_space<vmem_shared>>
      %dma_start3A_341 = arith.constant 0 : i32
      %dma_start3A_342 = arith.constant 0 : i32
      %dma_start3A_343 = tpu.memref_slice %arg11[%dma_start3A_341, %dma_start3A_342] : memref<128x32xf32, #tpu.memory_space<vmem>> -> memref<128x32xf32, #tpu.memory_space<vmem>>
      %dma_start3A_344 = arith.constant 0 : i32
      %dma_start3A_345 = tpu.memref_slice %arg16[%add3A_316, %dma_start3A_344] : memref<10016x32xf32, #tpu.memory_space<vmem_shared>> -> memref<128x32xf32, #tpu.memory_space<vmem_shared>>
      tpu.enqueue_dma source(%dma_start3A_345 : memref<128x32xf32, #tpu.memory_space<vmem_shared>>) target(%dma_start3A_343 : memref<128x32xf32, #tpu.memory_space<vmem>>) target_semaphore(%run_scoped3A : memref<!tpu.dma_semaphore, #tpu.memory_space<semaphore_mem>>)
      %dma_wait3A_346 = arith.constant 0 : i32
      %dma_wait3A_347 = arith.constant 0 : i32
      %dma_wait3A_348 = tpu.memref_slice %arg11[%dma_wait3A_346, %dma_wait3A_347] : memref<128x32xf32, #tpu.memory_space<vmem>> -> memref<128x32xf32, #tpu.memory_space<vmem>>
      %dma_wait3A_349 = arith.constant 0 : i32
      %dma_wait3A_350 = tpu.memref_slice %arg16[%add3A_316, %dma_wait3A_349] : memref<10016x32xf32, #tpu.memory_space<vmem_shared>> -> memref<128x32xf32, #tpu.memory_space<vmem_shared>>
      %dma_wait3A_351 = arith.constant 0 : i32
      %dma_wait3A_352 = arith.constant 0 : i32
      %dma_wait3A_353 = tpu.memref_slice %arg11[%dma_wait3A_351, %dma_wait3A_352] : memref<128x32xf32, #tpu.memory_space<vmem>> -> memref<128x32xf32, #tpu.memory_space<vmem>>
      %dma_wait3A_354 = arith.constant 0 : i32
      %dma_wait3A_355 = tpu.memref_slice %arg16[%add3A_316, %dma_wait3A_354] : memref<10016x32xf32, #tpu.memory_space<vmem_shared>> -> memref<128x32xf32, #tpu.memory_space<vmem_shared>>
      tpu.wait_dma2 semaphore(%run_scoped3A : memref<!tpu.dma_semaphore, #tpu.memory_space<semaphore_mem>>) src(%dma_wait3A_355 : memref<128x32xf32, #tpu.memory_space<vmem_shared>>) dst(%dma_wait3A_353 : memref<128x32xf32, #tpu.memory_space<vmem>>)
      tpu.yield
    }) : () -> ()
    %add3A_317 = arith.constant 0 : i32
    %add3A_318 = arith.addi %add3A_314, %add3A_317 : i32
    "tpu.region"() ({
      %run_scoped3A = tpu.sem_alloc : memref<!tpu.dma_semaphore, #tpu.memory_space<semaphore_mem>>
      %dma_start3A_336 = arith.constant 0 : i32
      %dma_start3A_337 = arith.constant 0 : i32
      %dma_start3A_338 = tpu.memref_slice %arg11[%dma_start3A_336, %dma_start3A_337] : memref<128x32xf32, #tpu.memory_space<vmem>> -> memref<128x32xf32, #tpu.memory_space<vmem>>
      %dma_start3A_339 = arith.constant 0 : i32
      %dma_start3A_340 = tpu.memref_slice %arg5[%add3A_318, %dma_start3A_339] : memref<40064x32xf32, #tpu.memory_space<hbm>> -> memref<128x32xf32, #tpu.memory_space<hbm>>
      %dma_start3A_341 = arith.constant 0 : i32
      %dma_start3A_342 = tpu.memref_slice %arg5[%add3A_318, %dma_start3A_341] : memref<40064x32xf32, #tpu.memory_space<hbm>> -> memref<128x32xf32, #tpu.memory_space<hbm>>
      %dma_start3A_343 = arith.constant 0 : i32
      %dma_start3A_344 = arith.constant 0 : i32
      %dma_start3A_345 = tpu.memref_slice %arg11[%dma_start3A_343, %dma_start3A_344] : memref<128x32xf32, #tpu.memory_space<vmem>> -> memref<128x32xf32, #tpu.memory_space<vmem>>
      tpu.enqueue_dma source(%dma_start3A_345 : memref<128x32xf32, #tpu.memory_space<vmem>>) target(%dma_start3A_342 : memref<128x32xf32, #tpu.memory_space<hbm>>) target_semaphore(%run_scoped3A : memref<!tpu.dma_semaphore, #tpu.memory_space<semaphore_mem>>)
      %dma_wait3A_346 = arith.constant 0 : i32
      %dma_wait3A_347 = arith.constant 0 : i32
      %dma_wait3A_348 = tpu.memref_slice %arg11[%dma_wait3A_346, %dma_wait3A_347] : memref<128x32xf32, #tpu.memory_space<vmem>> -> memref<128x32xf32, #tpu.memory_space<vmem>>
      %dma_wait3A_349 = arith.constant 0 : i32
      %dma_wait3A_350 = tpu.memref_slice %arg5[%add3A_318, %dma_wait3A_349] : memref<40064x32xf32, #tpu.memory_space<hbm>> -> memref<128x32xf32, #tpu.memory_space<hbm>>
      %dma_wait3A_351 = arith.constant 0 : i32
      %dma_wait3A_352 = tpu.memref_slice %arg5[%add3A_318, %dma_wait3A_351] : memref<40064x32xf32, #tpu.memory_space<hbm>> -> memref<128x32xf32, #tpu.memory_space<hbm>>
      %dma_wait3A_353 = arith.constant 0 : i32
      %dma_wait3A_354 = arith.constant 0 : i32
      %dma_wait3A_355 = tpu.memref_slice %arg11[%dma_wait3A_353, %dma_wait3A_354] : memref<128x32xf32, #tpu.memory_space<vmem>> -> memref<128x32xf32, #tpu.memory_space<vmem>>
      tpu.wait_dma2 semaphore(%run_scoped3A : memref<!tpu.dma_semaphore, #tpu.memory_space<semaphore_mem>>) src(%dma_wait3A_355 : memref<128x32xf32, #tpu.memory_space<vmem>>) dst(%dma_wait3A_352 : memref<128x32xf32, #tpu.memory_space<hbm>>)
      tpu.yield
    }) : () -> ()
    %add3A_319 = arith.constant 128 : i32
    %add3A_320 = arith.addi %mul3A_16, %add3A_319 : i32
    "tpu.region"() ({
      %run_scoped3A = tpu.sem_alloc : memref<!tpu.dma_semaphore, #tpu.memory_space<semaphore_mem>>
      %dma_start3A_336 = arith.constant 0 : i32
      %dma_start3A_337 = arith.constant 0 : i32
      %dma_start3A_338 = tpu.memref_slice %arg11[%dma_start3A_336, %dma_start3A_337] : memref<128x32xf32, #tpu.memory_space<vmem>> -> memref<128x32xf32, #tpu.memory_space<vmem>>
      %dma_start3A_339 = arith.constant 0 : i32
      %dma_start3A_340 = tpu.memref_slice %arg16[%add3A_320, %dma_start3A_339] : memref<10016x32xf32, #tpu.memory_space<vmem_shared>> -> memref<128x32xf32, #tpu.memory_space<vmem_shared>>
      %dma_start3A_341 = arith.constant 0 : i32
      %dma_start3A_342 = arith.constant 0 : i32
      %dma_start3A_343 = tpu.memref_slice %arg11[%dma_start3A_341, %dma_start3A_342] : memref<128x32xf32, #tpu.memory_space<vmem>> -> memref<128x32xf32, #tpu.memory_space<vmem>>
      %dma_start3A_344 = arith.constant 0 : i32
      %dma_start3A_345 = tpu.memref_slice %arg16[%add3A_320, %dma_start3A_344] : memref<10016x32xf32, #tpu.memory_space<vmem_shared>> -> memref<128x32xf32, #tpu.memory_space<vmem_shared>>
      tpu.enqueue_dma source(%dma_start3A_345 : memref<128x32xf32, #tpu.memory_space<vmem_shared>>) target(%dma_start3A_343 : memref<128x32xf32, #tpu.memory_space<vmem>>) target_semaphore(%run_scoped3A : memref<!tpu.dma_semaphore, #tpu.memory_space<semaphore_mem>>)
      %dma_wait3A_346 = arith.constant 0 : i32
      %dma_wait3A_347 = arith.constant 0 : i32
      %dma_wait3A_348 = tpu.memref_slice %arg11[%dma_wait3A_346, %dma_wait3A_347] : memref<128x32xf32, #tpu.memory_space<vmem>> -> memref<128x32xf32, #tpu.memory_space<vmem>>
      %dma_wait3A_349 = arith.constant 0 : i32
      %dma_wait3A_350 = tpu.memref_slice %arg16[%add3A_320, %dma_wait3A_349] : memref<10016x32xf32, #tpu.memory_space<vmem_shared>> -> memref<128x32xf32, #tpu.memory_space<vmem_shared>>
      %dma_wait3A_351 = arith.constant 0 : i32
      %dma_wait3A_352 = arith.constant 0 : i32
      %dma_wait3A_353 = tpu.memref_slice %arg11[%dma_wait3A_351, %dma_wait3A_352] : memref<128x32xf32, #tpu.memory_space<vmem>> -> memref<128x32xf32, #tpu.memory_space<vmem>>
      %dma_wait3A_354 = arith.constant 0 : i32
      %dma_wait3A_355 = tpu.memref_slice %arg16[%add3A_320, %dma_wait3A_354] : memref<10016x32xf32, #tpu.memory_space<vmem_shared>> -> memref<128x32xf32, #tpu.memory_space<vmem_shared>>
      tpu.wait_dma2 semaphore(%run_scoped3A : memref<!tpu.dma_semaphore, #tpu.memory_space<semaphore_mem>>) src(%dma_wait3A_355 : memref<128x32xf32, #tpu.memory_space<vmem_shared>>) dst(%dma_wait3A_353 : memref<128x32xf32, #tpu.memory_space<vmem>>)
      tpu.yield
    }) : () -> ()
    %add3A_321 = arith.constant 128 : i32
    %add3A_322 = arith.addi %add3A_314, %add3A_321 : i32
    "tpu.region"() ({
      %run_scoped3A = tpu.sem_alloc : memref<!tpu.dma_semaphore, #tpu.memory_space<semaphore_mem>>
      %dma_start3A_336 = arith.constant 0 : i32
      %dma_start3A_337 = arith.constant 0 : i32
      %dma_start3A_338 = tpu.memref_slice %arg11[%dma_start3A_336, %dma_start3A_337] : memref<128x32xf32, #tpu.memory_space<vmem>> -> memref<128x32xf32, #tpu.memory_space<vmem>>
      %dma_start3A_339 = arith.constant 0 : i32
      %dma_start3A_340 = tpu.memref_slice %arg5[%add3A_322, %dma_start3A_339] : memref<40064x32xf32, #tpu.memory_space<hbm>> -> memref<128x32xf32, #tpu.memory_space<hbm>>
      %dma_start3A_341 = arith.constant 0 : i32
      %dma_start3A_342 = tpu.memref_slice %arg5[%add3A_322, %dma_start3A_341] : memref<40064x32xf32, #tpu.memory_space<hbm>> -> memref<128x32xf32, #tpu.memory_space<hbm>>
      %dma_start3A_343 = arith.constant 0 : i32
      %dma_start3A_344 = arith.constant 0 : i32
      %dma_start3A_345 = tpu.memref_slice %arg11[%dma_start3A_343, %dma_start3A_344] : memref<128x32xf32, #tpu.memory_space<vmem>> -> memref<128x32xf32, #tpu.memory_space<vmem>>
      tpu.enqueue_dma source(%dma_start3A_345 : memref<128x32xf32, #tpu.memory_space<vmem>>) target(%dma_start3A_342 : memref<128x32xf32, #tpu.memory_space<hbm>>) target_semaphore(%run_scoped3A : memref<!tpu.dma_semaphore, #tpu.memory_space<semaphore_mem>>)
      %dma_wait3A_346 = arith.constant 0 : i32
      %dma_wait3A_347 = arith.constant 0 : i32
      %dma_wait3A_348 = tpu.memref_slice %arg11[%dma_wait3A_346, %dma_wait3A_347] : memref<128x32xf32, #tpu.memory_space<vmem>> -> memref<128x32xf32, #tpu.memory_space<vmem>>
      %dma_wait3A_349 = arith.constant 0 : i32
      %dma_wait3A_350 = tpu.memref_slice %arg5[%add3A_322, %dma_wait3A_349] : memref<40064x32xf32, #tpu.memory_space<hbm>> -> memref<128x32xf32, #tpu.memory_space<hbm>>
      %dma_wait3A_351 = arith.constant 0 : i32
      %dma_wait3A_352 = tpu.memref_slice %arg5[%add3A_322, %dma_wait3A_351] : memref<40064x32xf32, #tpu.memory_space<hbm>> -> memref<128x32xf32, #tpu.memory_space<hbm>>
      %dma_wait3A_353 = arith.constant 0 : i32
      %dma_wait3A_354 = arith.constant 0 : i32
      %dma_wait3A_355 = tpu.memref_slice %arg11[%dma_wait3A_353, %dma_wait3A_354] : memref<128x32xf32, #tpu.memory_space<vmem>> -> memref<128x32xf32, #tpu.memory_space<vmem>>
      tpu.wait_dma2 semaphore(%run_scoped3A : memref<!tpu.dma_semaphore, #tpu.memory_space<semaphore_mem>>) src(%dma_wait3A_355 : memref<128x32xf32, #tpu.memory_space<vmem>>) dst(%dma_wait3A_352 : memref<128x32xf32, #tpu.memory_space<hbm>>)
      tpu.yield
    }) : () -> ()
    %add3A_323 = arith.constant 256 : i32
    %add3A_324 = arith.addi %mul3A_16, %add3A_323 : i32
    "tpu.region"() ({
      %run_scoped3A = tpu.sem_alloc : memref<!tpu.dma_semaphore, #tpu.memory_space<semaphore_mem>>
      %dma_start3A_336 = arith.constant 0 : i32
      %dma_start3A_337 = arith.constant 0 : i32
      %dma_start3A_338 = tpu.memref_slice %arg11[%dma_start3A_336, %dma_start3A_337] : memref<128x32xf32, #tpu.memory_space<vmem>> -> memref<128x32xf32, #tpu.memory_space<vmem>>
      %dma_start3A_339 = arith.constant 0 : i32
      %dma_start3A_340 = tpu.memref_slice %arg16[%add3A_324, %dma_start3A_339] : memref<10016x32xf32, #tpu.memory_space<vmem_shared>> -> memref<128x32xf32, #tpu.memory_space<vmem_shared>>
      %dma_start3A_341 = arith.constant 0 : i32
      %dma_start3A_342 = arith.constant 0 : i32
      %dma_start3A_343 = tpu.memref_slice %arg11[%dma_start3A_341, %dma_start3A_342] : memref<128x32xf32, #tpu.memory_space<vmem>> -> memref<128x32xf32, #tpu.memory_space<vmem>>
      %dma_start3A_344 = arith.constant 0 : i32
      %dma_start3A_345 = tpu.memref_slice %arg16[%add3A_324, %dma_start3A_344] : memref<10016x32xf32, #tpu.memory_space<vmem_shared>> -> memref<128x32xf32, #tpu.memory_space<vmem_shared>>
      tpu.enqueue_dma source(%dma_start3A_345 : memref<128x32xf32, #tpu.memory_space<vmem_shared>>) target(%dma_start3A_343 : memref<128x32xf32, #tpu.memory_space<vmem>>) target_semaphore(%run_scoped3A : memref<!tpu.dma_semaphore, #tpu.memory_space<semaphore_mem>>)
      %dma_wait3A_346 = arith.constant 0 : i32
      %dma_wait3A_347 = arith.constant 0 : i32
      %dma_wait3A_348 = tpu.memref_slice %arg11[%dma_wait3A_346, %dma_wait3A_347] : memref<128x32xf32, #tpu.memory_space<vmem>> -> memref<128x32xf32, #tpu.memory_space<vmem>>
      %dma_wait3A_349 = arith.constant 0 : i32
      %dma_wait3A_350 = tpu.memref_slice %arg16[%add3A_324, %dma_wait3A_349] : memref<10016x32xf32, #tpu.memory_space<vmem_shared>> -> memref<128x32xf32, #tpu.memory_space<vmem_shared>>
      %dma_wait3A_351 = arith.constant 0 : i32
      %dma_wait3A_352 = arith.constant 0 : i32
      %dma_wait3A_353 = tpu.memref_slice %arg11[%dma_wait3A_351, %dma_wait3A_352] : memref<128x32xf32, #tpu.memory_space<vmem>> -> memref<128x32xf32, #tpu.memory_space<vmem>>
      %dma_wait3A_354 = arith.constant 0 : i32
      %dma_wait3A_355 = tpu.memref_slice %arg16[%add3A_324, %dma_wait3A_354] : memref<10016x32xf32, #tpu.memory_space<vmem_shared>> -> memref<128x32xf32, #tpu.memory_space<vmem_shared>>
      tpu.wait_dma2 semaphore(%run_scoped3A : memref<!tpu.dma_semaphore, #tpu.memory_space<semaphore_mem>>) src(%dma_wait3A_355 : memref<128x32xf32, #tpu.memory_space<vmem_shared>>) dst(%dma_wait3A_353 : memref<128x32xf32, #tpu.memory_space<vmem>>)
      tpu.yield
    }) : () -> ()
    %add3A_325 = arith.constant 256 : i32
    %add3A_326 = arith.addi %add3A_314, %add3A_325 : i32
    "tpu.region"() ({
      %run_scoped3A = tpu.sem_alloc : memref<!tpu.dma_semaphore, #tpu.memory_space<semaphore_mem>>
      %dma_start3A_336 = arith.constant 0 : i32
      %dma_start3A_337 = arith.constant 0 : i32
      %dma_start3A_338 = tpu.memref_slice %arg11[%dma_start3A_336, %dma_start3A_337] : memref<128x32xf32, #tpu.memory_space<vmem>> -> memref<128x32xf32, #tpu.memory_space<vmem>>
      %dma_start3A_339 = arith.constant 0 : i32
      %dma_start3A_340 = tpu.memref_slice %arg5[%add3A_326, %dma_start3A_339] : memref<40064x32xf32, #tpu.memory_space<hbm>> -> memref<128x32xf32, #tpu.memory_space<hbm>>
      %dma_start3A_341 = arith.constant 0 : i32
      %dma_start3A_342 = tpu.memref_slice %arg5[%add3A_326, %dma_start3A_341] : memref<40064x32xf32, #tpu.memory_space<hbm>> -> memref<128x32xf32, #tpu.memory_space<hbm>>
      %dma_start3A_343 = arith.constant 0 : i32
      %dma_start3A_344 = arith.constant 0 : i32
      %dma_start3A_345 = tpu.memref_slice %arg11[%dma_start3A_343, %dma_start3A_344] : memref<128x32xf32, #tpu.memory_space<vmem>> -> memref<128x32xf32, #tpu.memory_space<vmem>>
      tpu.enqueue_dma source(%dma_start3A_345 : memref<128x32xf32, #tpu.memory_space<vmem>>) target(%dma_start3A_342 : memref<128x32xf32, #tpu.memory_space<hbm>>) target_semaphore(%run_scoped3A : memref<!tpu.dma_semaphore, #tpu.memory_space<semaphore_mem>>)
      %dma_wait3A_346 = arith.constant 0 : i32
      %dma_wait3A_347 = arith.constant 0 : i32
      %dma_wait3A_348 = tpu.memref_slice %arg11[%dma_wait3A_346, %dma_wait3A_347] : memref<128x32xf32, #tpu.memory_space<vmem>> -> memref<128x32xf32, #tpu.memory_space<vmem>>
      %dma_wait3A_349 = arith.constant 0 : i32
      %dma_wait3A_350 = tpu.memref_slice %arg5[%add3A_326, %dma_wait3A_349] : memref<40064x32xf32, #tpu.memory_space<hbm>> -> memref<128x32xf32, #tpu.memory_space<hbm>>
      %dma_wait3A_351 = arith.constant 0 : i32
      %dma_wait3A_352 = tpu.memref_slice %arg5[%add3A_326, %dma_wait3A_351] : memref<40064x32xf32, #tpu.memory_space<hbm>> -> memref<128x32xf32, #tpu.memory_space<hbm>>
      %dma_wait3A_353 = arith.constant 0 : i32
      %dma_wait3A_354 = arith.constant 0 : i32
      %dma_wait3A_355 = tpu.memref_slice %arg11[%dma_wait3A_353, %dma_wait3A_354] : memref<128x32xf32, #tpu.memory_space<vmem>> -> memref<128x32xf32, #tpu.memory_space<vmem>>
      tpu.wait_dma2 semaphore(%run_scoped3A : memref<!tpu.dma_semaphore, #tpu.memory_space<semaphore_mem>>) src(%dma_wait3A_355 : memref<128x32xf32, #tpu.memory_space<vmem>>) dst(%dma_wait3A_352 : memref<128x32xf32, #tpu.memory_space<hbm>>)
      tpu.yield
    }) : () -> ()
    %add3A_327 = arith.constant 384 : i32
    %add3A_328 = arith.addi %mul3A_16, %add3A_327 : i32
    "tpu.region"() ({
      %run_scoped3A = tpu.sem_alloc : memref<!tpu.dma_semaphore, #tpu.memory_space<semaphore_mem>>
      %dma_start3A_336 = arith.constant 0 : i32
      %dma_start3A_337 = arith.constant 0 : i32
      %dma_start3A_338 = tpu.memref_slice %arg11[%dma_start3A_336, %dma_start3A_337] : memref<128x32xf32, #tpu.memory_space<vmem>> -> memref<128x32xf32, #tpu.memory_space<vmem>>
      %dma_start3A_339 = arith.constant 0 : i32
      %dma_start3A_340 = tpu.memref_slice %arg16[%add3A_328, %dma_start3A_339] : memref<10016x32xf32, #tpu.memory_space<vmem_shared>> -> memref<128x32xf32, #tpu.memory_space<vmem_shared>>
      %dma_start3A_341 = arith.constant 0 : i32
      %dma_start3A_342 = arith.constant 0 : i32
      %dma_start3A_343 = tpu.memref_slice %arg11[%dma_start3A_341, %dma_start3A_342] : memref<128x32xf32, #tpu.memory_space<vmem>> -> memref<128x32xf32, #tpu.memory_space<vmem>>
      %dma_start3A_344 = arith.constant 0 : i32
      %dma_start3A_345 = tpu.memref_slice %arg16[%add3A_328, %dma_start3A_344] : memref<10016x32xf32, #tpu.memory_space<vmem_shared>> -> memref<128x32xf32, #tpu.memory_space<vmem_shared>>
      tpu.enqueue_dma source(%dma_start3A_345 : memref<128x32xf32, #tpu.memory_space<vmem_shared>>) target(%dma_start3A_343 : memref<128x32xf32, #tpu.memory_space<vmem>>) target_semaphore(%run_scoped3A : memref<!tpu.dma_semaphore, #tpu.memory_space<semaphore_mem>>)
      %dma_wait3A_346 = arith.constant 0 : i32
      %dma_wait3A_347 = arith.constant 0 : i32
      %dma_wait3A_348 = tpu.memref_slice %arg11[%dma_wait3A_346, %dma_wait3A_347] : memref<128x32xf32, #tpu.memory_space<vmem>> -> memref<128x32xf32, #tpu.memory_space<vmem>>
      %dma_wait3A_349 = arith.constant 0 : i32
      %dma_wait3A_350 = tpu.memref_slice %arg16[%add3A_328, %dma_wait3A_349] : memref<10016x32xf32, #tpu.memory_space<vmem_shared>> -> memref<128x32xf32, #tpu.memory_space<vmem_shared>>
      %dma_wait3A_351 = arith.constant 0 : i32
      %dma_wait3A_352 = arith.constant 0 : i32
      %dma_wait3A_353 = tpu.memref_slice %arg11[%dma_wait3A_351, %dma_wait3A_352] : memref<128x32xf32, #tpu.memory_space<vmem>> -> memref<128x32xf32, #tpu.memory_space<vmem>>
      %dma_wait3A_354 = arith.constant 0 : i32
      %dma_wait3A_355 = tpu.memref_slice %arg16[%add3A_328, %dma_wait3A_354] : memref<10016x32xf32, #tpu.memory_space<vmem_shared>> -> memref<128x32xf32, #tpu.memory_space<vmem_shared>>
      tpu.wait_dma2 semaphore(%run_scoped3A : memref<!tpu.dma_semaphore, #tpu.memory_space<semaphore_mem>>) src(%dma_wait3A_355 : memref<128x32xf32, #tpu.memory_space<vmem_shared>>) dst(%dma_wait3A_353 : memref<128x32xf32, #tpu.memory_space<vmem>>)
      tpu.yield
    }) : () -> ()
    %add3A_329 = arith.constant 384 : i32
    %add3A_330 = arith.addi %add3A_314, %add3A_329 : i32
    "tpu.region"() ({
      %run_scoped3A = tpu.sem_alloc : memref<!tpu.dma_semaphore, #tpu.memory_space<semaphore_mem>>
      %dma_start3A_336 = arith.constant 0 : i32
      %dma_start3A_337 = arith.constant 0 : i32
      %dma_start3A_338 = tpu.memref_slice %arg11[%dma_start3A_336, %dma_start3A_337] : memref<128x32xf32, #tpu.memory_space<vmem>> -> memref<128x32xf32, #tpu.memory_space<vmem>>
      %dma_start3A_339 = arith.constant 0 : i32
      %dma_start3A_340 = tpu.memref_slice %arg5[%add3A_330, %dma_start3A_339] : memref<40064x32xf32, #tpu.memory_space<hbm>> -> memref<128x32xf32, #tpu.memory_space<hbm>>
      %dma_start3A_341 = arith.constant 0 : i32
      %dma_start3A_342 = tpu.memref_slice %arg5[%add3A_330, %dma_start3A_341] : memref<40064x32xf32, #tpu.memory_space<hbm>> -> memref<128x32xf32, #tpu.memory_space<hbm>>
      %dma_start3A_343 = arith.constant 0 : i32
      %dma_start3A_344 = arith.constant 0 : i32
      %dma_start3A_345 = tpu.memref_slice %arg11[%dma_start3A_343, %dma_start3A_344] : memref<128x32xf32, #tpu.memory_space<vmem>> -> memref<128x32xf32, #tpu.memory_space<vmem>>
      tpu.enqueue_dma source(%dma_start3A_345 : memref<128x32xf32, #tpu.memory_space<vmem>>) target(%dma_start3A_342 : memref<128x32xf32, #tpu.memory_space<hbm>>) target_semaphore(%run_scoped3A : memref<!tpu.dma_semaphore, #tpu.memory_space<semaphore_mem>>)
      %dma_wait3A_346 = arith.constant 0 : i32
      %dma_wait3A_347 = arith.constant 0 : i32
      %dma_wait3A_348 = tpu.memref_slice %arg11[%dma_wait3A_346, %dma_wait3A_347] : memref<128x32xf32, #tpu.memory_space<vmem>> -> memref<128x32xf32, #tpu.memory_space<vmem>>
      %dma_wait3A_349 = arith.constant 0 : i32
      %dma_wait3A_350 = tpu.memref_slice %arg5[%add3A_330, %dma_wait3A_349] : memref<40064x32xf32, #tpu.memory_space<hbm>> -> memref<128x32xf32, #tpu.memory_space<hbm>>
      %dma_wait3A_351 = arith.constant 0 : i32
      %dma_wait3A_352 = tpu.memref_slice %arg5[%add3A_330, %dma_wait3A_351] : memref<40064x32xf32, #tpu.memory_space<hbm>> -> memref<128x32xf32, #tpu.memory_space<hbm>>
      %dma_wait3A_353 = arith.constant 0 : i32
      %dma_wait3A_354 = arith.constant 0 : i32
      %dma_wait3A_355 = tpu.memref_slice %arg11[%dma_wait3A_353, %dma_wait3A_354] : memref<128x32xf32, #tpu.memory_space<vmem>> -> memref<128x32xf32, #tpu.memory_space<vmem>>
      tpu.wait_dma2 semaphore(%run_scoped3A : memref<!tpu.dma_semaphore, #tpu.memory_space<semaphore_mem>>) src(%dma_wait3A_355 : memref<128x32xf32, #tpu.memory_space<vmem>>) dst(%dma_wait3A_352 : memref<128x32xf32, #tpu.memory_space<hbm>>)
      tpu.yield
    }) : () -> ()
    %add3A_331 = arith.constant 512 : i32
    %add3A_332 = arith.addi %mul3A_16, %add3A_331 : i32
    "tpu.region"() ({
      %run_scoped3A = tpu.sem_alloc : memref<!tpu.dma_semaphore, #tpu.memory_space<semaphore_mem>>
      %dma_start3A_336 = arith.constant 0 : i32
      %dma_start3A_337 = arith.constant 0 : i32
      %dma_start3A_338 = tpu.memref_slice %arg11[%dma_start3A_336, %dma_start3A_337] : memref<128x32xf32, #tpu.memory_space<vmem>> -> memref<114x32xf32, #tpu.memory_space<vmem>>
      %dma_start3A_339 = arith.constant 0 : i32
      %dma_start3A_340 = tpu.memref_slice %arg16[%add3A_332, %dma_start3A_339] : memref<10016x32xf32, #tpu.memory_space<vmem_shared>> -> memref<114x32xf32, #tpu.memory_space<vmem_shared>>
      %dma_start3A_341 = arith.constant 0 : i32
      %dma_start3A_342 = arith.constant 0 : i32
      %dma_start3A_343 = tpu.memref_slice %arg11[%dma_start3A_341, %dma_start3A_342] : memref<128x32xf32, #tpu.memory_space<vmem>> -> memref<114x32xf32, #tpu.memory_space<vmem>>
      %dma_start3A_344 = arith.constant 0 : i32
      %dma_start3A_345 = tpu.memref_slice %arg16[%add3A_332, %dma_start3A_344] : memref<10016x32xf32, #tpu.memory_space<vmem_shared>> -> memref<114x32xf32, #tpu.memory_space<vmem_shared>>
      tpu.enqueue_dma source(%dma_start3A_345 : memref<114x32xf32, #tpu.memory_space<vmem_shared>>) target(%dma_start3A_343 : memref<114x32xf32, #tpu.memory_space<vmem>>) target_semaphore(%run_scoped3A : memref<!tpu.dma_semaphore, #tpu.memory_space<semaphore_mem>>)
      %dma_wait3A_346 = arith.constant 0 : i32
      %dma_wait3A_347 = arith.constant 0 : i32
      %dma_wait3A_348 = tpu.memref_slice %arg11[%dma_wait3A_346, %dma_wait3A_347] : memref<128x32xf32, #tpu.memory_space<vmem>> -> memref<114x32xf32, #tpu.memory_space<vmem>>
      %dma_wait3A_349 = arith.constant 0 : i32
      %dma_wait3A_350 = tpu.memref_slice %arg16[%add3A_332, %dma_wait3A_349] : memref<10016x32xf32, #tpu.memory_space<vmem_shared>> -> memref<114x32xf32, #tpu.memory_space<vmem_shared>>
      %dma_wait3A_351 = arith.constant 0 : i32
      %dma_wait3A_352 = arith.constant 0 : i32
      %dma_wait3A_353 = tpu.memref_slice %arg11[%dma_wait3A_351, %dma_wait3A_352] : memref<128x32xf32, #tpu.memory_space<vmem>> -> memref<114x32xf32, #tpu.memory_space<vmem>>
      %dma_wait3A_354 = arith.constant 0 : i32
      %dma_wait3A_355 = tpu.memref_slice %arg16[%add3A_332, %dma_wait3A_354] : memref<10016x32xf32, #tpu.memory_space<vmem_shared>> -> memref<114x32xf32, #tpu.memory_space<vmem_shared>>
      tpu.wait_dma2 semaphore(%run_scoped3A : memref<!tpu.dma_semaphore, #tpu.memory_space<semaphore_mem>>) src(%dma_wait3A_355 : memref<114x32xf32, #tpu.memory_space<vmem_shared>>) dst(%dma_wait3A_353 : memref<114x32xf32, #tpu.memory_space<vmem>>)
      tpu.yield
    }) : () -> ()
    %add3A_333 = arith.constant 512 : i32
    %add3A_334 = arith.addi %add3A_314, %add3A_333 : i32
    "tpu.region"() ({
      %run_scoped3A = tpu.sem_alloc : memref<!tpu.dma_semaphore, #tpu.memory_space<semaphore_mem>>
      %dma_start3A_336 = arith.constant 0 : i32
      %dma_start3A_337 = arith.constant 0 : i32
      %dma_start3A_338 = tpu.memref_slice %arg11[%dma_start3A_336, %dma_start3A_337] : memref<128x32xf32, #tpu.memory_space<vmem>> -> memref<114x32xf32, #tpu.memory_space<vmem>>
      %dma_start3A_339 = arith.constant 0 : i32
      %dma_start3A_340 = tpu.memref_slice %arg5[%add3A_334, %dma_start3A_339] : memref<40064x32xf32, #tpu.memory_space<hbm>> -> memref<114x32xf32, #tpu.memory_space<hbm>>
      %dma_start3A_341 = arith.constant 0 : i32
      %dma_start3A_342 = tpu.memref_slice %arg5[%add3A_334, %dma_start3A_341] : memref<40064x32xf32, #tpu.memory_space<hbm>> -> memref<114x32xf32, #tpu.memory_space<hbm>>
      %dma_start3A_343 = arith.constant 0 : i32
      %dma_start3A_344 = arith.constant 0 : i32
      %dma_start3A_345 = tpu.memref_slice %arg11[%dma_start3A_343, %dma_start3A_344] : memref<128x32xf32, #tpu.memory_space<vmem>> -> memref<114x32xf32, #tpu.memory_space<vmem>>
      tpu.enqueue_dma source(%dma_start3A_345 : memref<114x32xf32, #tpu.memory_space<vmem>>) target(%dma_start3A_342 : memref<114x32xf32, #tpu.memory_space<hbm>>) target_semaphore(%run_scoped3A : memref<!tpu.dma_semaphore, #tpu.memory_space<semaphore_mem>>)
      %dma_wait3A_346 = arith.constant 0 : i32
      %dma_wait3A_347 = arith.constant 0 : i32
      %dma_wait3A_348 = tpu.memref_slice %arg11[%dma_wait3A_346, %dma_wait3A_347] : memref<128x32xf32, #tpu.memory_space<vmem>> -> memref<114x32xf32, #tpu.memory_space<vmem>>
      %dma_wait3A_349 = arith.constant 0 : i32
      %dma_wait3A_350 = tpu.memref_slice %arg5[%add3A_334, %dma_wait3A_349] : memref<40064x32xf32, #tpu.memory_space<hbm>> -> memref<114x32xf32, #tpu.memory_space<hbm>>
      %dma_wait3A_351 = arith.constant 0 : i32
      %dma_wait3A_352 = tpu.memref_slice %arg5[%add3A_334, %dma_wait3A_351] : memref<40064x32xf32, #tpu.memory_space<hbm>> -> memref<114x32xf32, #tpu.memory_space<hbm>>
      %dma_wait3A_353 = arith.constant 0 : i32
      %dma_wait3A_354 = arith.constant 0 : i32
      %dma_wait3A_355 = tpu.memref_slice %arg11[%dma_wait3A_353, %dma_wait3A_354] : memref<128x32xf32, #tpu.memory_space<vmem>> -> memref<114x32xf32, #tpu.memory_space<vmem>>
      tpu.wait_dma2 semaphore(%run_scoped3A : memref<!tpu.dma_semaphore, #tpu.memory_space<semaphore_mem>>) src(%dma_wait3A_355 : memref<114x32xf32, #tpu.memory_space<vmem>>) dst(%dma_wait3A_352 : memref<114x32xf32, #tpu.memory_space<hbm>>)
      tpu.yield
    }) : () -> ()
    %barrier3A_335 = arith.constant 0 : index
    tpu.barrier barrier_id(%barrier3A_335)
    return
  }
}

module attributes {stable_mosaic.version = 14 : i64} {
  func.func @_combine_body(%arg0: i32, %arg1: memref<1x128x128xf32, #tpu.memory_space<vmem>>, %arg2: memref<4x128x32xf32, #tpu.memory_space<vmem>>, %arg3: memref<128x16xf32, #tpu.memory_space<vmem>>, %arg4: memref<128x128xf32, #tpu.memory_space<vmem>>, %arg5: memref<1x128x128xf32, #tpu.memory_space<vmem>>) attributes {dimension_semantics = [#tpu.dimension_semantics<arbitrary>], iteration_bounds = array<i64: 79>, scalar_prefetch = 0 : i64, scratch_operands = 0 : i64, tpu.core_type = #tpu.core_type<tc>, window_params = [{transform_indices = @transform_0, window_bounds = array<i64: 1, 128, 128>}, {transform_indices = @transform_1, window_bounds = array<i64: 4, 128, 32>}, {transform_indices = @transform_2, window_bounds = array<i64: 128, 16>}, {pipeline_mode = #tpu.pipeline_mode<synchronous>, transform_indices = @transform_3, window_bounds = array<i64: 128, 128>}, {transform_indices = @transform_4, window_bounds = array<i64: 1, 128, 128>}]} {
    %get3A = arith.constant 0 : index
    %get3A_0 = arith.constant 0 : index
    %get3A_1 = vector.load %arg4[%get3A, %get3A_0] : memref<128x128xf32, #tpu.memory_space<vmem>>, vector<128x128xf32>
    %get3A_2 = arith.constant 0 : index
    %get3A_3 = arith.constant 0 : index
    %get3A_4 = arith.constant 0 : index
    %get3A_5 = vector.load %arg2[%get3A_2, %get3A_3, %get3A_4] : memref<4x128x32xf32, #tpu.memory_space<vmem>>, vector<1x128x32xf32>
    %get3A_6 = vector.shape_cast %get3A_5 : vector<1x128x32xf32> to vector<128x32xf32>
    %dot_general3A = arith.constant dense<0.000000e+00> : vector<32x128xf32>
    %dot_general3A_7 = tpu.matmul %get3A_6, %get3A_1, %dot_general3A {dimension_numbers = #tpu.dot_dimension_numbers<[0], [0], [1], [1], [0, 1, 1, 1], [], []>, precision = #tpu.contract_precision<fp32>, transpose_lhs_hint = false} : vector<128x32xf32>, vector<128x128xf32>, vector<32x128xf32> -> vector<32x128xf32>
    %get3A_8 = arith.constant 1 : index
    %get3A_9 = arith.constant 0 : index
    %get3A_10 = arith.constant 0 : index
    %get3A_11 = vector.load %arg2[%get3A_8, %get3A_9, %get3A_10] : memref<4x128x32xf32, #tpu.memory_space<vmem>>, vector<1x128x32xf32>
    %get3A_12 = vector.shape_cast %get3A_11 : vector<1x128x32xf32> to vector<128x32xf32>
    %dot_general3A_13 = arith.constant dense<0.000000e+00> : vector<32x128xf32>
    %dot_general3A_14 = tpu.matmul %get3A_12, %get3A_1, %dot_general3A_13 {dimension_numbers = #tpu.dot_dimension_numbers<[0], [0], [1], [1], [0, 1, 1, 1], [], []>, precision = #tpu.contract_precision<fp32>, transpose_lhs_hint = false} : vector<128x32xf32>, vector<128x128xf32>, vector<32x128xf32> -> vector<32x128xf32>
    %get3A_15 = arith.constant 2 : index
    %get3A_16 = arith.constant 0 : index
    %get3A_17 = arith.constant 0 : index
    %get3A_18 = vector.load %arg2[%get3A_15, %get3A_16, %get3A_17] : memref<4x128x32xf32, #tpu.memory_space<vmem>>, vector<1x128x32xf32>
    %get3A_19 = vector.shape_cast %get3A_18 : vector<1x128x32xf32> to vector<128x32xf32>
    %dot_general3A_20 = arith.constant dense<0.000000e+00> : vector<32x128xf32>
    %dot_general3A_21 = tpu.matmul %get3A_19, %get3A_1, %dot_general3A_20 {dimension_numbers = #tpu.dot_dimension_numbers<[0], [0], [1], [1], [0, 1, 1, 1], [], []>, precision = #tpu.contract_precision<fp32>, transpose_lhs_hint = false} : vector<128x32xf32>, vector<128x128xf32>, vector<32x128xf32> -> vector<32x128xf32>
    %get3A_22 = arith.constant 3 : index
    %get3A_23 = arith.constant 0 : index
    %get3A_24 = arith.constant 0 : index
    %get3A_25 = vector.load %arg2[%get3A_22, %get3A_23, %get3A_24] : memref<4x128x32xf32, #tpu.memory_space<vmem>>, vector<1x128x32xf32>
    %get3A_26 = vector.shape_cast %get3A_25 : vector<1x128x32xf32> to vector<128x32xf32>
    %dot_general3A_27 = arith.constant dense<0.000000e+00> : vector<32x128xf32>
    %dot_general3A_28 = tpu.matmul %get3A_26, %get3A_1, %dot_general3A_27 {dimension_numbers = #tpu.dot_dimension_numbers<[0], [0], [1], [1], [0, 1, 1, 1], [], []>, precision = #tpu.contract_precision<fp32>, transpose_lhs_hint = false} : vector<128x32xf32>, vector<128x128xf32>, vector<32x128xf32> -> vector<32x128xf32>
    %concatenate3A = tpu.concatenate %dot_general3A_7, %dot_general3A_14, %dot_general3A_21, %dot_general3A_28 in 0 : vector<32x128xf32>, vector<32x128xf32>, vector<32x128xf32>, vector<32x128xf32> -> vector<128x128xf32>
    %get3A_29 = arith.constant 0 : index
    %get3A_30 = arith.constant 0 : index
    %get3A_31 = vector.load %arg3[%get3A_29, %get3A_30] : memref<128x16xf32, #tpu.memory_space<vmem>>, vector<128x1xf32>
    %dot_general3A_32 = arith.constant dense<0.000000e+00> : vector<1x128xf32>
    %dot_general3A_33 = tpu.matmul %get3A_31, %get3A_1, %dot_general3A_32 {dimension_numbers = #tpu.dot_dimension_numbers<[0], [0], [1], [1], [0, 1, 1, 1], [], []>, precision = #tpu.contract_precision<fp32>, transpose_lhs_hint = false} : vector<128x1xf32>, vector<128x128xf32>, vector<1x128xf32> -> vector<1x128xf32>
    %get3A_34 = arith.constant 0 : index
    %get3A_35 = arith.constant 0 : index
    %get3A_36 = arith.constant 0 : index
    %get3A_37 = vector.load %arg1[%get3A_34, %get3A_35, %get3A_36] : memref<1x128x128xf32, #tpu.memory_space<vmem>>, vector<1x128x128xf32>
    %get3A_38 = vector.shape_cast %get3A_37 : vector<1x128x128xf32> to vector<128x128xf32>
    %mul3A = vector.broadcast %dot_general3A_33 : vector<1x128xf32> to vector<128x128xf32>
    %mul3A_39 = arith.mulf %mul3A, %get3A_38 : vector<128x128xf32>
    %sub3A = arith.subf %mul3A_39, %concatenate3A : vector<128x128xf32>
    %broadcast_in_dim3A = vector.shape_cast %sub3A : vector<128x128xf32> to vector<1x128x128xf32>
    %swap3A = arith.constant 0 : index
    %swap3A_40 = arith.constant 0 : index
    %swap3A_41 = arith.constant 0 : index
    %swap3A_42 = vector.load %arg5[%swap3A, %swap3A_40, %swap3A_41] : memref<1x128x128xf32, #tpu.memory_space<vmem>>, vector<1x128x128xf32>
    tpu.vector_store %arg5[%swap3A, %swap3A_40, %swap3A_41], %broadcast_in_dim3A {strides = array<i32>} : memref<1x128x128xf32, #tpu.memory_space<vmem>>, vector<1x128x128xf32>,
    return
  }
  func.func @transform_0(%arg0: i32) -> (i32, i32, i32) {
    %c0_i32 = arith.constant 0 : i32
    %c0_i32_0 = arith.constant 0 : i32
    %c0_i32_1 = arith.constant 0 : i32
    return %c0_i32, %c0_i32_0, %arg0 : i32, i32, i32
  }
  func.func @transform_1(%arg0: i32) -> (i32, i32, i32) {
    %c0_i32 = arith.constant 0 : i32
    %c0_i32_0 = arith.constant 0 : i32
    %c0_i32_1 = arith.constant 0 : i32
    return %c0_i32, %arg0, %c0_i32_0 : i32, i32, i32
  }
  func.func @transform_2(%arg0: i32) -> (i32, i32) {
    %c0_i32 = arith.constant 0 : i32
    %c0_i32_0 = arith.constant 0 : i32
    return %arg0, %c0_i32 : i32, i32
  }
  func.func @transform_3(%arg0: i32) -> (i32, i32) {
    %c0_i32 = arith.constant 0 : i32
    %c0_i32_0 = arith.constant 0 : i32
    %c0_i32_1 = arith.constant 0 : i32
    return %c0_i32, %c0_i32_0 : i32, i32
  }
  func.func @transform_4(%arg0: i32) -> (i32, i32, i32) {
    %c0_i32 = arith.constant 0 : i32
    %c0_i32_0 = arith.constant 0 : i32
    %c0_i32_1 = arith.constant 0 : i32
    return %c0_i32, %c0_i32_0, %arg0 : i32, i32, i32
  }
}

</mosaic_0001>

<sc_bundles>
// kernel: kernel.4.cloned.1.call-start
scs
__scs_entry_jumppad:
0x0: {  	(pc) =	sbr.rel $0x88, $3  }
0x1: {  	(tag) =	ssettag $0x0;
	lr =	simm.s32 $0x1  }
0x2: {  	[smem:$0x3F9E] =	sst lr;
	_ =	strace $0xD0000000  }
0x3: {  	_ = 	snop  }
0x4: {  	_ = 	snop  }
0x5: {  	_ = 	snop  }
0x6: {  	_ = 	snop  }
0x7: {  	_ = 	snop  }
__scs_overlays_trampoline_lowered:
0x8: {  	[smem:$0x3FAD] =	sst s0  }
0x9: {  	[smem:$0x3FAE] =	sst s1  }
0xa: {  	[smem:$0x3FAF] =	sst s2  }
0xb: {  	[smem:$0x3FB0] =	sst s3  }
0xc: {  	[smem:$0x3FB1] =	sst s4  }
0xd: {  	[smem:$0x3FB2] =	sst s5  }
0xe: {  	[smem:$0x3FB3] =	sst s6  }
0xf: {  	[smem:$0x3FB4] =	sst s7  }
0x10: {  	[smem:$0x3FB5] =	sst s8  }
0x11: {  	[smem:$0x3FB6] =	sst s9;
	s0 =	simm.s32 @!p0 $0x0  }
0x12: {  	s1 =	sld [smem:$0x3F9C];
	s0 =	simm.s32 @p0 $0x1  }
0x13: {  	[smem:$0x3FB7] =	sst s0;
	s0 =	simm.s32 @!p1 $0x0  }
0x14: {  	s2 =	sld [smem:$0x3F9B];
	s0 =	simm.s32 @p1 $0x1  }
0x15: {  	[smem:$0x3FB8] =	sst s0;
	s0 =	simm.s32 @!p2 $0x0  }
0x16: {  	s3 =	sld [smem:$0x3FDB];
	s0 =	simm.s32 @p2 $0x1  }
0x17: {  	s4 =	simm.s32 $0x1BF5;
	[smem:$0x3FBA] =	sst s0  }
0x18: {  	s0 =	sld [smem:$0x3F9D];
	_ =	swait.ge [sflag:s4], $0x0  }
0x19: {  	s7 =	sld [smem:$0x3F9E]  }
0x1a: {  	s8 =	sadd.s32 $0xFFFFE003, lr  }
0x1b: {  	s9 =	sadd.s32 $0xFFFFFEF7, lr;
	s5 =	simm.s32 $0xFFFFFFFF;
	p2 =	slt.u32 s8, $0xFFFFF086  }
0x1c: {  	p1 =	slt.u32 s9, $0xF7A;
	s5 =	simm.s32 @!p2 $0x0  }
0x1d: {  	s5 =	simm.s32 @p1 $0x1;
	p0 =	seq.s32 s7, s2  }
0x1e: {  	s7 =	smul.u32 @!p0 $0xF7A, s2;
	p2 =	seq.s32 @!p0 s5, $0x0  }
0x1f: {  	s9 =	smul.u32 $0xF7A, s1;
	s8 =	simm.s32 @!p0 $0x1BF5;
	p2 =	por !p2, p0  }
0x20: {  	[sflag:s8] =	ssyncset.s32 @!p0 $0xFFFFF086;
	s6 =	sadd.s32 @!p0 s3, s7;
	s7 =	simm.s32 @!p0 $0x108  }
0x21: {  	s3 =	sadd.s32 s3, s9;
	s6 =	sadd.s32 @!p0 $0x88, s6;
	s7 =	simm.s32 @p2 $0x1082  }
0x22: {  	[simem:s7], [sflag:s8] =	dma.local @!p0 [hbm:s6], $0xF7A  }
0x23: {  	s9 =	sor.u32 $0xD0000000, s2;
	s6 =	simm.s32 $0x108;
	_ =	swait.ge @!p0 [sflag:s8], $0x0  }
0x24: {  	s3 =	sadd.s32 $0x88, s3;
	s6 =	simm.s32 @!p1 $0x1082;
	[sflag:s4] =	ssyncset.s32 $0xFFFFF086  }
0x25: {  	[simem:s6], [sflag:s4] =	dma.local [hbm:s3], $0xF7A  }
0x26: {  	[smem:$0x3F9E] =	sst s1;
	(tag) =	ssettag s2;
	_ =	strace s9  }
0x27: {  	s1 =	sld [smem:$0x3FAE]  }
0x28: {  	s2 =	sld [smem:$0x3FAF]  }
0x29: {  	s4 =	sld [smem:$0x3FB1]  }
0x2a: {  	p0 =	seq.s32 s5, $0x0;
	s5 =	sld [smem:$0x3FB2]  }
0x2b: {  	s6 =	sld [smem:$0x3FB3]  }
0x2c: {  	s7 =	sld [smem:$0x3FB4]  }
0x2d: {  	s3 =	simm.s32 $0x108;
	s8 =	sld [smem:$0x3FB5]  }
0x2e: {  	s3 =	simm.s32 @!p0 $0x1082;
	s9 =	sld [smem:$0x3FB6]  }
0x2f: {  	lr =	sadd.s32 s0, s3;
	s0 =	sld [smem:$0x3FAD]  }
0x30: {  	s3 =	sld [smem:$0x3FB0]  }
0x31: {  	[smem:$0x3FB9] =	sst s10  }
0x32: {  	s10 =	sld [smem:$0x3FB7];
	_ =	sdelay $0x3  }
0x33: {  	p0 =	seq.s32 s10, $0x1;
	s10 =	sld [smem:$0x3FB9];
	_ =	sdelay $0x3  }
0x34: {  	[smem:$0x3FB9] =	sst s10  }
0x35: {  	s10 =	sld [smem:$0x3FB8];
	_ =	sdelay $0x3  }
0x36: {  	p1 =	seq.s32 s10, $0x1;
	s10 =	sld [smem:$0x3FB9];
	_ =	sdelay $0x3  }
0x37: {  	[smem:$0x3FB9] =	sst s10  }
0x38: {  	s10 =	sld [smem:$0x3FBA]  }
0x39: {  	_ = 	snop;
	(pc) =	sbr.ind lr, $3  }
0x3a: {  	_ = 	snop  }
0x3b: {  	_ = 	snop  }
0x3c: {  	p2 =	seq.s32 s10, $0x1;
	s10 =	sld [smem:$0x3FB9]  }
0x3d: {  	_ =	shalt  }
0x3e: {  	_ =	shalt  }
0x3f: {  	_ =	shalt  }
0x40: {  	_ =	shalt  }
0x41: {  	_ =	shalt  }
0x42: {  	_ =	shalt  }
0x43: {  	_ =	shalt  }
0x44: {  	_ =	shalt  }
0x45: {  	_ =	shalt  }
0x46: {  	_ =	shalt  }
0x47: {  	_ =	shalt  }
0x48: {  	_ =	shalt  }
0x49: {  	_ =	shalt  }
0x4a: {  	_ =	shalt  }
0x4b: {  	_ =	shalt  }
0x4c: {  	_ =	shalt  }
0x4d: {  	_ =	shalt  }
0x4e: {  	_ =	shalt  }
0x4f: {  	_ =	shalt  }
0x50: {  	_ =	shalt  }
0x51: {  	_ =	shalt  }
0x52: {  	_ =	shalt  }
0x53: {  	_ =	shalt  }
0x54: {  	_ =	shalt  }
0x55: {  	_ =	shalt  }
0x56: {  	_ =	shalt  }
0x57: {  	_ =	shalt  }
0x58: {  	_ =	shalt  }
0x59: {  	_ =	shalt  }
0x5a: {  	_ =	shalt  }
0x5b: {  	_ =	shalt  }
0x5c: {  	_ =	shalt  }
0x5d: {  	_ =	shalt  }
0x5e: {  	_ =	shalt  }
0x5f: {  	_ =	shalt  }
0x60: {  	_ =	shalt  }
0x61: {  	_ =	shalt  }
0x62: {  	_ =	shalt  }
0x63: {  	_ =	shalt  }
0x64: {  	_ =	shalt  }
0x65: {  	_ =	shalt  }
0x66: {  	_ =	shalt  }
0x67: {  	_ =	shalt  }
0x68: {  	_ =	shalt  }
0x69: {  	_ =	shalt  }
0x6a: {  	_ =	shalt  }
0x6b: {  	_ =	shalt  }
0x6c: {  	_ =	shalt  }
0x6d: {  	_ =	shalt  }
0x6e: {  	_ =	shalt  }
0x6f: {  	_ =	shalt  }
0x70: {  	_ =	shalt  }
0x71: {  	_ =	shalt  }
0x72: {  	_ =	shalt  }
0x73: {  	_ =	shalt  }
0x74: {  	_ =	shalt  }
0x75: {  	_ =	shalt  }
0x76: {  	_ =	shalt  }
0x77: {  	_ =	shalt  }
0x78: {  	_ =	shalt  }
0x79: {  	_ =	shalt  }
0x7a: {  	_ =	shalt  }
0x7b: {  	_ =	shalt  }
0x7c: {  	_ =	shalt  }
0x7d: {  	_ =	shalt  }
0x7e: {  	_ =	shalt  }
0x7f: {  	_ =	shalt  }
0x80: {  	_ =	shalt  }
0x81: {  	_ =	shalt  }
0x82: {  	_ =	shalt  }
0x83: {  	_ =	shalt  }
0x84: {  	_ =	shalt  }
0x85: {  	_ =	shalt  }
0x86: {  	_ =	shalt  }
0x87: {  	_ =	shalt  }
.Lfunc_end0:
.L_simem_size_0:
called_computation_lowered:
.L_overlay_start_0:
0x88: {  	s2 =	sld [smem:$0x3FD9]  }
0x89: {  	s3 =	sld [smem:$0x3FFE];
	_ =	sdelay $0x1  }
0x8a: {  	s1 =	srdreg.scid  }
0x8b: {  	s0 =	sand.u32 $0x1, s1  }
0x8c: {  	s17 =	sshll.u32 s0, $0xA;
	s2 =	sadd.s32 s3, s2  }
0x8d: {  	s2 =	sadd.s32 s2, s17  }
0x8e: {  	[smem:$0x3FC5] =	sst s2  }
0x8f: {  	_ = 	snop  }
0x90: {  	s2 =	sld [smem:$0x3FD0];
	(tm) =	ssettm $0x1  }
0x91: {  	s18 =	sld [smem:$0x3FFB];
	_ =	sdelay $0x3  }
0x92: {  	_ =	strace s18  }
0x93: {  	s3 =	sld [smem:$0x3FFC];
	_ =	sdelay $0x3  }
0x94: {  	_ =	strace s3  }
0x95: {  	s3 =	sld [smem:$0x3FFD];
	_ =	sdelay $0x3  }
0x96: {  	_ =	strace s3  }
0x97: {  	_ =	strace $0x8FFFFFFF  }
0x98: {  	s19 =	sld [smem:$0x3FDB];
	_ =	sdelay $0x1  }
0x99: {  	s4 =	simm.s32 $_scs_section_size  }
0x9a: {  	s5 =	simm.s32 $_size__tile_overlayer_lowered;
	s6 =	simm.s32 $_tile_overlayer_lowered  }
0x9b: {  	s22 =	simm.s32 $0x1BFF;
	s21 =	sshll.u32 s6, $0x1;
	s3 =	sadd.s32 s4, s19  }
0x9c: {  	s7 =	simm.s32 $0x0;
	s20 =	sshll.u32 s5, $0x1;
	s5 =	sadd.s32 s21, s3  }
0x9d: {  	[timem:s7], [sflag:s22] =	dma.local [hbm:s5], s20  }
0x9e: {  	_ =	swait.ge [sflag:s22], s20  }
0x9f: {  	s4 =	ssub.s32 $0x0, s20;
	[sflag:s22] =	ssyncset.done $0x0  }
0xa0: {  	[sflag:s22] =	ssyncadd.s32 s4;
	_ =	sdelay $0x1  }
0xa1: {  	s23 =	simm.s32 $0x1B8B  }
0xa2: {  	_ =	swait.ge [sflag:s23], $0x1  }
0xa3: {  	[sflag:s23] =	ssyncset.done $0x0  }
0xa4: {  	s25 =	simm.s32 $0x1B8E;
	s24 =	sld [smem:$0x3FFE];
	[sflag:s23] =	ssyncadd.s32 $0xFFFFFFFF  }
0xa5: {  	s26 =	simm.s32 $execute0_lowered;
	[smem:$0x3FD2] =	sst s25  }
0xa6: {  	s5 =	sshll.u32 s26, $0x1;
	_ =	strace $0x80000046;
	[dreg:$0x1] =	wrdreg $0xFFFFFFFF  }
0xa7: {  	s28 =	simm.s32 $_size_execute0_lowered;
	s3 =	sadd.s32 s3, s5;
	[dreg:$0x0] =	wrdreg $0x0  }
0xa8: {  	s5 =	sshll.u32 s28, $0x1;
	[dreg:$0x2] =	wrdreg s3  }
0xa9: {  	[dreg:$0x3] =	wrdreg s5  }
0xaa: {  	[dreg:$0x4] =	wrdreg $0xC0  }
0xab: {  	_ =	task [dreg:s7], $0x5FFFF  }
0xac: {  	[dreg:$0x1] =	wrdreg $0xFFFFFFFF  }
0xad: {  	[dreg:$0x0] =	wrdreg $0x60  }
0xae: {  	[dreg:$0x2] =	wrdreg s24  }
0xaf: {  	[dreg:$0x3] =	wrdreg s2  }
0xb0: {  	[dreg:$0x4] =	wrdreg $0x17B000  }
0xb1: {  	[dreg:$0x5] =	wrdreg $0x1C9400  }
0xb2: {  	[dreg:$0x6] =	wrdreg $0x9  }
0xb3: {  	_ =	task.clear_ibuf [dreg:s7], $0x7FFFF;
	_ =	strace $0x90000046  }
0xb4: {  	s29 =	simm.s32 $0x9;
	_ =	strace $0x80000048  }
0xb5: {  	_ =	swait.ge [sflag:s29], $0x1  }
0xb6: {  	[sflag:s29] =	ssyncadd.s32 $0xFFFFFFFF  }
0xb7: {  	_ =	strace $0x90000048  }
0xb8: {  	_ =	sfence  }
0xb9: {  	s30 =	sld [smem:$0x0];
	_ =	sdelay $0x2  }
0xba: {  	s31 =	sshll.u32 s1, $0xD;
	s1 =	sshrl.u32 s1, $0x2  }
0xbb: {  	s3 =	sand.u32 $0x4000, s31;
	s1 =	sadd.s32 s1, s30  }
0xbc: {  	s0 =	sor.u32 s3, s0;
	s1 =	sshll.u32 s1, $0x11  }
0xbd: {  	s0 =	sor.u32 s1, s0  }
0xbe: {  	s0 =	sadd.s32 $0x8F2B, s0  }
0xbf: {  	[sflag:s0] =	ssyncadd.remote.s32 $0x1  }
0xc0: {  	_ =	sfence.sel $0xFFFF  }
0xc1: {  	[dreg:$0x0] =	wrdreg $0xFFFFFFFF;
	(pc) =	sbr.abs _section_cstart, $3  }
0xc2: {  	[dreg:$0x1] =	wrdreg $0xFFFFFFFF  }
0xc3: {  	_ =	task.clear_ibuf [dreg:s7], $0x2FFFF;
	_ =	strace $0x9FFFFFFF  }
0xc4: {  	(tm) =	ssettm $0x7FFFFFFF  }
0xc5: {  	_ =	shalt  }
tec
execute0_lowered:
.L_overlay_start_1:
0x0: {  	(tag) =	ssettag $0x1  }
0x1: {  	s0 =	rddreg [dreg:$0x0]  }
0x2: {  	s1 =	rddreg [dreg:$0x1]  }
0x3: {  	s2 =	rddreg [dreg:$0x2];
	s13 =	stileid.u32  }
0x4: {  	s3 =	rddreg [dreg:$0x3];
	s6 =	smul.u32 $0x13A0, s13  }
0x5: {  	s5 =	srdreg.scid;
	s17 =	smul.u32 $0x272, s13  }
0x6: {  	s4 =	simm.s32 $0x0;
	s7 =	sand.u32 $0x1, s5;
	s12 =	smul.u32 $0x13900, s13  }
0x7: {  	[smem:$0x7FF] =	sst s4;
	s5 =	sadd.s32 $0x1200, s0;
	s25 =	smul.u32 $0x9C80, s13  }
0x8: {  	s18 =	sadd.s32 $0x45C00, s0;
	s8 =	smul.u32 $0x2720, s7;
	s10 =	ssub.s32 $0x2, s7  }
0x9: {  	_ =	strace $0x80000047;
	s9 =	sadd.s32 s6, s0;
	s11 =	sshrl.u32 s10, $0x1  }
0xa: {  	s1 =	sadd.s32 s1, s6;
	s21 =	sshrl.u32 s12, $0x2;
	s22 =	sadd.s32 $0x80, s17  }
0xb: {  	s14 =	sadd.s32 $0x100, s17;
	s26 =	sadd.s32 $0x180, s17;
	s15 =	sshrl.u32 s25, $0x2  }
0xc: {  	s25 =	smul.u32 $0x4E40, s7;
	s8 =	sadd.s32 s17, s8;
	s19 =	ssub.s32 s10, s11  }
0xd: {  	[dreg:$0x5] =	wrdreg s1;
	s20 =	sadd.s32 $0x28400, s9;
	s23 =	sshll.u32 s22, $0x5  }
0xe: {  	s24 =	sshll.u32 s14, $0x5;
	s13 =	sshll.u32 s26, $0x5;
	s6 =	sshll.u32 s22, $0x4  }
0xf: {  	s1 =	sshll.u32 s26, $0x4;
	s8 =	sshll.u32 s8, $0x1;
	[dreg:$0x6] =	wrdreg s20  }
0x10: {  	s9 =	sadd.s32 s23, s2;
	s10 =	sadd.s32 s24, s2;
	s20 =	sadd.s32 $0x200, s17  }
0x11: {  	s11 =	sadd.s32 s13, s2;
	s13 =	sadd.s32 s15, s3;
	s22 =	sadd.s32 s17, s25  }
0x12: {  	s0 =	sadd.s32 s8, s0;
	s8 =	sadd.s32 s21, s2;
	s16 =	sshll.u32 s20, $0x5  }
0x13: {  	s21 =	sshll.u32 s14, $0x4;
	s14 =	sadd.s32 s6, s3;
	s6 =	sadd.s32 $0x2720, s25  }
0x14: {  	s23 =	sshll.u32 s20, $0x4;
	s12 =	sadd.s32 s16, s2;
	s15 =	sadd.s32 s21, s3  }
0x15: {  	s16 =	sadd.s32 s1, s3;
	s1 =	sshll.u32 s22, $0x2;
	s21 =	sadd.s32 $0x3BE00, s0  }
0x16: {  	s24 =	sadd.s32 s17, s6;
	s22 =	sadd.s32 $0x3BF00, s0;
	[dreg:$0x8] =	wrdreg s21  }
0x17: {  	s17 =	sadd.s32 s23, s3;
	s23 =	sadd.s32 $0x3C000, s0;
	[dreg:$0x9] =	wrdreg s22  }
0x18: {  	s26 =	sshll.u32 s24, $0x2;
	[dreg:$0xa] =	wrdreg s23;
	s24 =	sadd.s32 $0x3C100, s0  }
0x19: {  	s0 =	sadd.s32 $0x3C200, s0;
	[dreg:$0xb] =	wrdreg s24  }
0x1a: {  	s7 =	sadd.s32 s18, s1;
	[dreg:$0xc] =	wrdreg s0  }
0x1b: {  	s20 =	sadd.s32 s18, s26;
	s26 =	smax.u32 s19, $0x1;
	[dreg:$0x7] =	wrdreg s7  }
0x1c: {  	s1 =	sadd.s32 $0x200, s7;
	[dreg:$0xd] =	wrdreg s26  }
0x1d: {  	s28 =	simm.s32 $0x1;
	s18 =	sadd.s32 $0x400, s7;
	[dreg:$0xe] =	wrdreg s1  }
0x1e: {  	s29 =	simm.s32 $0x15B00;
	s19 =	sadd.s32 $0x600, s7;
	[dreg:$0xf] =	wrdreg s18  }
0x1f: {  	s30 =	simm.s32 $0x2;
	s21 =	sadd.s32 $0x800, s7;
	[dreg:$0x10] =	wrdreg s19  }
0x20: {  	s31 =	simm.s32 $0x0;
	[dreg:$0x11] =	wrdreg s21;
	s22 =	sadd.s32 $0x200, s20  }
0x21: {  	v0 =	vmov s25;
	s25 =	simm.s32 $0x13A80;
	s23 =	sadd.s32 $0x400, s20;
	[dreg:$0x12] =	wrdreg s22  }
0x22: {  	s7 =	simm.s32 $0x3;
	s24 =	sadd.s32 $0x600, s20;
	[dreg:$0x13] =	wrdreg s23  }
0x23: {  	s26 =	sadd.s32 $0x800, s20;
	s19 =	simm.s32 $0x16300;
	[dreg:$0x14] =	wrdreg s24  }
0x24: {  	s21 =	simm.s32 $0x17300;
	[dreg:$0x15] =	wrdreg s26;
	s22 =	simm.s32 $0x80  }
0x25: {  	v2 =	vimm.f32 $0.0e+00;
	v3 =	vimm.f32 $1.000000000e+00;
	v1 =	vmov s6;
	s23 =	simm.s32 $0x13A00;
	s24 =	simm.s32 $0x13B00;
	s26 =	simm.s32 $0x14B00  }
.LBB2_1:
0x26: {  	s0 =	simm.s32 $0x0  }
.LBB2_2:
0x27: {  	p0 =	sne.s32 s0, $0x3F80  }
.Ltmp0:
0x28: {  	_ = 	snop;
	(pc) =	sbr.rel @p0 .LBB2_2-.Ltmp0, $4  }
0x29: {  	_ = 	snop  }
0x2a: {  	s1 =	sshra.s32 s0, $0x2  }
0x2b: {  	[tilespmem:s1+$0x16300] =	vst v2  }
0x2c: {  	s0 =	sadd.s32 $0x80, s0;
	[tilespmem:s1+$0x16310] =	vst v2  }
0x2d: {  	s0 =	simm.s32 $0x40;
	s1 =	simm.s32 $0x0  }
.LBB2_4:
0x2e: {  	p0 =	sne.s32 s0, $0x1FC0;
	[tilespmem:s1+$0x17300] =	vst v2;
	s6 =	smov.u32 s0;
	s0 =	sadd.s32 $0x40, s0  }
.Ltmp1:
0x2f: {  	[tilespmem:s1+$0x15B00] =	vst v3;
	(pc) =	sbr.rel @p0 .LBB2_4-.Ltmp1, $2  }
0x30: {  	_ =	sdelay $0x2  }
0x31: {  	s1 =	sshra.s32 s6, $0x2  }
0x32: {  	[tilespmem:s1+$0x17300] =	vst v2  }
0x33: {  	[tilespmem:s1+$0x15B00] =	vst v3;
	s6 =	simm.s32 $0x0;
	s0 =	simm.s32 $0x9D00;
	s18 =	rddreg [dreg:$0x5]  }
0x34: {  	[tilespmem:s0], [sflag:$0x3] =	stream.linear.gather [hbm4b:s18+s6], $0x9D00, $0x38;
	[tilespmem:$0x1F060] =	vst v63  }
0x35: {  	_ =	swait.ge [sflag:s7], $0x9D00  }
0x36: {  	[sflag:s7] =	ssyncset.done $0x0  }
0x37: {  	s18 =	rddreg [dreg:$0x6];
	[sflag:s7] =	ssyncadd.s32 $0xFFFF6300  }
0x38: {  	[tilespmem:s6], [sflag:$0x3] =	stream.linear.gather [hbm4b:s18+s6], $0x9D00, $0x38;
	[tilespmem:$0x1F060] =	vst v63  }
0x39: {  	_ =	swait.ge [sflag:s7], $0x9D00  }
0x3a: {  	[sflag:s7] =	ssyncset.done $0x0  }
0x3b: {  	[sflag:s7] =	ssyncadd.s32 $0xFFFF6300  }
0x3c: {  	[spmem:s8] =	stream.linear.scatter [tilespmem:s19], [sflag:$0x3], $0x1000, $0x38;
	[tilespmem:$0x1F060] =	vst v63  }
0x3d: {  	_ =	swait.ge [sflag:s7], $0x1000  }
0x3e: {  	[sflag:s7] =	ssyncset.done $0x0  }
0x3f: {  	[sflag:s7] =	ssyncadd.s32 $0xFFFFF000  }
0x40: {  	[spmem:s9] =	stream.linear.scatter [tilespmem:s19], [sflag:$0x3], $0x1000, $0x38;
	[tilespmem:$0x1F060] =	vst v63  }
0x41: {  	_ =	swait.ge [sflag:s7], $0x1000  }
0x42: {  	[sflag:s7] =	ssyncset.done $0x0  }
0x43: {  	[sflag:s7] =	ssyncadd.s32 $0xFFFFF000  }
0x44: {  	[spmem:s10] =	stream.linear.scatter [tilespmem:s19], [sflag:$0x3], $0x1000, $0x38;
	[tilespmem:$0x1F060] =	vst v63  }
0x45: {  	_ =	swait.ge [sflag:s7], $0x1000  }
0x46: {  	[sflag:s7] =	ssyncset.done $0x0  }
0x47: {  	[sflag:s7] =	ssyncadd.s32 $0xFFFFF000  }
0x48: {  	[spmem:s11] =	stream.linear.scatter [tilespmem:s19], [sflag:$0x3], $0x1000, $0x38;
	[tilespmem:$0x1F060] =	vst v63  }
0x49: {  	_ =	swait.ge [sflag:s7], $0x1000  }
0x4a: {  	[sflag:s7] =	ssyncset.done $0x0  }
0x4b: {  	[sflag:s7] =	ssyncadd.s32 $0xFFFFF000  }
0x4c: {  	[spmem:s12] =	stream.linear.scatter [tilespmem:s19], [sflag:$0x3], $0xE40, $0x38;
	[tilespmem:$0x1F060] =	vst v63  }
0x4d: {  	_ =	swait.ge [sflag:s7], $0xE40  }
0x4e: {  	[sflag:s7] =	ssyncset.done $0x0  }
0x4f: {  	[sflag:s7] =	ssyncadd.s32 $0xFFFFF1C0  }
0x50: {  	[spmem:s13] =	stream.linear.scatter [tilespmem:s21], [sflag:$0x3], $0x800, $0x38;
	[tilespmem:$0x1F060] =	vst v63  }
0x51: {  	_ =	swait.ge [sflag:s7], $0x800  }
0x52: {  	[sflag:s7] =	ssyncset.done $0x0  }
0x53: {  	[sflag:s7] =	ssyncadd.s32 $0xFFFFF800  }
0x54: {  	[spmem:s14] =	stream.linear.scatter [tilespmem:s21], [sflag:$0x3], $0x800, $0x38;
	[tilespmem:$0x1F060] =	vst v63  }
0x55: {  	_ =	swait.ge [sflag:s7], $0x800  }
0x56: {  	[sflag:s7] =	ssyncset.done $0x0  }
0x57: {  	[sflag:s7] =	ssyncadd.s32 $0xFFFFF800  }
0x58: {  	[spmem:s15] =	stream.linear.scatter [tilespmem:s21], [sflag:$0x3], $0x800, $0x38;
	[tilespmem:$0x1F060] =	vst v63  }
0x59: {  	_ =	swait.ge [sflag:s7], $0x800  }
0x5a: {  	[sflag:s7] =	ssyncset.done $0x0  }
0x5b: {  	[sflag:s7] =	ssyncadd.s32 $0xFFFFF800  }
0x5c: {  	[spmem:s16] =	stream.linear.scatter [tilespmem:s21], [sflag:$0x3], $0x800, $0x38;
	[tilespmem:$0x1F060] =	vst v63  }
0x5d: {  	_ =	swait.ge [sflag:s7], $0x800  }
0x5e: {  	[sflag:s7] =	ssyncset.done $0x0  }
0x5f: {  	[sflag:s7] =	ssyncadd.s32 $0xFFFFF800  }
0x60: {  	[spmem:s17] =	stream.linear.scatter [tilespmem:s21], [sflag:$0x3], $0x720, $0x38;
	[tilespmem:$0x1F060] =	vst v63  }
0x61: {  	_ =	swait.ge [sflag:s7], $0x720  }
0x62: {  	[sflag:s7] =	ssyncset.done $0x0  }
0x63: {  	[sflag:s7] =	ssyncadd.s32 $0xFFFFF8E0  }
0x64: {  	[bflag:$0x0] =	sbarrier.arrive $0xFFFF  }
0x65: {  	v4 =	vld [tilespmem:$0x0]  }
0x66: {  	v5 =	vld [tilespmem:$0x10]  }
0x67: {  	v6 =	vld [tilespmem:$0x20]  }
0x68: {  	v7 =	vld [tilespmem:$0x30]  }
0x69: {  	v8 =	vld [tilespmem:$0x40]  }
0x6a: {  	v9 =	vld [tilespmem:$0x50];
	v4 =	vadd.s32 v0, v4  }
0x6b: {  	[tilespmem:$0x13A00] =	vst v4;
	v4 =	vadd.s32 v0, v5;
	v5 =	vld [tilespmem:$0x60]  }
0x6c: {  	v63 =	vld [tilespmem:$0x70];
	[tilespmem:$0x13A10] =	vst v4;
	v4 =	vadd.s32 v0, v6  }
0x6d: {  	[tilespmem:$0x13A20] =	vst v4;
	v4 =	vadd.s32 v0, v7  }
0x6e: {  	[tilespmem:$0x13A30] =	vst v4;
	v4 =	vadd.s32 v0, v8  }
0x6f: {  	[tilespmem:$0x13A40] =	vst v4;
	v4 =	vadd.s32 v0, v9  }
0x70: {  	[tilespmem:$0x13A50] =	vst v4;
	v4 =	vadd.s32 v0, v5  }
0x71: {  	[tilespmem:$0x13A60] =	vst v4;
	v4 =	vadd.s32 v0, v63  }
0x72: {  	s1 =	simm.s32 $0xF0;
	[tilespmem:$0x13A70] =	vst v4  }
0x73: {  	[tilespmem:s24], [sflag:$0x1] =	stream.indirect.gather [hbm4b:s5+s22], $0x20, s23, s22, $0xb8;
	[tilespmem:$0x1F060] =	vst v63  }
0x74: {  	v4 =	vld [tilespmem:s1+$0xFFFFFF90];
	_ =	sdelay $0x4  }
0x75: {  	v4 =	vadd.s32 v0, v4  }
0x76: {  	[tilespmem:$0x13A80] =	vst v4  }
0x77: {  	v4 =	vld [tilespmem:s1+$0xFFFFFFA0];
	_ =	sdelay $0x4  }
0x78: {  	v4 =	vadd.s32 v0, v4  }
0x79: {  	[tilespmem:$0x13A90] =	vst v4  }
0x7a: {  	v4 =	vld [tilespmem:s1+$0xFFFFFFB0];
	_ =	sdelay $0x4  }
0x7b: {  	v4 =	vadd.s32 v0, v4  }
0x7c: {  	[tilespmem:$0x13AA0] =	vst v4  }
0x7d: {  	v4 =	vld [tilespmem:s1+$0xFFFFFFC0];
	_ =	sdelay $0x4  }
0x7e: {  	v4 =	vadd.s32 v0, v4  }
0x7f: {  	[tilespmem:$0x13AB0] =	vst v4  }
0x80: {  	v4 =	vld [tilespmem:s1+$0xFFFFFFD0];
	_ =	sdelay $0x4  }
0x81: {  	v4 =	vadd.s32 v0, v4  }
0x82: {  	[tilespmem:$0x13AC0] =	vst v4  }
0x83: {  	v4 =	vld [tilespmem:s1+$0xFFFFFFE0];
	_ =	sdelay $0x4  }
0x84: {  	v4 =	vadd.s32 v0, v4  }
0x85: {  	[tilespmem:$0x13AD0] =	vst v4  }
0x86: {  	v4 =	vld [tilespmem:s1+$0xFFFFFFF0];
	_ =	sdelay $0x4  }
0x87: {  	v4 =	vadd.s32 v0, v4  }
0x88: {  	[tilespmem:$0x13AE0] =	vst v4  }
0x89: {  	v4 =	vld [tilespmem:s1+$0x0];
	_ =	sdelay $0x4  }
0x8a: {  	v4 =	vadd.s32 v0, v4  }
0x8b: {  	[tilespmem:$0x13AF0] =	vst v4  }
0x8c: {  	[tilespmem:s26], [sflag:$0x2] =	stream.indirect.gather [hbm4b:s5+s22], $0x20, s25, s22, $0xb8;
	[tilespmem:$0x1F060] =	vst v63  }
0x8d: {  	_ =	swait.ge [sflag:s28], $0x1000  }
0x8e: {  	[sflag:s28] =	ssyncset.done $0x0  }
0x8f: {  	[sflag:s28] =	ssyncadd.s32 $0xFFFFF000  }
0x90: {  	[spmem:s2] =	stream.indirect.scatter.add.f32 [tilespmem:s24], [sflag:$0x3], $0x20, s0, s22, $0xb8;
	[tilespmem:$0x1F060] =	vst v63  }
0x91: {  	_ =	swait.ge [sflag:s7], $0x1000  }
0x92: {  	[sflag:s7] =	ssyncset.done $0x0  }
0x93: {  	[sflag:s7] =	ssyncadd.s32 $0xFFFFF000  }
0x94: {  	[spmem:s3] =	stream.indirect.scatter.add.f32 [tilespmem:s29], [sflag:$0x3], $0x10, s0, s22, $0xb8;
	[tilespmem:$0x1F060] =	vst v63  }
0x95: {  	_ =	swait.ge [sflag:s7], $0x800  }
0x96: {  	s6 =	smin.u32 s6, $0x136;
	[sflag:s7] =	ssyncset.done $0x0  }
0x97: {  	s6 =	sshll.u32 s6, $0x7;
	[sflag:s7] =	ssyncadd.s32 $0xFFFFF800  }
0x98: {  	v4 =	vld [tilespmem:s6+$0x100];
	_ =	sdelay $0x4  }
0x99: {  	v4 =	vadd.s32 v0, v4  }
0x9a: {  	[tilespmem:$0x13A00] =	vst v4  }
0x9b: {  	v4 =	vld [tilespmem:s6+$0x110];
	_ =	sdelay $0x4  }
0x9c: {  	v4 =	vadd.s32 v0, v4  }
0x9d: {  	[tilespmem:$0x13A10] =	vst v4  }
0x9e: {  	v4 =	vld [tilespmem:s6+$0x120];
	_ =	sdelay $0x4  }
0x9f: {  	v4 =	vadd.s32 v0, v4  }
0xa0: {  	[tilespmem:$0x13A20] =	vst v4  }
0xa1: {  	v4 =	vld [tilespmem:s6+$0x130];
	_ =	sdelay $0x4  }
0xa2: {  	v4 =	vadd.s32 v0, v4  }
0xa3: {  	[tilespmem:$0x13A30] =	vst v4  }
0xa4: {  	v4 =	vld [tilespmem:s6+$0x140];
	_ =	sdelay $0x4  }
0xa5: {  	v4 =	vadd.s32 v0, v4  }
0xa6: {  	[tilespmem:$0x13A40] =	vst v4  }
0xa7: {  	v4 =	vld [tilespmem:s6+$0x150];
	_ =	sdelay $0x4  }
0xa8: {  	v4 =	vadd.s32 v0, v4  }
0xa9: {  	[tilespmem:$0x13A50] =	vst v4  }
0xaa: {  	v4 =	vld [tilespmem:s6+$0x160];
	_ =	sdelay $0x4  }
0xab: {  	v4 =	vadd.s32 v0, v4  }
0xac: {  	[tilespmem:$0x13A60] =	vst v4  }
0xad: {  	v4 =	vld [tilespmem:s6+$0x170];
	_ =	sdelay $0x4  }
0xae: {  	v4 =	vadd.s32 v0, v4  }
0xaf: {  	[tilespmem:$0x13A70] =	vst v4  }
0xb0: {  	[tilespmem:s24], [sflag:$0x1] =	stream.indirect.gather [hbm4b:s5+s22], $0x20, s23, s22, $0xb8;
	[tilespmem:$0x1F060] =	vst v63  }
0xb1: {  	_ =	swait.ge [sflag:s30], $0x1000  }
0xb2: {  	[sflag:s30] =	ssyncset.done $0x0  }
0xb3: {  	s18 =	simm.s32 $0x9D80;
	[sflag:s30] =	ssyncadd.s32 $0xFFFFF000  }
0xb4: {  	[spmem:s2] =	stream.indirect.scatter.add.f32 [tilespmem:s26], [sflag:$0x3], $0x20, s18, s22, $0xb8;
	[tilespmem:$0x1F060] =	vst v63  }
0xb5: {  	_ =	swait.ge [sflag:s7], $0x1000  }
0xb6: {  	[sflag:s7] =	ssyncset.done $0x0  }
0xb7: {  	[sflag:s7] =	ssyncadd.s32 $0xFFFFF000  }
0xb8: {  	[spmem:s3] =	stream.indirect.scatter.add.f32 [tilespmem:s29], [sflag:$0x3], $0x10, s18, s22, $0xb8;
	[tilespmem:$0x1F060] =	vst v63  }
0xb9: {  	_ =	swait.ge [sflag:s7], $0x800  }
0xba: {  	s6 =	simm.s32 $0x2;
	[sflag:s7] =	ssyncset.done $0x0  }
.LBB2_6:
0xbb: {  	[sflag:s7] =	ssyncadd.s32 $0xFFFFF800;
	s0 =	sadd.s32 $0x100, s0;
	s1 =	sadd.s32 $0x100, s1  }
0xbc: {  	p0 =	sne.s32 s6, $0x138;
	s18 =	smov.u32 s6;
	s6 =	sadd.s32 $0x2, s6;
	v4 =	vld [tilespmem:s1+$0xFFFFFF90]  }
0xbd: {  	_ =	sdelay $0x3  }
0xbe: {  	v4 =	vadd.s32 v0, v4  }
0xbf: {  	[tilespmem:$0x13A80] =	vst v4  }
0xc0: {  	v4 =	vld [tilespmem:s1+$0xFFFFFFA0];
	_ =	sdelay $0x4  }
0xc1: {  	v4 =	vadd.s32 v0, v4  }
0xc2: {  	[tilespmem:$0x13A90] =	vst v4  }
0xc3: {  	v4 =	vld [tilespmem:s1+$0xFFFFFFB0];
	_ =	sdelay $0x4  }
0xc4: {  	v4 =	vadd.s32 v0, v4  }
0xc5: {  	[tilespmem:$0x13AA0] =	vst v4  }
0xc6: {  	v4 =	vld [tilespmem:s1+$0xFFFFFFC0];
	_ =	sdelay $0x4  }
0xc7: {  	v4 =	vadd.s32 v0, v4  }
0xc8: {  	[tilespmem:$0x13AB0] =	vst v4  }
0xc9: {  	v4 =	vld [tilespmem:s1+$0xFFFFFFD0];
	_ =	sdelay $0x4  }
0xca: {  	v4 =	vadd.s32 v0, v4  }
0xcb: {  	[tilespmem:$0x13AC0] =	vst v4  }
0xcc: {  	v4 =	vld [tilespmem:s1+$0xFFFFFFE0];
	_ =	sdelay $0x4  }
0xcd: {  	v4 =	vadd.s32 v0, v4  }
0xce: {  	[tilespmem:$0x13AD0] =	vst v4  }
0xcf: {  	v4 =	vld [tilespmem:s1+$0xFFFFFFF0];
	_ =	sdelay $0x4  }
0xd0: {  	v4 =	vadd.s32 v0, v4  }
0xd1: {  	[tilespmem:$0x13AE0] =	vst v4  }
0xd2: {  	v4 =	vld [tilespmem:s1+$0x0];
	_ =	sdelay $0x4  }
0xd3: {  	v4 =	vadd.s32 v0, v4  }
0xd4: {  	[tilespmem:$0x13AF0] =	vst v4  }
0xd5: {  	[tilespmem:s26], [sflag:$0x2] =	stream.indirect.gather [hbm4b:s5+s22], $0x20, s25, s22, $0xb8;
	[tilespmem:$0x1F060] =	vst v63  }
0xd6: {  	_ =	swait.ge [sflag:s28], $0x1000  }
0xd7: {  	[sflag:s28] =	ssyncset.done $0x0  }
0xd8: {  	[sflag:s28] =	ssyncadd.s32 $0xFFFFF000  }
0xd9: {  	[spmem:s2] =	stream.indirect.scatter.add.f32 [tilespmem:s24], [sflag:$0x3], $0x20, s0, s22, $0xb8;
	[tilespmem:$0x1F060] =	vst v63  }
0xda: {  	_ =	swait.ge [sflag:s7], $0x1000  }
0xdb: {  	[sflag:s7] =	ssyncset.done $0x0  }
0xdc: {  	[sflag:s7] =	ssyncadd.s32 $0xFFFFF000  }
0xdd: {  	[spmem:s3] =	stream.indirect.scatter.add.f32 [tilespmem:s29], [sflag:$0x3], $0x10, s0, s22, $0xb8;
	[tilespmem:$0x1F060] =	vst v63  }
0xde: {  	_ =	swait.ge [sflag:s7], $0x800  }
0xdf: {  	s18 =	smin.u32 s18, $0x136;
	[sflag:s7] =	ssyncset.done $0x0  }
0xe0: {  	s18 =	sshll.u32 s18, $0x7;
	[sflag:s7] =	ssyncadd.s32 $0xFFFFF800  }
0xe1: {  	v4 =	vld [tilespmem:s18+$0x100];
	_ =	sdelay $0x4  }
0xe2: {  	v4 =	vadd.s32 v0, v4  }
0xe3: {  	[tilespmem:$0x13A00] =	vst v4  }
0xe4: {  	v4 =	vld [tilespmem:s18+$0x110];
	_ =	sdelay $0x4  }
0xe5: {  	v4 =	vadd.s32 v0, v4  }
0xe6: {  	[tilespmem:$0x13A10] =	vst v4  }
0xe7: {  	v4 =	vld [tilespmem:s18+$0x120];
	_ =	sdelay $0x4  }
0xe8: {  	v4 =	vadd.s32 v0, v4  }
0xe9: {  	[tilespmem:$0x13A20] =	vst v4  }
0xea: {  	v4 =	vld [tilespmem:s18+$0x130];
	_ =	sdelay $0x4  }
0xeb: {  	v4 =	vadd.s32 v0, v4  }
0xec: {  	[tilespmem:$0x13A30] =	vst v4  }
0xed: {  	v4 =	vld [tilespmem:s18+$0x140];
	_ =	sdelay $0x4  }
0xee: {  	v4 =	vadd.s32 v0, v4  }
0xef: {  	[tilespmem:$0x13A40] =	vst v4  }
0xf0: {  	v4 =	vld [tilespmem:s18+$0x150];
	_ =	sdelay $0x4  }
0xf1: {  	v4 =	vadd.s32 v0, v4  }
0xf2: {  	[tilespmem:$0x13A50] =	vst v4  }
0xf3: {  	v4 =	vld [tilespmem:s18+$0x160];
	_ =	sdelay $0x4  }
0xf4: {  	v4 =	vadd.s32 v0, v4  }
0xf5: {  	[tilespmem:$0x13A60] =	vst v4  }
0xf6: {  	v4 =	vld [tilespmem:s18+$0x170];
	_ =	sdelay $0x4  }
0xf7: {  	v4 =	vadd.s32 v0, v4  }
0xf8: {  	[tilespmem:$0x13A70] =	vst v4  }
0xf9: {  	[tilespmem:s24], [sflag:$0x1] =	stream.indirect.gather [hbm4b:s5+s22], $0x20, s23, s22, $0xb8;
	[tilespmem:$0x1F060] =	vst v63  }
0xfa: {  	_ =	swait.ge [sflag:s30], $0x1000  }
0xfb: {  	[sflag:s30] =	ssyncset.done $0x0  }
0xfc: {  	s18 =	sadd.s32 $0x80, s0;
	[sflag:s30] =	ssyncadd.s32 $0xFFFFF000  }
0xfd: {  	[spmem:s2] =	stream.indirect.scatter.add.f32 [tilespmem:s26], [sflag:$0x3], $0x20, s18, s22, $0xb8;
	[tilespmem:$0x1F060] =	vst v63  }
0xfe: {  	_ =	swait.ge [sflag:s7], $0x1000  }
.Ltmp2:
0xff: {  	[sflag:s7] =	ssyncset.done $0x0;
	(pc) =	sbr.rel @p0 .LBB2_6-.Ltmp2, $4  }
0x100: {  	[sflag:s7] =	ssyncadd.s32 $0xFFFFF000  }
0x101: {  	[spmem:s3] =	stream.indirect.scatter.add.f32 [tilespmem:s29], [sflag:$0x3], $0x10, s18, s22, $0xb8;
	[tilespmem:$0x1F060] =	vst v63  }
0x102: {  	_ =	swait.ge [sflag:s7], $0x800  }
0x103: {  	[sflag:s7] =	ssyncset.done $0x0  }
0x104: {  	[sflag:s7] =	ssyncadd.s32 $0xFFFFF800  }
0x105: {  	_ =	swait.ge [sflag:s28], $0x1000  }
0x106: {  	[sflag:s28] =	ssyncset.done $0x0  }
0x107: {  	[sflag:s28] =	ssyncadd.s32 $0xFFFFF000  }
0x108: {  	[bflag:$0x0] =	sbarrier.arrive $0xFFFF  }
0x109: {  	[tilespmem:s24], [sflag:$0x3] =	stream.linear.gather [spmem:s8], $0x1000, $0x38;
	[tilespmem:$0x1F060] =	vst v63  }
0x10a: {  	_ =	swait.ge [sflag:s7], $0x1000  }
0x10b: {  	[sflag:s7] =	ssyncset.done $0x0  }
0x10c: {  	s6 =	simm.s32 $0x0;
	s0 =	rddreg [dreg:$0x7];
	[sflag:s7] =	ssyncadd.s32 $0xFFFFF000  }
0x10d: {  	[hbm4b:s0+s6] =	stream.linear.scatter [tilespmem:s24], [sflag:$0x3], $0x1000, $0x38;
	[tilespmem:$0x1F060] =	vst v63  }
0x10e: {  	_ =	swait.ge [sflag:s7], $0x1000  }
0x10f: {  	[sflag:s7] =	ssyncset.done $0x0  }
0x110: {  	[sflag:s7] =	ssyncadd.s32 $0xFFFFF000  }
0x111: {  	[tilespmem:s24], [sflag:$0x3] =	stream.linear.gather [spmem:s9], $0x1000, $0x38;
	[tilespmem:$0x1F060] =	vst v63  }
0x112: {  	_ =	swait.ge [sflag:s7], $0x1000  }
0x113: {  	[sflag:s7] =	ssyncset.done $0x0  }
0x114: {  	s1 =	rddreg [dreg:$0xe];
	[sflag:s7] =	ssyncadd.s32 $0xFFFFF000  }
0x115: {  	[hbm4b:s1+s6] =	stream.linear.scatter [tilespmem:s24], [sflag:$0x3], $0x1000, $0x38;
	[tilespmem:$0x1F060] =	vst v63  }
0x116: {  	_ =	swait.ge [sflag:s7], $0x1000  }
0x117: {  	[sflag:s7] =	ssyncset.done $0x0  }
0x118: {  	[sflag:s7] =	ssyncadd.s32 $0xFFFFF000  }
0x119: {  	[tilespmem:s24], [sflag:$0x3] =	stream.linear.gather [spmem:s10], $0x1000, $0x38;
	[tilespmem:$0x1F060] =	vst v63  }
0x11a: {  	_ =	swait.ge [sflag:s7], $0x1000  }
0x11b: {  	[sflag:s7] =	ssyncset.done $0x0  }
0x11c: {  	s18 =	rddreg [dreg:$0xf];
	[sflag:s7] =	ssyncadd.s32 $0xFFFFF000  }
0x11d: {  	[hbm4b:s18+s6] =	stream.linear.scatter [tilespmem:s24], [sflag:$0x3], $0x1000, $0x38;
	[tilespmem:$0x1F060] =	vst v63  }
0x11e: {  	_ =	swait.ge [sflag:s7], $0x1000  }
0x11f: {  	[sflag:s7] =	ssyncset.done $0x0  }
0x120: {  	[sflag:s7] =	ssyncadd.s32 $0xFFFFF000  }
0x121: {  	[tilespmem:s24], [sflag:$0x3] =	stream.linear.gather [spmem:s11], $0x1000, $0x38;
	[tilespmem:$0x1F060] =	vst v63  }
0x122: {  	_ =	swait.ge [sflag:s7], $0x1000  }
0x123: {  	[sflag:s7] =	ssyncset.done $0x0  }
0x124: {  	s1 =	rddreg [dreg:$0x10];
	[sflag:s7] =	ssyncadd.s32 $0xFFFFF000  }
0x125: {  	[hbm4b:s1+s6] =	stream.linear.scatter [tilespmem:s24], [sflag:$0x3], $0x1000, $0x38;
	[tilespmem:$0x1F060] =	vst v63  }
0x126: {  	_ =	swait.ge [sflag:s7], $0x1000  }
0x127: {  	[sflag:s7] =	ssyncset.done $0x0  }
0x128: {  	[sflag:s7] =	ssyncadd.s32 $0xFFFFF000  }
0x129: {  	[tilespmem:s24], [sflag:$0x3] =	stream.linear.gather [spmem:s12], $0xE40, $0x38;
	[tilespmem:$0x1F060] =	vst v63  }
0x12a: {  	_ =	swait.ge [sflag:s7], $0xE40  }
0x12b: {  	[sflag:s7] =	ssyncset.done $0x0  }
0x12c: {  	s18 =	rddreg [dreg:$0x11];
	[sflag:s7] =	ssyncadd.s32 $0xFFFFF1C0  }
0x12d: {  	[hbm4b:s18+s6] =	stream.linear.scatter [tilespmem:s24], [sflag:$0x3], $0xE40, $0x38;
	[tilespmem:$0x1F060] =	vst v63  }
0x12e: {  	_ =	swait.ge [sflag:s7], $0xE40  }
0x12f: {  	[sflag:s7] =	ssyncset.done $0x0  }
0x130: {  	[sflag:s7] =	ssyncadd.s32 $0xFFFFF1C0  }
0x131: {  	[tilespmem:s21], [sflag:$0x3] =	stream.linear.gather [spmem:s13], $0x800, $0x38;
	[tilespmem:$0x1F060] =	vst v63  }
0x132: {  	_ =	swait.ge [sflag:s7], $0x800  }
0x133: {  	[sflag:s7] =	ssyncset.done $0x0  }
0x134: {  	s1 =	rddreg [dreg:$0x8];
	[sflag:s7] =	ssyncadd.s32 $0xFFFFF800  }
0x135: {  	[hbm4b:s1+s6] =	stream.linear.scatter [tilespmem:s21], [sflag:$0x3], $0x800, $0x38;
	[tilespmem:$0x1F060] =	vst v63  }
0x136: {  	_ =	swait.ge [sflag:s7], $0x800  }
0x137: {  	[sflag:s7] =	ssyncset.done $0x0  }
0x138: {  	[sflag:s7] =	ssyncadd.s32 $0xFFFFF800  }
0x139: {  	[tilespmem:s21], [sflag:$0x3] =	stream.linear.gather [spmem:s14], $0x800, $0x38;
	[tilespmem:$0x1F060] =	vst v63  }
0x13a: {  	_ =	swait.ge [sflag:s7], $0x800  }
0x13b: {  	[sflag:s7] =	ssyncset.done $0x0  }
0x13c: {  	s18 =	rddreg [dreg:$0x9];
	[sflag:s7] =	ssyncadd.s32 $0xFFFFF800  }
0x13d: {  	[hbm4b:s18+s6] =	stream.linear.scatter [tilespmem:s21], [sflag:$0x3], $0x800, $0x38;
	[tilespmem:$0x1F060] =	vst v63  }
0x13e: {  	_ =	swait.ge [sflag:s7], $0x800  }
0x13f: {  	[sflag:s7] =	ssyncset.done $0x0  }
0x140: {  	[sflag:s7] =	ssyncadd.s32 $0xFFFFF800  }
0x141: {  	[tilespmem:s21], [sflag:$0x3] =	stream.linear.gather [spmem:s15], $0x800, $0x38;
	[tilespmem:$0x1F060] =	vst v63  }
0x142: {  	_ =	swait.ge [sflag:s7], $0x800  }
0x143: {  	[sflag:s7] =	ssyncset.done $0x0  }
0x144: {  	s1 =	rddreg [dreg:$0xa];
	[sflag:s7] =	ssyncadd.s32 $0xFFFFF800  }
0x145: {  	[hbm4b:s1+s6] =	stream.linear.scatter [tilespmem:s21], [sflag:$0x3], $0x800, $0x38;
	[tilespmem:$0x1F060] =	vst v63  }
0x146: {  	_ =	swait.ge [sflag:s7], $0x800  }
0x147: {  	[sflag:s7] =	ssyncset.done $0x0  }
0x148: {  	[sflag:s7] =	ssyncadd.s32 $0xFFFFF800  }
0x149: {  	[tilespmem:s21], [sflag:$0x3] =	stream.linear.gather [spmem:s16], $0x800, $0x38;
	[tilespmem:$0x1F060] =	vst v63  }
0x14a: {  	_ =	swait.ge [sflag:s7], $0x800  }
0x14b: {  	[sflag:s7] =	ssyncset.done $0x0  }
0x14c: {  	s18 =	rddreg [dreg:$0xb];
	[sflag:s7] =	ssyncadd.s32 $0xFFFFF800  }
0x14d: {  	[hbm4b:s18+s6] =	stream.linear.scatter [tilespmem:s21], [sflag:$0x3], $0x800, $0x38;
	[tilespmem:$0x1F060] =	vst v63  }
0x14e: {  	_ =	swait.ge [sflag:s7], $0x800  }
0x14f: {  	[sflag:s7] =	ssyncset.done $0x0  }
0x150: {  	[sflag:s7] =	ssyncadd.s32 $0xFFFFF800  }
0x151: {  	[tilespmem:s21], [sflag:$0x3] =	stream.linear.gather [spmem:s17], $0x720, $0x38;
	[tilespmem:$0x1F060] =	vst v63  }
0x152: {  	_ =	swait.ge [sflag:s7], $0x720  }
0x153: {  	[sflag:s7] =	ssyncset.done $0x0  }
0x154: {  	s1 =	rddreg [dreg:$0xc];
	[sflag:s7] =	ssyncadd.s32 $0xFFFFF8E0  }
0x155: {  	[hbm4b:s1+s6] =	stream.linear.scatter [tilespmem:s21], [sflag:$0x3], $0x720, $0x38;
	[tilespmem:$0x1F060] =	vst v63  }
0x156: {  	_ =	swait.ge [sflag:s7], $0x720  }
0x157: {  	[sflag:s7] =	ssyncset.done $0x0  }
0x158: {  	[sflag:s7] =	ssyncadd.s32 $0xFFFFF8E0  }
0x159: {  	[bflag:$0x0] =	sbarrier.arrive $0xFFFF  }
0x15a: {  	[spmem:s8] =	stream.linear.scatter [tilespmem:s19], [sflag:$0x3], $0x1000, $0x38;
	[tilespmem:$0x1F060] =	vst v63  }
0x15b: {  	_ =	swait.ge [sflag:s7], $0x1000  }
0x15c: {  	[sflag:s7] =	ssyncset.done $0x0  }
0x15d: {  	[sflag:s7] =	ssyncadd.s32 $0xFFFFF000  }
0x15e: {  	[spmem:s9] =	stream.linear.scatter [tilespmem:s19], [sflag:$0x3], $0x1000, $0x38;
	[tilespmem:$0x1F060] =	vst v63  }
0x15f: {  	_ =	swait.ge [sflag:s7], $0x1000  }
0x160: {  	[sflag:s7] =	ssyncset.done $0x0  }
0x161: {  	[sflag:s7] =	ssyncadd.s32 $0xFFFFF000  }
0x162: {  	[spmem:s10] =	stream.linear.scatter [tilespmem:s19], [sflag:$0x3], $0x1000, $0x38;
	[tilespmem:$0x1F060] =	vst v63  }
0x163: {  	_ =	swait.ge [sflag:s7], $0x1000  }
0x164: {  	[sflag:s7] =	ssyncset.done $0x0  }
0x165: {  	[sflag:s7] =	ssyncadd.s32 $0xFFFFF000  }
0x166: {  	[spmem:s11] =	stream.linear.scatter [tilespmem:s19], [sflag:$0x3], $0x1000, $0x38;
	[tilespmem:$0x1F060] =	vst v63  }
0x167: {  	_ =	swait.ge [sflag:s7], $0x1000  }
0x168: {  	[sflag:s7] =	ssyncset.done $0x0  }
0x169: {  	[sflag:s7] =	ssyncadd.s32 $0xFFFFF000  }
0x16a: {  	[spmem:s12] =	stream.linear.scatter [tilespmem:s19], [sflag:$0x3], $0xE40, $0x38;
	[tilespmem:$0x1F060] =	vst v63  }
0x16b: {  	_ =	swait.ge [sflag:s7], $0xE40  }
0x16c: {  	[sflag:s7] =	ssyncset.done $0x0  }
0x16d: {  	[sflag:s7] =	ssyncadd.s32 $0xFFFFF1C0  }
0x16e: {  	[bflag:$0x0] =	sbarrier.arrive $0xFFFF  }
0x16f: {  	v4 =	vld [tilespmem:$0x0]  }
0x170: {  	v5 =	vld [tilespmem:$0x10]  }
0x171: {  	v6 =	vld [tilespmem:$0x20]  }
0x172: {  	v7 =	vld [tilespmem:$0x30]  }
0x173: {  	v8 =	vld [tilespmem:$0x40]  }
0x174: {  	v9 =	vld [tilespmem:$0x50];
	v4 =	vadd.s32 v1, v4  }
0x175: {  	[tilespmem:$0x13A00] =	vst v4;
	v4 =	vadd.s32 v1, v5;
	v5 =	vld [tilespmem:$0x60]  }
0x176: {  	v63 =	vld [tilespmem:$0x70];
	[tilespmem:$0x13A10] =	vst v4;
	v4 =	vadd.s32 v1, v6  }
0x177: {  	[tilespmem:$0x13A20] =	vst v4;
	v4 =	vadd.s32 v1, v7  }
0x178: {  	[tilespmem:$0x13A30] =	vst v4;
	v4 =	vadd.s32 v1, v8  }
0x179: {  	[tilespmem:$0x13A40] =	vst v4;
	v4 =	vadd.s32 v1, v9  }
0x17a: {  	[tilespmem:$0x13A50] =	vst v4;
	v4 =	vadd.s32 v1, v5  }
0x17b: {  	[tilespmem:$0x13A60] =	vst v4;
	v4 =	vadd.s32 v1, v63  }
0x17c: {  	s0 =	simm.s32 $0xF0;
	[tilespmem:$0x13A70] =	vst v4  }
0x17d: {  	[tilespmem:s24], [sflag:$0x1] =	stream.indirect.gather [hbm4b:s5+s22], $0x20, s23, s22, $0xb8;
	[tilespmem:$0x1F060] =	vst v63  }
0x17e: {  	v4 =	vld [tilespmem:s0+$0xFFFFFF90];
	_ =	sdelay $0x4  }
0x17f: {  	v4 =	vadd.s32 v1, v4  }
0x180: {  	[tilespmem:$0x13A80] =	vst v4  }
0x181: {  	v4 =	vld [tilespmem:s0+$0xFFFFFFA0];
	_ =	sdelay $0x4  }
0x182: {  	v4 =	vadd.s32 v1, v4  }
0x183: {  	[tilespmem:$0x13A90] =	vst v4  }
0x184: {  	v4 =	vld [tilespmem:s0+$0xFFFFFFB0];
	_ =	sdelay $0x4  }
0x185: {  	v4 =	vadd.s32 v1, v4  }
0x186: {  	[tilespmem:$0x13AA0] =	vst v4  }
0x187: {  	v4 =	vld [tilespmem:s0+$0xFFFFFFC0];
	_ =	sdelay $0x4  }
0x188: {  	v4 =	vadd.s32 v1, v4  }
0x189: {  	[tilespmem:$0x13AB0] =	vst v4  }
0x18a: {  	v4 =	vld [tilespmem:s0+$0xFFFFFFD0];
	_ =	sdelay $0x4  }
0x18b: {  	v4 =	vadd.s32 v1, v4  }
0x18c: {  	[tilespmem:$0x13AC0] =	vst v4  }
0x18d: {  	v4 =	vld [tilespmem:s0+$0xFFFFFFE0];
	_ =	sdelay $0x4  }
0x18e: {  	v4 =	vadd.s32 v1, v4  }
0x18f: {  	[tilespmem:$0x13AD0] =	vst v4  }
0x190: {  	v4 =	vld [tilespmem:s0+$0xFFFFFFF0];
	_ =	sdelay $0x4  }
0x191: {  	v4 =	vadd.s32 v1, v4  }
0x192: {  	[tilespmem:$0x13AE0] =	vst v4  }
0x193: {  	v4 =	vld [tilespmem:s0+$0x0];
	_ =	sdelay $0x4  }
0x194: {  	v4 =	vadd.s32 v1, v4  }
0x195: {  	[tilespmem:$0x13AF0] =	vst v4  }
0x196: {  	[tilespmem:s26], [sflag:$0x2] =	stream.indirect.gather [hbm4b:s5+s22], $0x20, s25, s22, $0xb8;
	[tilespmem:$0x1F060] =	vst v63  }
0x197: {  	_ =	swait.ge [sflag:s28], $0x1000  }
0x198: {  	[sflag:s28] =	ssyncset.done $0x0  }
0x199: {  	s1 =	simm.s32 $0x9D00;
	[sflag:s28] =	ssyncadd.s32 $0xFFFFF000  }
0x19a: {  	[spmem:s2] =	stream.indirect.scatter.add.f32 [tilespmem:s24], [sflag:$0x3], $0x20, s1, s22, $0xb8;
	[tilespmem:$0x1F060] =	vst v63  }
0x19b: {  	_ =	swait.ge [sflag:s7], $0x1000  }
0x19c: {  	s6 =	smin.u32 s6, $0x136;
	[sflag:s7] =	ssyncset.done $0x0  }
0x19d: {  	s6 =	sshll.u32 s6, $0x7;
	[sflag:s7] =	ssyncadd.s32 $0xFFFFF000  }
0x19e: {  	v4 =	vld [tilespmem:s6+$0x100];
	_ =	sdelay $0x4  }
0x19f: {  	v4 =	vadd.s32 v1, v4  }
0x1a0: {  	[tilespmem:$0x13A00] =	vst v4  }
0x1a1: {  	v4 =	vld [tilespmem:s6+$0x110];
	_ =	sdelay $0x4  }
0x1a2: {  	v4 =	vadd.s32 v1, v4  }
0x1a3: {  	[tilespmem:$0x13A10] =	vst v4  }
0x1a4: {  	v4 =	vld [tilespmem:s6+$0x120];
	_ =	sdelay $0x4  }
0x1a5: {  	v4 =	vadd.s32 v1, v4  }
0x1a6: {  	[tilespmem:$0x13A20] =	vst v4  }
0x1a7: {  	v4 =	vld [tilespmem:s6+$0x130];
	_ =	sdelay $0x4  }
0x1a8: {  	v4 =	vadd.s32 v1, v4  }
0x1a9: {  	[tilespmem:$0x13A30] =	vst v4  }
0x1aa: {  	v4 =	vld [tilespmem:s6+$0x140];
	_ =	sdelay $0x4  }
0x1ab: {  	v4 =	vadd.s32 v1, v4  }
0x1ac: {  	[tilespmem:$0x13A40] =	vst v4  }
0x1ad: {  	v4 =	vld [tilespmem:s6+$0x150];
	_ =	sdelay $0x4  }
0x1ae: {  	v4 =	vadd.s32 v1, v4  }
0x1af: {  	[tilespmem:$0x13A50] =	vst v4  }
0x1b0: {  	v4 =	vld [tilespmem:s6+$0x160];
	_ =	sdelay $0x4  }
0x1b1: {  	v4 =	vadd.s32 v1, v4  }
0x1b2: {  	[tilespmem:$0x13A60] =	vst v4  }
0x1b3: {  	v4 =	vld [tilespmem:s6+$0x170];
	_ =	sdelay $0x4  }
0x1b4: {  	v4 =	vadd.s32 v1, v4  }
0x1b5: {  	[tilespmem:$0x13A70] =	vst v4  }
0x1b6: {  	[tilespmem:s24], [sflag:$0x1] =	stream.indirect.gather [hbm4b:s5+s22], $0x20, s23, s22, $0xb8;
	[tilespmem:$0x1F060] =	vst v63  }
0x1b7: {  	_ =	swait.ge [sflag:s30], $0x1000  }
0x1b8: {  	[sflag:s30] =	ssyncset.done $0x0  }
0x1b9: {  	s18 =	simm.s32 $0x9D80;
	[sflag:s30] =	ssyncadd.s32 $0xFFFFF000  }
0x1ba: {  	[spmem:s2] =	stream.indirect.scatter.add.f32 [tilespmem:s26], [sflag:$0x3], $0x20, s18, s22, $0xb8;
	[tilespmem:$0x1F060] =	vst v63  }
0x1bb: {  	_ =	swait.ge [sflag:s7], $0x1000  }
0x1bc: {  	s6 =	simm.s32 $0x2;
	[sflag:s7] =	ssyncset.done $0x0  }
.LBB2_8:
0x1bd: {  	[sflag:s7] =	ssyncadd.s32 $0xFFFFF000;
	s1 =	sadd.s32 $0x100, s1;
	s0 =	sadd.s32 $0x100, s0  }
0x1be: {  	p0 =	sne.s32 s6, $0x138;
	s18 =	smov.u32 s6;
	s6 =	sadd.s32 $0x2, s6;
	v4 =	vld [tilespmem:s0+$0xFFFFFF90]  }
0x1bf: {  	_ =	sdelay $0x3  }
0x1c0: {  	v4 =	vadd.s32 v1, v4  }
0x1c1: {  	[tilespmem:$0x13A80] =	vst v4  }
0x1c2: {  	v4 =	vld [tilespmem:s0+$0xFFFFFFA0];
	_ =	sdelay $0x4  }
0x1c3: {  	v4 =	vadd.s32 v1, v4  }
0x1c4: {  	[tilespmem:$0x13A90] =	vst v4  }
0x1c5: {  	v4 =	vld [tilespmem:s0+$0xFFFFFFB0];
	_ =	sdelay $0x4  }
0x1c6: {  	v4 =	vadd.s32 v1, v4  }
0x1c7: {  	[tilespmem:$0x13AA0] =	vst v4  }
0x1c8: {  	v4 =	vld [tilespmem:s0+$0xFFFFFFC0];
	_ =	sdelay $0x4  }
0x1c9: {  	v4 =	vadd.s32 v1, v4  }
0x1ca: {  	[tilespmem:$0x13AB0] =	vst v4  }
0x1cb: {  	v4 =	vld [tilespmem:s0+$0xFFFFFFD0];
	_ =	sdelay $0x4  }
0x1cc: {  	v4 =	vadd.s32 v1, v4  }
0x1cd: {  	[tilespmem:$0x13AC0] =	vst v4  }
0x1ce: {  	v4 =	vld [tilespmem:s0+$0xFFFFFFE0];
	_ =	sdelay $0x4  }
0x1cf: {  	v4 =	vadd.s32 v1, v4  }
0x1d0: {  	[tilespmem:$0x13AD0] =	vst v4  }
0x1d1: {  	v4 =	vld [tilespmem:s0+$0xFFFFFFF0];
	_ =	sdelay $0x4  }
0x1d2: {  	v4 =	vadd.s32 v1, v4  }
0x1d3: {  	[tilespmem:$0x13AE0] =	vst v4  }
0x1d4: {  	v4 =	vld [tilespmem:s0+$0x0];
	_ =	sdelay $0x4  }
0x1d5: {  	v4 =	vadd.s32 v1, v4  }
0x1d6: {  	[tilespmem:$0x13AF0] =	vst v4  }
0x1d7: {  	[tilespmem:s26], [sflag:$0x2] =	stream.indirect.gather [hbm4b:s5+s22], $0x20, s25, s22, $0xb8;
	[tilespmem:$0x1F060] =	vst v63  }
0x1d8: {  	_ =	swait.ge [sflag:s28], $0x1000  }
0x1d9: {  	[sflag:s28] =	ssyncset.done $0x0  }
0x1da: {  	[sflag:s28] =	ssyncadd.s32 $0xFFFFF000  }
0x1db: {  	[spmem:s2] =	stream.indirect.scatter.add.f32 [tilespmem:s24], [sflag:$0x3], $0x20, s1, s22, $0xb8;
	[tilespmem:$0x1F060] =	vst v63  }
0x1dc: {  	_ =	swait.ge [sflag:s7], $0x1000  }
0x1dd: {  	s18 =	smin.u32 s18, $0x136;
	[sflag:s7] =	ssyncset.done $0x0  }
0x1de: {  	s18 =	sshll.u32 s18, $0x7;
	[sflag:s7] =	ssyncadd.s32 $0xFFFFF000  }
0x1df: {  	v4 =	vld [tilespmem:s18+$0x100];
	_ =	sdelay $0x4  }
0x1e0: {  	v4 =	vadd.s32 v1, v4  }
0x1e1: {  	[tilespmem:$0x13A00] =	vst v4  }
0x1e2: {  	v4 =	vld [tilespmem:s18+$0x110];
	_ =	sdelay $0x4  }
0x1e3: {  	v4 =	vadd.s32 v1, v4  }
0x1e4: {  	[tilespmem:$0x13A10] =	vst v4  }
0x1e5: {  	v4 =	vld [tilespmem:s18+$0x120];
	_ =	sdelay $0x4  }
0x1e6: {  	v4 =	vadd.s32 v1, v4  }
0x1e7: {  	[tilespmem:$0x13A20] =	vst v4  }
0x1e8: {  	v4 =	vld [tilespmem:s18+$0x130];
	_ =	sdelay $0x4  }
0x1e9: {  	v4 =	vadd.s32 v1, v4  }
0x1ea: {  	[tilespmem:$0x13A30] =	vst v4  }
0x1eb: {  	v4 =	vld [tilespmem:s18+$0x140];
	_ =	sdelay $0x4  }
0x1ec: {  	v4 =	vadd.s32 v1, v4  }
0x1ed: {  	[tilespmem:$0x13A40] =	vst v4  }
0x1ee: {  	v4 =	vld [tilespmem:s18+$0x150];
	_ =	sdelay $0x4  }
0x1ef: {  	v4 =	vadd.s32 v1, v4  }
0x1f0: {  	[tilespmem:$0x13A50] =	vst v4  }
0x1f1: {  	v4 =	vld [tilespmem:s18+$0x160];
	_ =	sdelay $0x4  }
0x1f2: {  	v4 =	vadd.s32 v1, v4  }
0x1f3: {  	[tilespmem:$0x13A60] =	vst v4  }
0x1f4: {  	v4 =	vld [tilespmem:s18+$0x170];
	_ =	sdelay $0x4  }
0x1f5: {  	v4 =	vadd.s32 v1, v4  }
0x1f6: {  	[tilespmem:$0x13A70] =	vst v4  }
0x1f7: {  	[tilespmem:s24], [sflag:$0x1] =	stream.indirect.gather [hbm4b:s5+s22], $0x20, s23, s22, $0xb8;
	[tilespmem:$0x1F060] =	vst v63  }
0x1f8: {  	_ =	swait.ge [sflag:s30], $0x1000  }
.Ltmp3:
0x1f9: {  	[sflag:s30] =	ssyncset.done $0x0;
	(pc) =	sbr.rel @p0 .LBB2_8-.Ltmp3, $4  }
0x1fa: {  	s18 =	sadd.s32 $0x80, s1;
	[sflag:s30] =	ssyncadd.s32 $0xFFFFF000  }
0x1fb: {  	[spmem:s2] =	stream.indirect.scatter.add.f32 [tilespmem:s26], [sflag:$0x3], $0x20, s18, s22, $0xb8;
	[tilespmem:$0x1F060] =	vst v63  }
0x1fc: {  	_ =	swait.ge [sflag:s7], $0x1000  }
0x1fd: {  	[sflag:s7] =	ssyncset.done $0x0  }
0x1fe: {  	[sflag:s7] =	ssyncadd.s32 $0xFFFFF000  }
0x1ff: {  	_ =	swait.ge [sflag:s28], $0x1000  }
0x200: {  	[sflag:s28] =	ssyncset.done $0x0  }
0x201: {  	[sflag:s28] =	ssyncadd.s32 $0xFFFFF000  }
0x202: {  	[bflag:$0x0] =	sbarrier.arrive $0xFFFF  }
0x203: {  	[tilespmem:s24], [sflag:$0x3] =	stream.linear.gather [spmem:s8], $0x1000, $0x38;
	[tilespmem:$0x1F060] =	vst v63  }
0x204: {  	_ =	swait.ge [sflag:s7], $0x1000  }
0x205: {  	[sflag:s7] =	ssyncset.done $0x0  }
0x206: {  	[sflag:s7] =	ssyncadd.s32 $0xFFFFF000  }
0x207: {  	[hbm4b:s20+s4] =	stream.linear.scatter [tilespmem:s24], [sflag:$0x3], $0x1000, $0x38;
	[tilespmem:$0x1F060] =	vst v63  }
0x208: {  	_ =	swait.ge [sflag:s7], $0x1000  }
0x209: {  	[sflag:s7] =	ssyncset.done $0x0  }
0x20a: {  	[sflag:s7] =	ssyncadd.s32 $0xFFFFF000  }
0x20b: {  	[tilespmem:s24], [sflag:$0x3] =	stream.linear.gather [spmem:s9], $0x1000, $0x38;
	[tilespmem:$0x1F060] =	vst v63  }
0x20c: {  	_ =	swait.ge [sflag:s7], $0x1000  }
0x20d: {  	[sflag:s7] =	ssyncset.done $0x0  }
0x20e: {  	s0 =	rddreg [dreg:$0x12];
	[sflag:s7] =	ssyncadd.s32 $0xFFFFF000  }
0x20f: {  	[hbm4b:s0+s4] =	stream.linear.scatter [tilespmem:s24], [sflag:$0x3], $0x1000, $0x38;
	[tilespmem:$0x1F060] =	vst v63  }
0x210: {  	_ =	swait.ge [sflag:s7], $0x1000  }
0x211: {  	[sflag:s7] =	ssyncset.done $0x0  }
0x212: {  	[sflag:s7] =	ssyncadd.s32 $0xFFFFF000  }
0x213: {  	[tilespmem:s24], [sflag:$0x3] =	stream.linear.gather [spmem:s10], $0x1000, $0x38;
	[tilespmem:$0x1F060] =	vst v63  }
0x214: {  	_ =	swait.ge [sflag:s7], $0x1000  }
0x215: {  	[sflag:s7] =	ssyncset.done $0x0  }
0x216: {  	s18 =	rddreg [dreg:$0x13];
	[sflag:s7] =	ssyncadd.s32 $0xFFFFF000  }
0x217: {  	[hbm4b:s18+s4] =	stream.linear.scatter [tilespmem:s24], [sflag:$0x3], $0x1000, $0x38;
	[tilespmem:$0x1F060] =	vst v63  }
0x218: {  	_ =	swait.ge [sflag:s7], $0x1000  }
0x219: {  	[sflag:s7] =	ssyncset.done $0x0  }
0x21a: {  	[sflag:s7] =	ssyncadd.s32 $0xFFFFF000  }
0x21b: {  	[tilespmem:s24], [sflag:$0x3] =	stream.linear.gather [spmem:s11], $0x1000, $0x38;
	[tilespmem:$0x1F060] =	vst v63  }
0x21c: {  	_ =	swait.ge [sflag:s7], $0x1000  }
0x21d: {  	[sflag:s7] =	ssyncset.done $0x0  }
0x21e: {  	s1 =	rddreg [dreg:$0x14];
	[sflag:s7] =	ssyncadd.s32 $0xFFFFF000  }
0x21f: {  	[hbm4b:s1+s4] =	stream.linear.scatter [tilespmem:s24], [sflag:$0x3], $0x1000, $0x38;
	[tilespmem:$0x1F060] =	vst v63  }
0x220: {  	_ =	swait.ge [sflag:s7], $0x1000  }
0x221: {  	[sflag:s7] =	ssyncset.done $0x0  }
0x222: {  	[sflag:s7] =	ssyncadd.s32 $0xFFFFF000  }
0x223: {  	[tilespmem:s24], [sflag:$0x3] =	stream.linear.gather [spmem:s12], $0xE40, $0x38;
	[tilespmem:$0x1F060] =	vst v63  }
0x224: {  	_ =	swait.ge [sflag:s7], $0xE40  }
0x225: {  	[sflag:s7] =	ssyncset.done $0x0  }
0x226: {  	s6 =	rddreg [dreg:$0x15];
	[sflag:s7] =	ssyncadd.s32 $0xFFFFF1C0  }
0x227: {  	[hbm4b:s6+s4] =	stream.linear.scatter [tilespmem:s24], [sflag:$0x3], $0xE40, $0x38;
	[tilespmem:$0x1F060] =	vst v63  }
0x228: {  	_ =	swait.ge [sflag:s7], $0xE40  }
0x229: {  	s31 =	sadd.s32 $0x1, s31;
	s18 =	rddreg [dreg:$0xd]  }
0x22a: {  	p0 =	sne.s32 s31, s18  }
.Ltmp4:
0x22b: {  	_ = 	snop;
	(pc) =	sbr.rel @p0 .LBB2_1-.Ltmp4, $3  }
0x22c: {  	[sflag:s7] =	ssyncset.done $0x0  }
0x22d: {  	[sflag:s7] =	ssyncadd.s32 $0xFFFFF1C0  }
0x22e: {  	[bflag:$0x0] =	sbarrier.arrive $0xFFFF;
	_ =	sdelay $0x1  }
0x22f: {  	_ =	sfence.sel $0x180000  }
0x230: {  	[bflag:$0x0] =	sbarrier.arrive $0xFFFF  }
0x231: {  	_ =	strace $0x90000047  }
0x232: {  	s0 =	stileid.u32;
	[bflag:$0x2] =	sbarrier.arrive $0xFFFF  }
0x233: {  	p0 =	sne.s32 s0, $0x0;
	s0 =	rddreg [dreg:$0x4]  }
0x234: {  	s0 =	sadd.s32 @!p0 $0x100000, s0  }
0x235: {  	[sflag:s0] =	ssyncadd.tile.s32 @!p0 $0x1;
	_ =	shalt  }
.Lfunc_end2:
_tile_overlayer_lowered:
.L_overlay_start_2:
0x236: {  	(tag) =	ssettag $0x2  }
0x237: {  	s0 =	rddreg [dreg:$0x0];
	s2 =	stileid.u32  }
0x238: {  	s1 =	rddreg [dreg:$0x1];
	p0 =	sne.s32 s2, $0x0  }
0x239: {  	s3 =	rddreg [dreg:$0x2];
	[bflag:$0x3] =	sbarrier.arrive $0xFFFF;
	s2 =	simm.s32 @!p0 $0x1C03  }
0x23a: {  	[timem:s3], [sflag:s2] =	dma.local @!p0 [hbm:s0], s1  }
0x23b: {  	s0 =	simm.s32 @!p0 $0x3  }
0x23c: {  	_ =	swait.ge @!p0 [sflag:s0], s1  }
0x23d: {  	s1 =	ssub.s32 @!p0 $0x0, s1;
	[sflag:s0] =	ssyncset.done @!p0 $0x0  }
0x23e: {  	[sflag:s0] =	ssyncadd.s32 @!p0 s1  }
0x23f: {  	[bflag:$0x3] =	sbarrier.arrive $0xFFFF  }
0x240: {  	_ =	shalt  }

</sc_bundles>
